<compile_context>
chip_gen: v7x
topology: tpu7x:2x2x1
jax: 0.10.2.dev20260603
libtpu: 0.0.44.dev20260713+nightly
codegen_flags: <defaults>
</compile_context>

<pallas_src>
import functools

import jax
import jax.numpy as jnp
from jax import lax
from jax.experimental import pallas as pl
from jax.experimental.pallas import tpu as pltpu
from jax.experimental.pallas import tpu_sc as plsc

_NC = 2
_NS = 16
_NW = _NC * _NS
_C = 128


def _sc_degree(dst, zeros_n):
    (E,) = dst.shape
    (N,) = zeros_n.shape
    ept = E // _NW
    nfull = ept // _C
    tail = ept - nfull * _C
    assert nfull % 3 == 0

    mesh = plsc.VectorSubcoreMesh(core_axis_name="c", subcore_axis_name="s")

    @functools.partial(
        pl.kernel,
        out_type=(
            jax.ShapeDtypeStruct((N,), jnp.float32),
            jax.ShapeDtypeStruct((N,), jnp.float32),
        ),
        mesh=mesh,
        scratch_types=[
            pltpu.VMEM((_C,), jnp.int32),
            pltpu.VMEM((_C,), jnp.int32),
            pltpu.VMEM((_C,), jnp.int32),
            pltpu.VMEM((tail,), jnp.int32),
            pltpu.VMEM((_C,), jnp.float32),
            pltpu.VMEM_SHARED((N,), jnp.float32),
            pltpu.SemaphoreType.DMA,
            pltpu.SemaphoreType.DMA,
            pltpu.SemaphoreType.DMA,
        ],
    )
    def k(dst_hbm, z_hbm, out0_hbm, out1_hbm, didx0, didx1, didx2, tdidx,
          ones, acc, s0, s1, s2):
        c = lax.axis_index("c")
        s = lax.axis_index("s")
        wid = s * _NC + c
        e0 = pl.multiple_of(wid * ept, 8)
        didx = [didx0, didx1, didx2]
        ss = [s0, s1, s2]
        for i in range(_C // 16):
            ones[pl.ds(i * 16, 16)] = jnp.ones((16,), jnp.float32)

        @pl.when(s == 0)
        def _():
            pltpu.sync_copy(z_hbm, acc)

        plsc.subcore_barrier()

        def load_idx(j, b):
            base = pl.multiple_of(e0 + j * _C, 8)
            pltpu.sync_copy(dst_hbm.at[pl.ds(base, _C)], didx[b])

        def step(j, b, n):
            @pl.when(j >= 2)
            def _():
                pltpu.make_async_copy(ones, acc.at[didx[n]], ss[n]).wait()

            @pl.when(j + 1 < nfull)
            def _():
                load_idx(j + 1, n)

            pltpu.async_copy(ones, acc.at[didx[b]], ss[b], add=True)

        load_idx(0, 0)

        def body(i, carry):
            j = 3 * i
            step(j, 0, 1)
            step(j + 1, 1, 2)
            step(j + 2, 2, 0)
            return carry

        lax.fori_loop(0, nfull // 3, body, 0)
        pltpu.make_async_copy(ones, acc.at[didx[1]], ss[1]).wait()
        pltpu.make_async_copy(ones, acc.at[didx[2]], ss[2]).wait()

        if tail > 0:
            tbase = pl.multiple_of(e0 + nfull * _C, 8)
            pltpu.sync_copy(dst_hbm.at[pl.ds(tbase, tail)], tdidx)
            pltpu.sync_copy(ones.at[pl.ds(0, tail)], acc.at[tdidx], add=True)

        plsc.subcore_barrier()

        @pl.when(jnp.logical_and(s == 0, c == 0))
        def _():
            pltpu.sync_copy(acc, out0_hbm)

        @pl.when(jnp.logical_and(s == 0, c == 1))
        def _():
            pltpu.sync_copy(acc, out1_hbm)

    return k(dst, zeros_n)


def _sc_aggregate(y, src, dst, zeros_nd):
    N, D = y.shape
    (E,) = src.shape
    ept = E // _NW
    nfull = ept // _C
    tail = ept - nfull * _C
    assert nfull % 3 == 0
    rpt8 = (N // (_NS * 8)) * 8
    rem = N - _NS * rpt8

    mesh = plsc.VectorSubcoreMesh(core_axis_name="c", subcore_axis_name="s")

    @functools.partial(
        pl.kernel,
        out_type=jax.ShapeDtypeStruct((_NC, N, D), jnp.float32),
        mesh=mesh,
        scratch_types=[
            pltpu.VMEM((_C,), jnp.int32),
            pltpu.VMEM((_C,), jnp.int32),
            pltpu.VMEM((_C,), jnp.int32),
            pltpu.VMEM((_C,), jnp.int32),
            pltpu.VMEM((_C,), jnp.int32),
            pltpu.VMEM((_C,), jnp.int32),
            pltpu.VMEM((_C, D), jnp.float32),
            pltpu.VMEM((_C, D), jnp.float32),
            pltpu.VMEM((_C, D), jnp.float32),
            pltpu.VMEM((tail,), jnp.int32),
            pltpu.VMEM_SHARED((N, D), jnp.float32),
            pltpu.SemaphoreType.DMA,
            pltpu.SemaphoreType.DMA,
            pltpu.SemaphoreType.DMA,
            pltpu.SemaphoreType.DMA,
            pltpu.SemaphoreType.DMA,
            pltpu.SemaphoreType.DMA,
        ],
    )
    def k(y_hbm, src_hbm, dst_hbm, z_hbm, out_hbm,
          sidx0, sidx1, sidx2, didx0, didx1, didx2,
          rows0, rows1, rows2, tdidx, acc, g0, g1, g2, s0, s1, s2):
        c = lax.axis_index("c")
        s = lax.axis_index("s")
        wid = s * _NC + c
        e0 = pl.multiple_of(wid * ept, 8)
        sidx = [sidx0, sidx1, sidx2]
        didx = [didx0, didx1, didx2]
        rows = [rows0, rows1, rows2]
        gs = [g0, g1, g2]
        ss = [s0, s1, s2]

        @pl.when(s == 0)
        def _():
            pltpu.sync_copy(
                z_hbm.at[pl.ds(0, rpt8 + rem)], acc.at[pl.ds(0, rpt8 + rem)]
            )

        @pl.when(s > 0)
        def _():
            r0 = pl.multiple_of(rpt8 * s + rem, 8)
            pltpu.sync_copy(z_hbm.at[pl.ds(r0, rpt8)], acc.at[pl.ds(r0, rpt8)])

        plsc.subcore_barrier()

        def load_idx(j, b):
            base = pl.multiple_of(e0 + j * _C, 8)
            pltpu.sync_copy(src_hbm.at[pl.ds(base, _C)], sidx[b])
            pltpu.sync_copy(dst_hbm.at[pl.ds(base, _C)], didx[b])

        def step(j, b, n):
            @pl.when(j >= 2)
            def _():
                pltpu.make_async_copy(rows[n], acc.at[didx[n]], ss[n]).wait()

            @pl.when(j + 1 < nfull)
            def _():
                load_idx(j + 1, n)

            pltpu.make_async_copy(y_hbm.at[sidx[b]], rows[b], gs[b]).wait()

            @pl.when(j + 1 < nfull)
            def _():
                pltpu.async_copy(y_hbm.at[sidx[n]], rows[n], gs[n])

            pltpu.async_copy(rows[b], acc.at[didx[b]], ss[b], add=True)

        load_idx(0, 0)
        pltpu.async_copy(y_hbm.at[sidx0], rows0, g0)

        def body(i, carry):
            j = 3 * i
            step(j, 0, 1)
            step(j + 1, 1, 2)
            step(j + 2, 2, 0)
            return carry

        lax.fori_loop(0, nfull // 3, body, 0)
        pltpu.make_async_copy(rows[1], acc.at[didx[1]], ss[1]).wait()
        pltpu.make_async_copy(rows[2], acc.at[didx[2]], ss[2]).wait()

        if tail > 0:
            tbase = pl.multiple_of(e0 + nfull * _C, 8)
            pltpu.sync_copy(src_hbm.at[pl.ds(tbase, tail)], sidx0.at[pl.ds(0, tail)])
            pltpu.sync_copy(dst_hbm.at[pl.ds(tbase, tail)], tdidx)
            pltpu.async_copy(
                y_hbm.at[sidx0.at[pl.ds(0, tail)]], rows0.at[pl.ds(0, tail)], g0
            ).wait()
            pltpu.sync_copy(rows0.at[pl.ds(0, tail)], acc.at[tdidx], add=True)

        plsc.subcore_barrier()

        @pl.when(s == 0)
        def _():
            pltpu.sync_copy(
                acc.at[pl.ds(0, rpt8 + rem)],
                out_hbm.at[c].at[pl.ds(0, rpt8 + rem)],
            )

        @pl.when(s > 0)
        def _():
            r0 = pl.multiple_of(rpt8 * s + rem, 8)
            pltpu.sync_copy(
                acc.at[pl.ds(r0, rpt8)], out_hbm.at[c].at[pl.ds(r0, rpt8)]
            )

    return k(y, src, dst, zeros_nd)


def _tc_mm_body(x_ref, w_ref, o_ref):
    o_ref[...] = jnp.dot(
        x_ref[...], w_ref[...], preferred_element_type=jnp.float32
    )


def _tc_mm(x, W):
    N, K = x.shape
    Dh = W.shape[1]
    B = 1000
    return pl.pallas_call(
        _tc_mm_body,
        grid=(N // B,),
        in_specs=[
            pl.BlockSpec((B, K), lambda i: (i, 0)),
            pl.BlockSpec((K, Dh), lambda i: (0, 0)),
        ],
        out_specs=pl.BlockSpec((B, Dh), lambda i: (i, 0)),
        out_shape=jax.ShapeDtypeStruct((N, Dh), jnp.float32),
    )(x, W)


def _tc_scale_body(xw_ref, p0_ref, p1_ref, y_ref, dinv_ref):
    deg = p0_ref[...] + p1_ref[...] + 1.0
    dinv = lax.rsqrt(deg)
    dinv_ref[...] = dinv
    y_ref[...] = xw_ref[...] * dinv


def _tc_scale(xw, p0, p1):
    N, Dh = xw.shape
    B = 1000
    return pl.pallas_call(
        _tc_scale_body,
        grid=(N // B,),
        in_specs=[
            pl.BlockSpec((B, Dh), lambda i: (i, 0)),
            pl.BlockSpec((B, 1), lambda i: (i, 0)),
            pl.BlockSpec((B, 1), lambda i: (i, 0)),
        ],
        out_specs=[
            pl.BlockSpec((B, Dh), lambda i: (i, 0)),
            pl.BlockSpec((B, 1), lambda i: (i, 0)),
        ],
        out_shape=[
            jax.ShapeDtypeStruct((N, Dh), jnp.float32),
            jax.ShapeDtypeStruct((N, 1), jnp.float32),
        ],
    )(xw, p0, p1)


def _tc_l1_body(p0_ref, p1_ref, y_ref, dinv_ref, b_ref, u_ref):
    dinv = dinv_ref[...]
    h = dinv * (p0_ref[...] + p1_ref[...] + y_ref[...]) + b_ref[...]
    h = jnp.maximum(h, 0.0)
    u_ref[...] = h * dinv


def _tc_l1(p, y, dinv, b):
    N, D = y.shape
    B = 1000
    return pl.pallas_call(
        _tc_l1_body,
        grid=(N // B,),
        in_specs=[
            pl.BlockSpec((B, D), lambda i: (i, 0)),
            pl.BlockSpec((B, D), lambda i: (i, 0)),
            pl.BlockSpec((B, D), lambda i: (i, 0)),
            pl.BlockSpec((B, 1), lambda i: (i, 0)),
            pl.BlockSpec((1, D), lambda i: (0, 0)),
        ],
        out_specs=pl.BlockSpec((B, D), lambda i: (i, 0)),
        out_shape=jax.ShapeDtypeStruct((N, D), jnp.float32),
    )(p[0], p[1], y, dinv, b)


def _tc_l2_body(p0_ref, p1_ref, u_ref, dinv_ref, b2_ref, w2_ref, w3_ref, o_ref):
    dinv = dinv_ref[...]
    t = dinv * (p0_ref[...] + p1_ref[...] + u_ref[...])
    h2 = jnp.dot(t, w2_ref[...], preferred_element_type=jnp.float32) + b2_ref[...]
    y3 = jnp.dot(h2, w3_ref[...], preferred_element_type=jnp.float32) * dinv
    o_ref[...] = jnp.concatenate([y3, jnp.zeros_like(y3)], axis=1)


def _tc_l2(p, u, dinv, b2, W2, W3):
    N, D = u.shape
    B = 1000
    return pl.pallas_call(
        _tc_l2_body,
        grid=(N // B,),
        in_specs=[
            pl.BlockSpec((B, D), lambda i: (i, 0)),
            pl.BlockSpec((B, D), lambda i: (i, 0)),
            pl.BlockSpec((B, D), lambda i: (i, 0)),
            pl.BlockSpec((B, 1), lambda i: (i, 0)),
            pl.BlockSpec((1, W2.shape[1]), lambda i: (0, 0)),
            pl.BlockSpec(W2.shape, lambda i: (0, 0)),
            pl.BlockSpec(W3.shape, lambda i: (0, 0)),
        ],
        out_specs=pl.BlockSpec((B, D), lambda i: (i, 0)),
        out_shape=jax.ShapeDtypeStruct((N, D), jnp.float32),
    )(p[0], p[1], u, dinv, b2, W2, W3)


def _tc_l3_body(p0_ref, p1_ref, y_ref, dinv_ref, b_ref, o_ref, *, dout):
    v = dinv_ref[...] * (p0_ref[...] + p1_ref[...] + y_ref[...]) + b_ref[...]
    o_ref[...] = v[:, :dout]


def _tc_l3(p, y3p, dinv, b3, dout):
    N, D = y3p.shape
    B = 1000
    return pl.pallas_call(
        functools.partial(_tc_l3_body, dout=dout),
        grid=(N // B,),
        in_specs=[
            pl.BlockSpec((B, D), lambda i: (i, 0)),
            pl.BlockSpec((B, D), lambda i: (i, 0)),
            pl.BlockSpec((B, D), lambda i: (i, 0)),
            pl.BlockSpec((B, 1), lambda i: (i, 0)),
            pl.BlockSpec((1, D), lambda i: (0, 0)),
        ],
        out_specs=pl.BlockSpec((B, dout), lambda i: (i, 0)),
        out_shape=jax.ShapeDtypeStruct((N, dout), jnp.float32),
    )(p[0], p[1], y3p, dinv, b3)


def kernel(x, edge_index, W1, b1, W2, b2, W3, b3):
    N, _ = x.shape
    dout = W3.shape[1]
    src = edge_index[0]
    dst = edge_index[1]

    zeros_n = jnp.zeros((N,), jnp.float32)
    degp0, degp1 = _sc_degree(dst, zeros_n)
    xw1 = _tc_mm(x, W1)

    y1, dinv = _tc_scale(xw1, degp0.reshape(N, 1), degp1.reshape(N, 1))

    z128 = jnp.zeros((N, W1.shape[1]), jnp.float32)

    p1 = _sc_aggregate(y1, src, dst, z128)
    u = _tc_l1(p1, y1, dinv, b1.reshape(1, -1))
    p2 = _sc_aggregate(u, src, dst, z128)
    y3p = _tc_l2(p2, u, dinv, b2.reshape(1, -1), W2, W3)
    p3 = _sc_aggregate(y3p, src, dst, z128)
    b3p = jnp.concatenate([b3, jnp.zeros_like(b3)]).reshape(1, -1)
    out = _tc_l3(p3, y3p, dinv, b3p, dout)
    return out

# --- scband reference (transcript-rebuilt; emitter-appended) ---
"""Pipeline reference for scband-niadgcn-7232724927265 (READ-ONLY COPY).

The authoritative reference and input builder live on the scoring server;
editing this copy changes nothing except your own understanding.
"""

import jax, jax.numpy as jnp
import numpy as np

N = 10000
E = 320000
D_IN = 128
D_HID = 128
D_OUT = 64


def setup_inputs(seed: int = 0) -> dict:
    key = jax.random.key(seed)
    ks = jax.random.split(key, 8)
    x = jax.random.normal(ks[0], (N, D_IN), dtype=jnp.float32)
    edge_index = jax.random.randint(ks[1], (2, E), 0, N)
    W1 = jax.random.normal(ks[2], (D_IN, D_HID), dtype=jnp.float32) * (1.0 / np.sqrt(D_IN))
    b1 = jnp.zeros((D_HID,), dtype=jnp.float32)
    W2 = jax.random.normal(ks[3], (D_HID, D_OUT), dtype=jnp.float32) * (1.0 / np.sqrt(D_HID))
    b2 = jnp.zeros((D_OUT,), dtype=jnp.float32)
    W3 = jax.random.normal(ks[4], (D_OUT, D_OUT), dtype=jnp.float32) * (1.0 / np.sqrt(D_OUT))
    b3 = jnp.zeros((D_OUT,), dtype=jnp.float32)
    return {"x": x, "edge_index": edge_index, "W1": W1, "b1": b1, "W2": W2, "b2": b2, "W3": W3, "b3": b3}


def _gcn_layer(x, src, dst, W, b):
    # GCNConv with added self-loops and symmetric normalization:
    # out = D^{-1/2} (A + I) D^{-1/2} X W + b
    n = x.shape[0]
    sl = jnp.arange(n, dtype=src.dtype)
    s = jnp.concatenate([src, sl])
    d = jnp.concatenate([dst, sl])
    deg = jax.ops.segment_sum(jnp.ones(s.shape[0], dtype=x.dtype), d, num_segments=n)
    dinv = jnp.where(deg > 0, jax.lax.rsqrt(jnp.maximum(deg, 1e-12)), 0.0)
    norm = dinv[s] * dinv[d]
    xw = x @ W
    msgs = xw[s] * norm[:, None]
    out = jax.ops.segment_sum(msgs, d, num_segments=n)
    return out + b


def reference(x, edge_index, W1, b1, W2, b2, W3, b3):
    src = edge_index[0]
    dst = edge_index[1]
    # GCN submodule: conv1 -> relu -> dropout(eval: identity) -> conv2
    h = jax.nn.relu(_gcn_layer(x, src, dst, W1, b1))
    h = _gcn_layer(h, src, dst, W2, b2)
    # NIConv: GCN-style normalized neighbor aggregation on class logits
    out = _gcn_layer(h, src, dst, W3, b3)
    return out

if __name__ == "__main__":
    import jax
    _d = setup_inputs()
    print(jax.jit(kernel)(*tuple(_d.values())))

</pallas_src>

<mosaic_0001>
#map = affine_map<(d0, d1) -> (0, 0)>
#map1 = affine_map<(d0, d1) -> (0)>
#map2 = affine_map<(d0, d1) -> (0, 0, 0)>
module attributes {stable_mosaic.version = 14 : i64} {
  func.func @k(%arg0: i32, %arg1: i32, %arg2: memref<10000x128xf32, #tpu.memory_space<hbm>>, %arg3: memref<320000xi32, #tpu.memory_space<hbm>>, %arg4: memref<320000xi32, #tpu.memory_space<hbm>>, %arg5: memref<10000x128xf32, #tpu.memory_space<hbm>>, %arg6: memref<2x10000x128xf32, #tpu.memory_space<hbm>>, %arg7: memref<128xi32, #tpu.memory_space<vmem>>, %arg8: memref<128xi32, #tpu.memory_space<vmem>>, %arg9: memref<128xi32, #tpu.memory_space<vmem>>, %arg10: memref<128xi32, #tpu.memory_space<vmem>>, %arg11: memref<128xi32, #tpu.memory_space<vmem>>, %arg12: memref<128xi32, #tpu.memory_space<vmem>>, %arg13: memref<128x128xf32, #tpu.memory_space<vmem>>, %arg14: memref<128x128xf32, #tpu.memory_space<vmem>>, %arg15: memref<128x128xf32, #tpu.memory_space<vmem>>, %arg16: memref<16xi32, #tpu.memory_space<vmem>>, %arg17: memref<10000x128xf32, #tpu.memory_space<vmem_shared>>, %arg18: memref<!tpu.dma_semaphore, #tpu.memory_space<semaphore_mem>>, %arg19: memref<!tpu.dma_semaphore, #tpu.memory_space<semaphore_mem>>, %arg20: memref<!tpu.dma_semaphore, #tpu.memory_space<semaphore_mem>>, %arg21: memref<!tpu.dma_semaphore, #tpu.memory_space<semaphore_mem>>, %arg22: memref<!tpu.dma_semaphore, #tpu.memory_space<semaphore_mem>>, %arg23: memref<!tpu.dma_semaphore, #tpu.memory_space<semaphore_mem>>) attributes {dimension_semantics = [#tpu.dimension_semantics<core_parallel>, #tpu.dimension_semantics<subcore_parallel>], iteration_bounds = array<i64: 2, 16>, scalar_prefetch = 0 : i64, scratch_operands = 17 : i64, tpu.core_type = #tpu.core_type<sc_vector_subcore>, window_params = [{transform_indices = #map}, {transform_indices = #map1}, {transform_indices = #map1}, {transform_indices = #map}, {transform_indices = #map2}]} {
    %mul3A = arith.constant 2 : i32
    %mul3A_0 = arith.muli %arg1, %mul3A : i32
    %add3A = arith.addi %mul3A_0, %arg0 : i32
    %mul3A_1 = arith.constant 10000 : i32
    %mul3A_2 = arith.muli %add3A, %mul3A_1 : i32
    %multiple_of3A = tpu.assume_multiple %mul3A_2, 8 : i32
    %eq3A = arith.constant 0 : i32
    %eq3A_3 = arith.cmpi eq, %arg1, %eq3A : i32
    %convert_element_type3A = arith.extui %eq3A_3 : i1 to i32
    %cond3A = arith.constant 0 : i32
    %cond3A_4 = arith.cmpi ne, %convert_element_type3A, %cond3A : i32
    scf.if %cond3A_4 {
      "tpu.region"() ({
        %run_scoped3A = tpu.sem_alloc : memref<!tpu.dma_semaphore, #tpu.memory_space<semaphore_mem>>
        %dma_start3A_54 = arith.constant 0 : i32
        %dma_start3A_55 = arith.constant 0 : i32
        %dma_start3A_56 = tpu.memref_slice %arg17[%dma_start3A_54, %dma_start3A_55] : memref<10000x128xf32, #tpu.memory_space<vmem_shared>> -> memref<640x128xf32, #tpu.memory_space<vmem_shared>>
        %dma_start3A_57 = arith.constant 0 : i32
        %dma_start3A_58 = arith.constant 0 : i32
        %dma_start3A_59 = tpu.memref_slice %arg5[%dma_start3A_57, %dma_start3A_58] : memref<10000x128xf32, #tpu.memory_space<hbm>> -> memref<640x128xf32, #tpu.memory_space<hbm>>
        tpu.enqueue_dma source(%dma_start3A_59 : memref<640x128xf32, #tpu.memory_space<hbm>>) target(%dma_start3A_56 : memref<640x128xf32, #tpu.memory_space<vmem_shared>>) target_semaphore(%run_scoped3A : memref<!tpu.dma_semaphore, #tpu.memory_space<semaphore_mem>>)
        %dma_wait3A_60 = arith.constant 0 : i32
        %dma_wait3A_61 = arith.constant 0 : i32
        %dma_wait3A_62 = tpu.memref_slice %arg17[%dma_wait3A_60, %dma_wait3A_61] : memref<10000x128xf32, #tpu.memory_space<vmem_shared>> -> memref<640x128xf32, #tpu.memory_space<vmem_shared>>
        %dma_wait3A_63 = arith.constant 0 : i32
        %dma_wait3A_64 = arith.constant 0 : i32
        %dma_wait3A_65 = tpu.memref_slice %arg5[%dma_wait3A_63, %dma_wait3A_64] : memref<10000x128xf32, #tpu.memory_space<hbm>> -> memref<640x128xf32, #tpu.memory_space<hbm>>
        tpu.wait_dma2 semaphore(%run_scoped3A : memref<!tpu.dma_semaphore, #tpu.memory_space<semaphore_mem>>) src(%dma_wait3A_65 : memref<640x128xf32, #tpu.memory_space<hbm>>) dst(%dma_wait3A_62 : memref<640x128xf32, #tpu.memory_space<vmem_shared>>)
        tpu.yield
      }) : () -> ()
    } else {
    }
    %gt3A = arith.constant 0 : i32
    %gt3A_5 = arith.cmpi sgt, %arg1, %gt3A : i32
    %convert_element_type3A_6 = arith.extui %gt3A_5 : i1 to i32
    %cond3A_7 = arith.constant 0 : i32
    %cond3A_8 = arith.cmpi ne, %convert_element_type3A_6, %cond3A_7 : i32
    scf.if %cond3A_8 {
      %mul3A_54 = arith.constant 624 : i32
      %mul3A_55 = arith.muli %mul3A_54, %arg1 : i32
      %add3A_56 = arith.constant 16 : i32
      %add3A_57 = arith.addi %mul3A_55, %add3A_56 : i32
      %multiple_of3A_58 = tpu.assume_multiple %add3A_57, 8 : i32
      "tpu.region"() ({
        %run_scoped3A = tpu.sem_alloc : memref<!tpu.dma_semaphore, #tpu.memory_space<semaphore_mem>>
        %dma_start3A_59 = arith.constant 0 : i32
        %dma_start3A_60 = tpu.memref_slice %arg17[%multiple_of3A_58, %dma_start3A_59] : memref<10000x128xf32, #tpu.memory_space<vmem_shared>> -> memref<624x128xf32, #tpu.memory_space<vmem_shared>>
        %dma_start3A_61 = arith.constant 0 : i32
        %dma_start3A_62 = tpu.memref_slice %arg5[%multiple_of3A_58, %dma_start3A_61] : memref<10000x128xf32, #tpu.memory_space<hbm>> -> memref<624x128xf32, #tpu.memory_space<hbm>>
        tpu.enqueue_dma source(%dma_start3A_62 : memref<624x128xf32, #tpu.memory_space<hbm>>) target(%dma_start3A_60 : memref<624x128xf32, #tpu.memory_space<vmem_shared>>) target_semaphore(%run_scoped3A : memref<!tpu.dma_semaphore, #tpu.memory_space<semaphore_mem>>)
        %dma_wait3A_63 = arith.constant 0 : i32
        %dma_wait3A_64 = tpu.memref_slice %arg17[%multiple_of3A_58, %dma_wait3A_63] : memref<10000x128xf32, #tpu.memory_space<vmem_shared>> -> memref<624x128xf32, #tpu.memory_space<vmem_shared>>
        %dma_wait3A_65 = arith.constant 0 : i32
        %dma_wait3A_66 = tpu.memref_slice %arg5[%multiple_of3A_58, %dma_wait3A_65] : memref<10000x128xf32, #tpu.memory_space<hbm>> -> memref<624x128xf32, #tpu.memory_space<hbm>>
        tpu.wait_dma2 semaphore(%run_scoped3A : memref<!tpu.dma_semaphore, #tpu.memory_space<semaphore_mem>>) src(%dma_wait3A_66 : memref<624x128xf32, #tpu.memory_space<hbm>>) dst(%dma_wait3A_64 : memref<624x128xf32, #tpu.memory_space<vmem_shared>>)
        tpu.yield
      }) : () -> ()
    } else {
    }
    %barrier3A = arith.constant 0 : index
    tpu.barrier barrier_id(%barrier3A)
    %add3A_9 = arith.constant 0 : i32
    %add3A_10 = arith.addi %multiple_of3A, %add3A_9 : i32
    %multiple_of3A_11 = tpu.assume_multiple %add3A_10, 8 : i32
    "tpu.region"() ({
      %run_scoped3A = tpu.sem_alloc : memref<!tpu.dma_semaphore, #tpu.memory_space<semaphore_mem>>
      %dma_start3A_54 = tpu.memref_slice %arg3[%multiple_of3A_11] : memref<320000xi32, #tpu.memory_space<hbm>> -> memref<128xi32, #tpu.memory_space<hbm>>
      %dma_start3A_55 = tpu.memref_slice %arg3[%multiple_of3A_11] : memref<320000xi32, #tpu.memory_space<hbm>> -> memref<128xi32, #tpu.memory_space<hbm>>
      tpu.enqueue_dma source(%dma_start3A_55 : memref<128xi32, #tpu.memory_space<hbm>>) target(%arg7 : memref<128xi32, #tpu.memory_space<vmem>>) target_semaphore(%run_scoped3A : memref<!tpu.dma_semaphore, #tpu.memory_space<semaphore_mem>>)
      %dma_wait3A_56 = tpu.memref_slice %arg3[%multiple_of3A_11] : memref<320000xi32, #tpu.memory_space<hbm>> -> memref<128xi32, #tpu.memory_space<hbm>>
      %dma_wait3A_57 = tpu.memref_slice %arg3[%multiple_of3A_11] : memref<320000xi32, #tpu.memory_space<hbm>> -> memref<128xi32, #tpu.memory_space<hbm>>
      tpu.wait_dma2 semaphore(%run_scoped3A : memref<!tpu.dma_semaphore, #tpu.memory_space<semaphore_mem>>) src(%dma_wait3A_57 : memref<128xi32, #tpu.memory_space<hbm>>) dst(%arg7 : memref<128xi32, #tpu.memory_space<vmem>>)
      tpu.yield
    }) : () -> ()
    "tpu.region"() ({
      %run_scoped3A = tpu.sem_alloc : memref<!tpu.dma_semaphore, #tpu.memory_space<semaphore_mem>>
      %dma_start3A_54 = tpu.memref_slice %arg4[%multiple_of3A_11] : memref<320000xi32, #tpu.memory_space<hbm>> -> memref<128xi32, #tpu.memory_space<hbm>>
      %dma_start3A_55 = tpu.memref_slice %arg4[%multiple_of3A_11] : memref<320000xi32, #tpu.memory_space<hbm>> -> memref<128xi32, #tpu.memory_space<hbm>>
      tpu.enqueue_dma source(%dma_start3A_55 : memref<128xi32, #tpu.memory_space<hbm>>) target(%arg10 : memref<128xi32, #tpu.memory_space<vmem>>) target_semaphore(%run_scoped3A : memref<!tpu.dma_semaphore, #tpu.memory_space<semaphore_mem>>)
      %dma_wait3A_56 = tpu.memref_slice %arg4[%multiple_of3A_11] : memref<320000xi32, #tpu.memory_space<hbm>> -> memref<128xi32, #tpu.memory_space<hbm>>
      %dma_wait3A_57 = tpu.memref_slice %arg4[%multiple_of3A_11] : memref<320000xi32, #tpu.memory_space<hbm>> -> memref<128xi32, #tpu.memory_space<hbm>>
      tpu.wait_dma2 semaphore(%run_scoped3A : memref<!tpu.dma_semaphore, #tpu.memory_space<semaphore_mem>>) src(%dma_wait3A_57 : memref<128xi32, #tpu.memory_space<hbm>>) dst(%arg10 : memref<128xi32, #tpu.memory_space<vmem>>)
      tpu.yield
    }) : () -> ()
    %dma_start3A = arith.constant 0 : i32
    %dma_start3A_12 = arith.constant 0 : i32
    %dma_start3A_13 = tpu.memref_slice %arg2[%dma_start3A, %dma_start3A_12] : memref<10000x128xf32, #tpu.memory_space<hbm>> -> memref<10000x128xf32, #tpu.memory_space<hbm>>
    tpu.enqueue_indirect_dma source(%dma_start3A_13 : memref<10000x128xf32, #tpu.memory_space<hbm>>) target(%arg13 : memref<128x128xf32, #tpu.memory_space<vmem>>) offsets(%arg7 : memref<128xi32, #tpu.memory_space<vmem>>) semaphore(%arg18 : memref<!tpu.dma_semaphore, #tpu.memory_space<semaphore_mem>>)
    %scan3A = arith.constant 0 : i32
    %scan3A_14 = arith.constant 0 : i32
    %scan3A_15 = arith.constant 26 : i32
    %scan3A_16 = arith.addi %scan3A_14, %scan3A_15 : i32
    %scan3A_17 = arith.constant 1 : i32
    scf.for %scan3A_54 = %scan3A_14 to %scan3A_16 step %scan3A_17  : i32 {
      %mul3A_55 = arith.constant 3 : i32
      %mul3A_56 = arith.muli %mul3A_55, %scan3A_54 : i32
      %ge3A = arith.constant 2 : i32
      %ge3A_57 = arith.cmpi sge, %mul3A_56, %ge3A : i32
      %convert_element_type3A_58 = arith.extui %ge3A_57 : i1 to i32
      %cond3A_59 = arith.constant 0 : i32
      %cond3A_60 = arith.cmpi ne, %convert_element_type3A_58, %cond3A_59 : i32
      scf.if %cond3A_60 {
        %dma_wait3A_134 = arith.constant 0 : i32
        %dma_wait3A_135 = arith.constant 0 : i32
        %dma_wait3A_136 = tpu.memref_slice %arg17[%dma_wait3A_134, %dma_wait3A_135] : memref<10000x128xf32, #tpu.memory_space<vmem_shared>> -> memref<10000x128xf32, #tpu.memory_space<vmem_shared>>
        tpu.wait_indirect_dma semaphore(%arg22 : memref<!tpu.dma_semaphore, #tpu.memory_space<semaphore_mem>>) src(%arg14 : memref<128x128xf32, #tpu.memory_space<vmem>>) dst(%dma_wait3A_136 : memref<10000x128xf32, #tpu.memory_space<vmem_shared>>)
      } else {
      }
      %add3A_61 = arith.constant 1 : i32
      %add3A_62 = arith.addi %mul3A_56, %add3A_61 : i32
      %lt3A = arith.constant 78 : i32
      %lt3A_63 = arith.cmpi slt, %add3A_62, %lt3A : i32
      %convert_element_type3A_64 = arith.extui %lt3A_63 : i1 to i32
      %cond3A_65 = arith.constant 0 : i32
      %cond3A_66 = arith.cmpi ne, %convert_element_type3A_64, %cond3A_65 : i32
      scf.if %cond3A_66 {
        %add3A_134 = arith.constant 1 : i32
        %add3A_135 = arith.addi %mul3A_56, %add3A_134 : i32
        %mul3A_136 = arith.constant 128 : i32
        %mul3A_137 = arith.muli %add3A_135, %mul3A_136 : i32
        %add3A_138 = arith.addi %multiple_of3A, %mul3A_137 : i32
        %multiple_of3A_139 = tpu.assume_multiple %add3A_138, 8 : i32
        "tpu.region"() ({
          %run_scoped3A = tpu.sem_alloc : memref<!tpu.dma_semaphore, #tpu.memory_space<semaphore_mem>>
          %dma_start3A_140 = tpu.memref_slice %arg3[%multiple_of3A_139] : memref<320000xi32, #tpu.memory_space<hbm>> -> memref<128xi32, #tpu.memory_space<hbm>>
          %dma_start3A_141 = tpu.memref_slice %arg3[%multiple_of3A_139] : memref<320000xi32, #tpu.memory_space<hbm>> -> memref<128xi32, #tpu.memory_space<hbm>>
          tpu.enqueue_dma source(%dma_start3A_141 : memref<128xi32, #tpu.memory_space<hbm>>) target(%arg8 : memref<128xi32, #tpu.memory_space<vmem>>) target_semaphore(%run_scoped3A : memref<!tpu.dma_semaphore, #tpu.memory_space<semaphore_mem>>)
          %dma_wait3A_142 = tpu.memref_slice %arg3[%multiple_of3A_139] : memref<320000xi32, #tpu.memory_space<hbm>> -> memref<128xi32, #tpu.memory_space<hbm>>
          %dma_wait3A_143 = tpu.memref_slice %arg3[%multiple_of3A_139] : memref<320000xi32, #tpu.memory_space<hbm>> -> memref<128xi32, #tpu.memory_space<hbm>>
          tpu.wait_dma2 semaphore(%run_scoped3A : memref<!tpu.dma_semaphore, #tpu.memory_space<semaphore_mem>>) src(%dma_wait3A_143 : memref<128xi32, #tpu.memory_space<hbm>>) dst(%arg8 : memref<128xi32, #tpu.memory_space<vmem>>)
          tpu.yield
        }) : () -> ()
        "tpu.region"() ({
          %run_scoped3A = tpu.sem_alloc : memref<!tpu.dma_semaphore, #tpu.memory_space<semaphore_mem>>
          %dma_start3A_140 = tpu.memref_slice %arg4[%multiple_of3A_139] : memref<320000xi32, #tpu.memory_space<hbm>> -> memref<128xi32, #tpu.memory_space<hbm>>
          %dma_start3A_141 = tpu.memref_slice %arg4[%multiple_of3A_139] : memref<320000xi32, #tpu.memory_space<hbm>> -> memref<128xi32, #tpu.memory_space<hbm>>
          tpu.enqueue_dma source(%dma_start3A_141 : memref<128xi32, #tpu.memory_space<hbm>>) target(%arg11 : memref<128xi32, #tpu.memory_space<vmem>>) target_semaphore(%run_scoped3A : memref<!tpu.dma_semaphore, #tpu.memory_space<semaphore_mem>>)
          %dma_wait3A_142 = tpu.memref_slice %arg4[%multiple_of3A_139] : memref<320000xi32, #tpu.memory_space<hbm>> -> memref<128xi32, #tpu.memory_space<hbm>>
          %dma_wait3A_143 = tpu.memref_slice %arg4[%multiple_of3A_139] : memref<320000xi32, #tpu.memory_space<hbm>> -> memref<128xi32, #tpu.memory_space<hbm>>
          tpu.wait_dma2 semaphore(%run_scoped3A : memref<!tpu.dma_semaphore, #tpu.memory_space<semaphore_mem>>) src(%dma_wait3A_143 : memref<128xi32, #tpu.memory_space<hbm>>) dst(%arg11 : memref<128xi32, #tpu.memory_space<vmem>>)
          tpu.yield
        }) : () -> ()
      } else {
      }
      %dma_wait3A_67 = arith.constant 0 : i32
      %dma_wait3A_68 = arith.constant 0 : i32
      %dma_wait3A_69 = tpu.memref_slice %arg2[%dma_wait3A_67, %dma_wait3A_68] : memref<10000x128xf32, #tpu.memory_space<hbm>> -> memref<10000x128xf32, #tpu.memory_space<hbm>>
      tpu.wait_indirect_dma semaphore(%arg18 : memref<!tpu.dma_semaphore, #tpu.memory_space<semaphore_mem>>) src(%dma_wait3A_69 : memref<10000x128xf32, #tpu.memory_space<hbm>>) dst(%arg13 : memref<128x128xf32, #tpu.memory_space<vmem>>)
      %add3A_70 = arith.constant 1 : i32
      %add3A_71 = arith.addi %mul3A_56, %add3A_70 : i32
      %lt3A_72 = arith.constant 78 : i32
      %lt3A_73 = arith.cmpi slt, %add3A_71, %lt3A_72 : i32
      %convert_element_type3A_74 = arith.extui %lt3A_73 : i1 to i32
      %cond3A_75 = arith.constant 0 : i32
      %cond3A_76 = arith.cmpi ne, %convert_element_type3A_74, %cond3A_75 : i32
      scf.if %cond3A_76 {
        %dma_start3A_134 = arith.constant 0 : i32
        %dma_start3A_135 = arith.constant 0 : i32
        %dma_start3A_136 = tpu.memref_slice %arg2[%dma_start3A_134, %dma_start3A_135] : memref<10000x128xf32, #tpu.memory_space<hbm>> -> memref<10000x128xf32, #tpu.memory_space<hbm>>
        tpu.enqueue_indirect_dma source(%dma_start3A_136 : memref<10000x128xf32, #tpu.memory_space<hbm>>) target(%arg14 : memref<128x128xf32, #tpu.memory_space<vmem>>) offsets(%arg8 : memref<128xi32, #tpu.memory_space<vmem>>) semaphore(%arg19 : memref<!tpu.dma_semaphore, #tpu.memory_space<semaphore_mem>>)
      } else {
      }
      %dma_start3A_77 = arith.constant 0 : i32
      %dma_start3A_78 = arith.constant 0 : i32
      %dma_start3A_79 = tpu.memref_slice %arg17[%dma_start3A_77, %dma_start3A_78] : memref<10000x128xf32, #tpu.memory_space<vmem_shared>> -> memref<10000x128xf32, #tpu.memory_space<vmem_shared>>
      tpu.enqueue_indirect_dma source(%arg13 : memref<128x128xf32, #tpu.memory_space<vmem>>) target(%dma_start3A_79 : memref<10000x128xf32, #tpu.memory_space<vmem_shared>>) offsets(%arg10 : memref<128xi32, #tpu.memory_space<vmem>>) semaphore(%arg21 : memref<!tpu.dma_semaphore, #tpu.memory_space<semaphore_mem>>) {add = true}
      %add3A_80 = arith.constant 1 : i32
      %add3A_81 = arith.addi %mul3A_56, %add3A_80 : i32
      %ge3A_82 = arith.constant 2 : i32
      %ge3A_83 = arith.cmpi sge, %add3A_81, %ge3A_82 : i32
      %convert_element_type3A_84 = arith.extui %ge3A_83 : i1 to i32
      %cond3A_85 = arith.constant 0 : i32
      %cond3A_86 = arith.cmpi ne, %convert_element_type3A_84, %cond3A_85 : i32
      scf.if %cond3A_86 {
        %dma_wait3A_134 = arith.constant 0 : i32
        %dma_wait3A_135 = arith.constant 0 : i32
        %dma_wait3A_136 = tpu.memref_slice %arg17[%dma_wait3A_134, %dma_wait3A_135] : memref<10000x128xf32, #tpu.memory_space<vmem_shared>> -> memref<10000x128xf32, #tpu.memory_space<vmem_shared>>
        tpu.wait_indirect_dma semaphore(%arg23 : memref<!tpu.dma_semaphore, #tpu.memory_space<semaphore_mem>>) src(%arg15 : memref<128x128xf32, #tpu.memory_space<vmem>>) dst(%dma_wait3A_136 : memref<10000x128xf32, #tpu.memory_space<vmem_shared>>)
      } else {
      }
      %add3A_87 = arith.constant 1 : i32
      %add3A_88 = arith.addi %add3A_81, %add3A_87 : i32
      %lt3A_89 = arith.constant 78 : i32
      %lt3A_90 = arith.cmpi slt, %add3A_88, %lt3A_89 : i32
      %convert_element_type3A_91 = arith.extui %lt3A_90 : i1 to i32
      %cond3A_92 = arith.constant 0 : i32
      %cond3A_93 = arith.cmpi ne, %convert_element_type3A_91, %cond3A_92 : i32
      scf.if %cond3A_93 {
        %add3A_134 = arith.constant 1 : i32
        %add3A_135 = arith.addi %add3A_81, %add3A_134 : i32
        %mul3A_136 = arith.constant 128 : i32
        %mul3A_137 = arith.muli %add3A_135, %mul3A_136 : i32
        %add3A_138 = arith.addi %multiple_of3A, %mul3A_137 : i32
        %multiple_of3A_139 = tpu.assume_multiple %add3A_138, 8 : i32
        "tpu.region"() ({
          %run_scoped3A = tpu.sem_alloc : memref<!tpu.dma_semaphore, #tpu.memory_space<semaphore_mem>>
          %dma_start3A_140 = tpu.memref_slice %arg3[%multiple_of3A_139] : memref<320000xi32, #tpu.memory_space<hbm>> -> memref<128xi32, #tpu.memory_space<hbm>>
          %dma_start3A_141 = tpu.memref_slice %arg3[%multiple_of3A_139] : memref<320000xi32, #tpu.memory_space<hbm>> -> memref<128xi32, #tpu.memory_space<hbm>>
          tpu.enqueue_dma source(%dma_start3A_141 : memref<128xi32, #tpu.memory_space<hbm>>) target(%arg9 : memref<128xi32, #tpu.memory_space<vmem>>) target_semaphore(%run_scoped3A : memref<!tpu.dma_semaphore, #tpu.memory_space<semaphore_mem>>)
          %dma_wait3A_142 = tpu.memref_slice %arg3[%multiple_of3A_139] : memref<320000xi32, #tpu.memory_space<hbm>> -> memref<128xi32, #tpu.memory_space<hbm>>
          %dma_wait3A_143 = tpu.memref_slice %arg3[%multiple_of3A_139] : memref<320000xi32, #tpu.memory_space<hbm>> -> memref<128xi32, #tpu.memory_space<hbm>>
          tpu.wait_dma2 semaphore(%run_scoped3A : memref<!tpu.dma_semaphore, #tpu.memory_space<semaphore_mem>>) src(%dma_wait3A_143 : memref<128xi32, #tpu.memory_space<hbm>>) dst(%arg9 : memref<128xi32, #tpu.memory_space<vmem>>)
          tpu.yield
        }) : () -> ()
        "tpu.region"() ({
          %run_scoped3A = tpu.sem_alloc : memref<!tpu.dma_semaphore, #tpu.memory_space<semaphore_mem>>
          %dma_start3A_140 = tpu.memref_slice %arg4[%multiple_of3A_139] : memref<320000xi32, #tpu.memory_space<hbm>> -> memref<128xi32, #tpu.memory_space<hbm>>
          %dma_start3A_141 = tpu.memref_slice %arg4[%multiple_of3A_139] : memref<320000xi32, #tpu.memory_space<hbm>> -> memref<128xi32, #tpu.memory_space<hbm>>
          tpu.enqueue_dma source(%dma_start3A_141 : memref<128xi32, #tpu.memory_space<hbm>>) target(%arg12 : memref<128xi32, #tpu.memory_space<vmem>>) target_semaphore(%run_scoped3A : memref<!tpu.dma_semaphore, #tpu.memory_space<semaphore_mem>>)
          %dma_wait3A_142 = tpu.memref_slice %arg4[%multiple_of3A_139] : memref<320000xi32, #tpu.memory_space<hbm>> -> memref<128xi32, #tpu.memory_space<hbm>>
          %dma_wait3A_143 = tpu.memref_slice %arg4[%multiple_of3A_139] : memref<320000xi32, #tpu.memory_space<hbm>> -> memref<128xi32, #tpu.memory_space<hbm>>
          tpu.wait_dma2 semaphore(%run_scoped3A : memref<!tpu.dma_semaphore, #tpu.memory_space<semaphore_mem>>) src(%dma_wait3A_143 : memref<128xi32, #tpu.memory_space<hbm>>) dst(%arg12 : memref<128xi32, #tpu.memory_space<vmem>>)
          tpu.yield
        }) : () -> ()
      } else {
      }
      %dma_wait3A_94 = arith.constant 0 : i32
      %dma_wait3A_95 = arith.constant 0 : i32
      %dma_wait3A_96 = tpu.memref_slice %arg2[%dma_wait3A_94, %dma_wait3A_95] : memref<10000x128xf32, #tpu.memory_space<hbm>> -> memref<10000x128xf32, #tpu.memory_space<hbm>>
      tpu.wait_indirect_dma semaphore(%arg19 : memref<!tpu.dma_semaphore, #tpu.memory_space<semaphore_mem>>) src(%dma_wait3A_96 : memref<10000x128xf32, #tpu.memory_space<hbm>>) dst(%arg14 : memref<128x128xf32, #tpu.memory_space<vmem>>)
      %add3A_97 = arith.constant 1 : i32
      %add3A_98 = arith.addi %add3A_81, %add3A_97 : i32
      %lt3A_99 = arith.constant 78 : i32
      %lt3A_100 = arith.cmpi slt, %add3A_98, %lt3A_99 : i32
      %convert_element_type3A_101 = arith.extui %lt3A_100 : i1 to i32
      %cond3A_102 = arith.constant 0 : i32
      %cond3A_103 = arith.cmpi ne, %convert_element_type3A_101, %cond3A_102 : i32
      scf.if %cond3A_103 {
        %dma_start3A_134 = arith.constant 0 : i32
        %dma_start3A_135 = arith.constant 0 : i32
        %dma_start3A_136 = tpu.memref_slice %arg2[%dma_start3A_134, %dma_start3A_135] : memref<10000x128xf32, #tpu.memory_space<hbm>> -> memref<10000x128xf32, #tpu.memory_space<hbm>>
        tpu.enqueue_indirect_dma source(%dma_start3A_136 : memref<10000x128xf32, #tpu.memory_space<hbm>>) target(%arg15 : memref<128x128xf32, #tpu.memory_space<vmem>>) offsets(%arg9 : memref<128xi32, #tpu.memory_space<vmem>>) semaphore(%arg20 : memref<!tpu.dma_semaphore, #tpu.memory_space<semaphore_mem>>)
      } else {
      }
      %dma_start3A_104 = arith.constant 0 : i32
      %dma_start3A_105 = arith.constant 0 : i32
      %dma_start3A_106 = tpu.memref_slice %arg17[%dma_start3A_104, %dma_start3A_105] : memref<10000x128xf32, #tpu.memory_space<vmem_shared>> -> memref<10000x128xf32, #tpu.memory_space<vmem_shared>>
      tpu.enqueue_indirect_dma source(%arg14 : memref<128x128xf32, #tpu.memory_space<vmem>>) target(%dma_start3A_106 : memref<10000x128xf32, #tpu.memory_space<vmem_shared>>) offsets(%arg11 : memref<128xi32, #tpu.memory_space<vmem>>) semaphore(%arg22 : memref<!tpu.dma_semaphore, #tpu.memory_space<semaphore_mem>>) {add = true}
      %add3A_107 = arith.constant 2 : i32
      %add3A_108 = arith.addi %mul3A_56, %add3A_107 : i32
      %ge3A_109 = arith.constant 2 : i32
      %ge3A_110 = arith.cmpi sge, %add3A_108, %ge3A_109 : i32
      %convert_element_type3A_111 = arith.extui %ge3A_110 : i1 to i32
      %cond3A_112 = arith.constant 0 : i32
      %cond3A_113 = arith.cmpi ne, %convert_element_type3A_111, %cond3A_112 : i32
      scf.if %cond3A_113 {
        %dma_wait3A_134 = arith.constant 0 : i32
        %dma_wait3A_135 = arith.constant 0 : i32
        %dma_wait3A_136 = tpu.memref_slice %arg17[%dma_wait3A_134, %dma_wait3A_135] : memref<10000x128xf32, #tpu.memory_space<vmem_shared>> -> memref<10000x128xf32, #tpu.memory_space<vmem_shared>>
        tpu.wait_indirect_dma semaphore(%arg21 : memref<!tpu.dma_semaphore, #tpu.memory_space<semaphore_mem>>) src(%arg13 : memref<128x128xf32, #tpu.memory_space<vmem>>) dst(%dma_wait3A_136 : memref<10000x128xf32, #tpu.memory_space<vmem_shared>>)
      } else {
      }
      %add3A_114 = arith.constant 1 : i32
      %add3A_115 = arith.addi %add3A_108, %add3A_114 : i32
      %lt3A_116 = arith.constant 78 : i32
      %lt3A_117 = arith.cmpi slt, %add3A_115, %lt3A_116 : i32
      %convert_element_type3A_118 = arith.extui %lt3A_117 : i1 to i32
      %cond3A_119 = arith.constant 0 : i32
      %cond3A_120 = arith.cmpi ne, %convert_element_type3A_118, %cond3A_119 : i32
      scf.if %cond3A_120 {
        %add3A_134 = arith.constant 1 : i32
        %add3A_135 = arith.addi %add3A_108, %add3A_134 : i32
        %mul3A_136 = arith.constant 128 : i32
        %mul3A_137 = arith.muli %add3A_135, %mul3A_136 : i32
        %add3A_138 = arith.addi %multiple_of3A, %mul3A_137 : i32
        %multiple_of3A_139 = tpu.assume_multiple %add3A_138, 8 : i32
        "tpu.region"() ({
          %run_scoped3A = tpu.sem_alloc : memref<!tpu.dma_semaphore, #tpu.memory_space<semaphore_mem>>
          %dma_start3A_140 = tpu.memref_slice %arg3[%multiple_of3A_139] : memref<320000xi32, #tpu.memory_space<hbm>> -> memref<128xi32, #tpu.memory_space<hbm>>
          %dma_start3A_141 = tpu.memref_slice %arg3[%multiple_of3A_139] : memref<320000xi32, #tpu.memory_space<hbm>> -> memref<128xi32, #tpu.memory_space<hbm>>
          tpu.enqueue_dma source(%dma_start3A_141 : memref<128xi32, #tpu.memory_space<hbm>>) target(%arg7 : memref<128xi32, #tpu.memory_space<vmem>>) target_semaphore(%run_scoped3A : memref<!tpu.dma_semaphore, #tpu.memory_space<semaphore_mem>>)
          %dma_wait3A_142 = tpu.memref_slice %arg3[%multiple_of3A_139] : memref<320000xi32, #tpu.memory_space<hbm>> -> memref<128xi32, #tpu.memory_space<hbm>>
          %dma_wait3A_143 = tpu.memref_slice %arg3[%multiple_of3A_139] : memref<320000xi32, #tpu.memory_space<hbm>> -> memref<128xi32, #tpu.memory_space<hbm>>
          tpu.wait_dma2 semaphore(%run_scoped3A : memref<!tpu.dma_semaphore, #tpu.memory_space<semaphore_mem>>) src(%dma_wait3A_143 : memref<128xi32, #tpu.memory_space<hbm>>) dst(%arg7 : memref<128xi32, #tpu.memory_space<vmem>>)
          tpu.yield
        }) : () -> ()
        "tpu.region"() ({
          %run_scoped3A = tpu.sem_alloc : memref<!tpu.dma_semaphore, #tpu.memory_space<semaphore_mem>>
          %dma_start3A_140 = tpu.memref_slice %arg4[%multiple_of3A_139] : memref<320000xi32, #tpu.memory_space<hbm>> -> memref<128xi32, #tpu.memory_space<hbm>>
          %dma_start3A_141 = tpu.memref_slice %arg4[%multiple_of3A_139] : memref<320000xi32, #tpu.memory_space<hbm>> -> memref<128xi32, #tpu.memory_space<hbm>>
          tpu.enqueue_dma source(%dma_start3A_141 : memref<128xi32, #tpu.memory_space<hbm>>) target(%arg10 : memref<128xi32, #tpu.memory_space<vmem>>) target_semaphore(%run_scoped3A : memref<!tpu.dma_semaphore, #tpu.memory_space<semaphore_mem>>)
          %dma_wait3A_142 = tpu.memref_slice %arg4[%multiple_of3A_139] : memref<320000xi32, #tpu.memory_space<hbm>> -> memref<128xi32, #tpu.memory_space<hbm>>
          %dma_wait3A_143 = tpu.memref_slice %arg4[%multiple_of3A_139] : memref<320000xi32, #tpu.memory_space<hbm>> -> memref<128xi32, #tpu.memory_space<hbm>>
          tpu.wait_dma2 semaphore(%run_scoped3A : memref<!tpu.dma_semaphore, #tpu.memory_space<semaphore_mem>>) src(%dma_wait3A_143 : memref<128xi32, #tpu.memory_space<hbm>>) dst(%arg10 : memref<128xi32, #tpu.memory_space<vmem>>)
          tpu.yield
        }) : () -> ()
      } else {
      }
      %dma_wait3A_121 = arith.constant 0 : i32
      %dma_wait3A_122 = arith.constant 0 : i32
      %dma_wait3A_123 = tpu.memref_slice %arg2[%dma_wait3A_121, %dma_wait3A_122] : memref<10000x128xf32, #tpu.memory_space<hbm>> -> memref<10000x128xf32, #tpu.memory_space<hbm>>
      tpu.wait_indirect_dma semaphore(%arg20 : memref<!tpu.dma_semaphore, #tpu.memory_space<semaphore_mem>>) src(%dma_wait3A_123 : memref<10000x128xf32, #tpu.memory_space<hbm>>) dst(%arg15 : memref<128x128xf32, #tpu.memory_space<vmem>>)
      %add3A_124 = arith.constant 1 : i32
      %add3A_125 = arith.addi %add3A_108, %add3A_124 : i32
      %lt3A_126 = arith.constant 78 : i32
      %lt3A_127 = arith.cmpi slt, %add3A_125, %lt3A_126 : i32
      %convert_element_type3A_128 = arith.extui %lt3A_127 : i1 to i32
      %cond3A_129 = arith.constant 0 : i32
      %cond3A_130 = arith.cmpi ne, %convert_element_type3A_128, %cond3A_129 : i32
      scf.if %cond3A_130 {
        %dma_start3A_134 = arith.constant 0 : i32
        %dma_start3A_135 = arith.constant 0 : i32
        %dma_start3A_136 = tpu.memref_slice %arg2[%dma_start3A_134, %dma_start3A_135] : memref<10000x128xf32, #tpu.memory_space<hbm>> -> memref<10000x128xf32, #tpu.memory_space<hbm>>
        tpu.enqueue_indirect_dma source(%dma_start3A_136 : memref<10000x128xf32, #tpu.memory_space<hbm>>) target(%arg13 : memref<128x128xf32, #tpu.memory_space<vmem>>) offsets(%arg7 : memref<128xi32, #tpu.memory_space<vmem>>) semaphore(%arg18 : memref<!tpu.dma_semaphore, #tpu.memory_space<semaphore_mem>>)
      } else {
      }
      %dma_start3A_131 = arith.constant 0 : i32
      %dma_start3A_132 = arith.constant 0 : i32
      %dma_start3A_133 = tpu.memref_slice %arg17[%dma_start3A_131, %dma_start3A_132] : memref<10000x128xf32, #tpu.memory_space<vmem_shared>> -> memref<10000x128xf32, #tpu.memory_space<vmem_shared>>
      tpu.enqueue_indirect_dma source(%arg15 : memref<128x128xf32, #tpu.memory_space<vmem>>) target(%dma_start3A_133 : memref<10000x128xf32, #tpu.memory_space<vmem_shared>>) offsets(%arg12 : memref<128xi32, #tpu.memory_space<vmem>>) semaphore(%arg23 : memref<!tpu.dma_semaphore, #tpu.memory_space<semaphore_mem>>) {add = true}
    }
    %scan3A_18 = arith.constant 26 : i32
    %dma_wait3A = arith.constant 0 : i32
    %dma_wait3A_19 = arith.constant 0 : i32
    %dma_wait3A_20 = tpu.memref_slice %arg17[%dma_wait3A, %dma_wait3A_19] : memref<10000x128xf32, #tpu.memory_space<vmem_shared>> -> memref<10000x128xf32, #tpu.memory_space<vmem_shared>>
    tpu.wait_indirect_dma semaphore(%arg22 : memref<!tpu.dma_semaphore, #tpu.memory_space<semaphore_mem>>) src(%arg14 : memref<128x128xf32, #tpu.memory_space<vmem>>) dst(%dma_wait3A_20 : memref<10000x128xf32, #tpu.memory_space<vmem_shared>>)
    %dma_wait3A_21 = arith.constant 0 : i32
    %dma_wait3A_22 = arith.constant 0 : i32
    %dma_wait3A_23 = tpu.memref_slice %arg17[%dma_wait3A_21, %dma_wait3A_22] : memref<10000x128xf32, #tpu.memory_space<vmem_shared>> -> memref<10000x128xf32, #tpu.memory_space<vmem_shared>>
    tpu.wait_indirect_dma semaphore(%arg23 : memref<!tpu.dma_semaphore, #tpu.memory_space<semaphore_mem>>) src(%arg15 : memref<128x128xf32, #tpu.memory_space<vmem>>) dst(%dma_wait3A_23 : memref<10000x128xf32, #tpu.memory_space<vmem_shared>>)
    %add3A_24 = arith.constant 9984 : i32
    %add3A_25 = arith.addi %multiple_of3A, %add3A_24 : i32
    %multiple_of3A_26 = tpu.assume_multiple %add3A_25, 8 : i32
    "tpu.region"() ({
      %run_scoped3A = tpu.sem_alloc : memref<!tpu.dma_semaphore, #tpu.memory_space<semaphore_mem>>
      %dma_start3A_54 = arith.constant 0 : i32
      %dma_start3A_55 = tpu.memref_slice %arg7[%dma_start3A_54] : memref<128xi32, #tpu.memory_space<vmem>> -> memref<16xi32, #tpu.memory_space<vmem>>
      %dma_start3A_56 = tpu.memref_slice %arg3[%multiple_of3A_26] : memref<320000xi32, #tpu.memory_space<hbm>> -> memref<16xi32, #tpu.memory_space<hbm>>
      %dma_start3A_57 = arith.constant 0 : i32
      %dma_start3A_58 = tpu.memref_slice %arg7[%dma_start3A_57] : memref<128xi32, #tpu.memory_space<vmem>> -> memref<16xi32, #tpu.memory_space<vmem>>
      %dma_start3A_59 = tpu.memref_slice %arg3[%multiple_of3A_26] : memref<320000xi32, #tpu.memory_space<hbm>> -> memref<16xi32, #tpu.memory_space<hbm>>
      tpu.enqueue_dma source(%dma_start3A_59 : memref<16xi32, #tpu.memory_space<hbm>>) target(%dma_start3A_58 : memref<16xi32, #tpu.memory_space<vmem>>) target_semaphore(%run_scoped3A : memref<!tpu.dma_semaphore, #tpu.memory_space<semaphore_mem>>)
      %dma_wait3A_60 = arith.constant 0 : i32
      %dma_wait3A_61 = tpu.memref_slice %arg7[%dma_wait3A_60] : memref<128xi32, #tpu.memory_space<vmem>> -> memref<16xi32, #tpu.memory_space<vmem>>
      %dma_wait3A_62 = tpu.memref_slice %arg3[%multiple_of3A_26] : memref<320000xi32, #tpu.memory_space<hbm>> -> memref<16xi32, #tpu.memory_space<hbm>>
      %dma_wait3A_63 = arith.constant 0 : i32
      %dma_wait3A_64 = tpu.memref_slice %arg7[%dma_wait3A_63] : memref<128xi32, #tpu.memory_space<vmem>> -> memref<16xi32, #tpu.memory_space<vmem>>
      %dma_wait3A_65 = tpu.memref_slice %arg3[%multiple_of3A_26] : memref<320000xi32, #tpu.memory_space<hbm>> -> memref<16xi32, #tpu.memory_space<hbm>>
      tpu.wait_dma2 semaphore(%run_scoped3A : memref<!tpu.dma_semaphore, #tpu.memory_space<semaphore_mem>>) src(%dma_wait3A_65 : memref<16xi32, #tpu.memory_space<hbm>>) dst(%dma_wait3A_64 : memref<16xi32, #tpu.memory_space<vmem>>)
      tpu.yield
    }) : () -> ()
    "tpu.region"() ({
      %run_scoped3A = tpu.sem_alloc : memref<!tpu.dma_semaphore, #tpu.memory_space<semaphore_mem>>
      %dma_start3A_54 = tpu.memref_slice %arg4[%multiple_of3A_26] : memref<320000xi32, #tpu.memory_space<hbm>> -> memref<16xi32, #tpu.memory_space<hbm>>
      %dma_start3A_55 = tpu.memref_slice %arg4[%multiple_of3A_26] : memref<320000xi32, #tpu.memory_space<hbm>> -> memref<16xi32, #tpu.memory_space<hbm>>
      tpu.enqueue_dma source(%dma_start3A_55 : memref<16xi32, #tpu.memory_space<hbm>>) target(%arg16 : memref<16xi32, #tpu.memory_space<vmem>>) target_semaphore(%run_scoped3A : memref<!tpu.dma_semaphore, #tpu.memory_space<semaphore_mem>>)
      %dma_wait3A_56 = tpu.memref_slice %arg4[%multiple_of3A_26] : memref<320000xi32, #tpu.memory_space<hbm>> -> memref<16xi32, #tpu.memory_space<hbm>>
      %dma_wait3A_57 = tpu.memref_slice %arg4[%multiple_of3A_26] : memref<320000xi32, #tpu.memory_space<hbm>> -> memref<16xi32, #tpu.memory_space<hbm>>
      tpu.wait_dma2 semaphore(%run_scoped3A : memref<!tpu.dma_semaphore, #tpu.memory_space<semaphore_mem>>) src(%dma_wait3A_57 : memref<16xi32, #tpu.memory_space<hbm>>) dst(%arg16 : memref<16xi32, #tpu.memory_space<vmem>>)
      tpu.yield
    }) : () -> ()
    %dma_start3A_27 = arith.constant 0 : i32
    %dma_start3A_28 = arith.constant 0 : i32
    %dma_start3A_29 = tpu.memref_slice %arg13[%dma_start3A_27, %dma_start3A_28] : memref<128x128xf32, #tpu.memory_space<vmem>> -> memref<16x128xf32, #tpu.memory_space<vmem>>
    %dma_start3A_30 = arith.constant 0 : i32
    %dma_start3A_31 = tpu.memref_slice %arg7[%dma_start3A_30] : memref<128xi32, #tpu.memory_space<vmem>> -> memref<16xi32, #tpu.memory_space<vmem>>
    %dma_start3A_32 = arith.constant 0 : i32
    %dma_start3A_33 = arith.constant 0 : i32
    %dma_start3A_34 = tpu.memref_slice %arg2[%dma_start3A_32, %dma_start3A_33] : memref<10000x128xf32, #tpu.memory_space<hbm>> -> memref<10000x128xf32, #tpu.memory_space<hbm>>
    tpu.enqueue_indirect_dma source(%dma_start3A_34 : memref<10000x128xf32, #tpu.memory_space<hbm>>) target(%dma_start3A_29 : memref<16x128xf32, #tpu.memory_space<vmem>>) offsets(%dma_start3A_31 : memref<16xi32, #tpu.memory_space<vmem>>) semaphore(%arg18 : memref<!tpu.dma_semaphore, #tpu.memory_space<semaphore_mem>>)
    %dma_wait3A_35 = arith.constant 0 : i32
    %dma_wait3A_36 = arith.constant 0 : i32
    %dma_wait3A_37 = tpu.memref_slice %arg13[%dma_wait3A_35, %dma_wait3A_36] : memref<128x128xf32, #tpu.memory_space<vmem>> -> memref<16x128xf32, #tpu.memory_space<vmem>>
    %dma_wait3A_38 = arith.constant 0 : i32
    %dma_wait3A_39 = tpu.memref_slice %arg7[%dma_wait3A_38] : memref<128xi32, #tpu.memory_space<vmem>> -> memref<16xi32, #tpu.memory_space<vmem>>
    %dma_wait3A_40 = arith.constant 0 : i32
    %dma_wait3A_41 = arith.constant 0 : i32
    %dma_wait3A_42 = tpu.memref_slice %arg2[%dma_wait3A_40, %dma_wait3A_41] : memref<10000x128xf32, #tpu.memory_space<hbm>> -> memref<10000x128xf32, #tpu.memory_space<hbm>>
    tpu.wait_indirect_dma semaphore(%arg18 : memref<!tpu.dma_semaphore, #tpu.memory_space<semaphore_mem>>) src(%dma_wait3A_42 : memref<10000x128xf32, #tpu.memory_space<hbm>>) dst(%dma_wait3A_37 : memref<16x128xf32, #tpu.memory_space<vmem>>)
    "tpu.region"() ({
      %run_scoped3A = tpu.sem_alloc : memref<!tpu.dma_semaphore, #tpu.memory_space<semaphore_mem>>
      %dma_start3A_54 = arith.constant 0 : i32
      %dma_start3A_55 = arith.constant 0 : i32
      %dma_start3A_56 = tpu.memref_slice %arg13[%dma_start3A_54, %dma_start3A_55] : memref<128x128xf32, #tpu.memory_space<vmem>> -> memref<16x128xf32, #tpu.memory_space<vmem>>
      %dma_start3A_57 = arith.constant 0 : i32
      %dma_start3A_58 = arith.constant 0 : i32
      %dma_start3A_59 = tpu.memref_slice %arg17[%dma_start3A_57, %dma_start3A_58] : memref<10000x128xf32, #tpu.memory_space<vmem_shared>> -> memref<10000x128xf32, #tpu.memory_space<vmem_shared>>
      tpu.enqueue_indirect_dma source(%dma_start3A_56 : memref<16x128xf32, #tpu.memory_space<vmem>>) target(%dma_start3A_59 : memref<10000x128xf32, #tpu.memory_space<vmem_shared>>) offsets(%arg16 : memref<16xi32, #tpu.memory_space<vmem>>) semaphore(%run_scoped3A : memref<!tpu.dma_semaphore, #tpu.memory_space<semaphore_mem>>) {add = true}
      %dma_wait3A_60 = arith.constant 0 : i32
      %dma_wait3A_61 = arith.constant 0 : i32
      %dma_wait3A_62 = tpu.memref_slice %arg13[%dma_wait3A_60, %dma_wait3A_61] : memref<128x128xf32, #tpu.memory_space<vmem>> -> memref<16x128xf32, #tpu.memory_space<vmem>>
      %dma_wait3A_63 = arith.constant 0 : i32
      %dma_wait3A_64 = arith.constant 0 : i32
      %dma_wait3A_65 = tpu.memref_slice %arg17[%dma_wait3A_63, %dma_wait3A_64] : memref<10000x128xf32, #tpu.memory_space<vmem_shared>> -> memref<10000x128xf32, #tpu.memory_space<vmem_shared>>
      tpu.wait_indirect_dma semaphore(%run_scoped3A : memref<!tpu.dma_semaphore, #tpu.memory_space<semaphore_mem>>) src(%dma_wait3A_62 : memref<16x128xf32, #tpu.memory_space<vmem>>) dst(%dma_wait3A_65 : memref<10000x128xf32, #tpu.memory_space<vmem_shared>>)
      tpu.yield
    }) : () -> ()
    %barrier3A_43 = arith.constant 0 : index
    tpu.barrier barrier_id(%barrier3A_43)
    %eq3A_44 = arith.constant 0 : i32
    %eq3A_45 = arith.cmpi eq, %arg1, %eq3A_44 : i32
    %convert_element_type3A_46 = arith.extui %eq3A_45 : i1 to i32
    %cond3A_47 = arith.constant 0 : i32
    %cond3A_48 = arith.cmpi ne, %convert_element_type3A_46, %cond3A_47 : i32
    scf.if %cond3A_48 {
      "tpu.region"() ({
        %run_scoped3A = tpu.sem_alloc : memref<!tpu.dma_semaphore, #tpu.memory_space<semaphore_mem>>
        %dma_start3A_54 = arith.constant 0 : i32
        %dma_start3A_55 = arith.constant 0 : i32
        %dma_start3A_56 = tpu.memref_slice %arg6[%arg0, %dma_start3A_54, %dma_start3A_55] : memref<2x10000x128xf32, #tpu.memory_space<hbm>> -> memref<1x10000x128xf32, #tpu.memory_space<hbm>>
        %dma_start3A_57 = tpu.memref_squeeze %dma_start3A_56 : memref<1x10000x128xf32, #tpu.memory_space<hbm>> -> memref<10000x128xf32, #tpu.memory_space<hbm>>
        %dma_start3A_58 = arith.constant 0 : i32
        %dma_start3A_59 = arith.constant 0 : i32
        %dma_start3A_60 = tpu.memref_slice %dma_start3A_57[%dma_start3A_58, %dma_start3A_59] : memref<10000x128xf32, #tpu.memory_space<hbm>> -> memref<640x128xf32, #tpu.memory_space<hbm>>
        %dma_start3A_61 = arith.constant 0 : i32
        %dma_start3A_62 = arith.constant 0 : i32
        %dma_start3A_63 = tpu.memref_slice %arg17[%dma_start3A_61, %dma_start3A_62] : memref<10000x128xf32, #tpu.memory_space<vmem_shared>> -> memref<640x128xf32, #tpu.memory_space<vmem_shared>>
        tpu.enqueue_dma source(%dma_start3A_63 : memref<640x128xf32, #tpu.memory_space<vmem_shared>>) target(%dma_start3A_60 : memref<640x128xf32, #tpu.memory_space<hbm>>) target_semaphore(%run_scoped3A : memref<!tpu.dma_semaphore, #tpu.memory_space<semaphore_mem>>)
        %dma_wait3A_64 = arith.constant 0 : i32
        %dma_wait3A_65 = arith.constant 0 : i32
        %dma_wait3A_66 = tpu.memref_slice %arg6[%arg0, %dma_wait3A_64, %dma_wait3A_65] : memref<2x10000x128xf32, #tpu.memory_space<hbm>> -> memref<1x10000x128xf32, #tpu.memory_space<hbm>>
        %dma_wait3A_67 = tpu.memref_squeeze %dma_wait3A_66 : memref<1x10000x128xf32, #tpu.memory_space<hbm>> -> memref<10000x128xf32, #tpu.memory_space<hbm>>
        %dma_wait3A_68 = arith.constant 0 : i32
        %dma_wait3A_69 = arith.constant 0 : i32
        %dma_wait3A_70 = tpu.memref_slice %dma_wait3A_67[%dma_wait3A_68, %dma_wait3A_69] : memref<10000x128xf32, #tpu.memory_space<hbm>> -> memref<640x128xf32, #tpu.memory_space<hbm>>
        %dma_wait3A_71 = arith.constant 0 : i32
        %dma_wait3A_72 = arith.constant 0 : i32
        %dma_wait3A_73 = tpu.memref_slice %arg17[%dma_wait3A_71, %dma_wait3A_72] : memref<10000x128xf32, #tpu.memory_space<vmem_shared>> -> memref<640x128xf32, #tpu.memory_space<vmem_shared>>
        tpu.wait_dma2 semaphore(%run_scoped3A : memref<!tpu.dma_semaphore, #tpu.memory_space<semaphore_mem>>) src(%dma_wait3A_73 : memref<640x128xf32, #tpu.memory_space<vmem_shared>>) dst(%dma_wait3A_70 : memref<640x128xf32, #tpu.memory_space<hbm>>)
        tpu.yield
      }) : () -> ()
    } else {
    }
    %gt3A_49 = arith.constant 0 : i32
    %gt3A_50 = arith.cmpi sgt, %arg1, %gt3A_49 : i32
    %convert_element_type3A_51 = arith.extui %gt3A_50 : i1 to i32
    %cond3A_52 = arith.constant 0 : i32
    %cond3A_53 = arith.cmpi ne, %convert_element_type3A_51, %cond3A_52 : i32
    scf.if %cond3A_53 {
      %mul3A_54 = arith.constant 624 : i32
      %mul3A_55 = arith.muli %mul3A_54, %arg1 : i32
      %add3A_56 = arith.constant 16 : i32
      %add3A_57 = arith.addi %mul3A_55, %add3A_56 : i32
      %multiple_of3A_58 = tpu.assume_multiple %add3A_57, 8 : i32
      "tpu.region"() ({
        %run_scoped3A = tpu.sem_alloc : memref<!tpu.dma_semaphore, #tpu.memory_space<semaphore_mem>>
        %dma_start3A_59 = arith.constant 0 : i32
        %dma_start3A_60 = arith.constant 0 : i32
        %dma_start3A_61 = tpu.memref_slice %arg6[%arg0, %dma_start3A_59, %dma_start3A_60] : memref<2x10000x128xf32, #tpu.memory_space<hbm>> -> memref<1x10000x128xf32, #tpu.memory_space<hbm>>
        %dma_start3A_62 = tpu.memref_squeeze %dma_start3A_61 : memref<1x10000x128xf32, #tpu.memory_space<hbm>> -> memref<10000x128xf32, #tpu.memory_space<hbm>>
        %dma_start3A_63 = arith.constant 0 : i32
        %dma_start3A_64 = tpu.memref_slice %dma_start3A_62[%multiple_of3A_58, %dma_start3A_63] : memref<10000x128xf32, #tpu.memory_space<hbm>> -> memref<624x128xf32, #tpu.memory_space<hbm>>
        %dma_start3A_65 = arith.constant 0 : i32
        %dma_start3A_66 = tpu.memref_slice %arg17[%multiple_of3A_58, %dma_start3A_65] : memref<10000x128xf32, #tpu.memory_space<vmem_shared>> -> memref<624x128xf32, #tpu.memory_space<vmem_shared>>
        tpu.enqueue_dma source(%dma_start3A_66 : memref<624x128xf32, #tpu.memory_space<vmem_shared>>) target(%dma_start3A_64 : memref<624x128xf32, #tpu.memory_space<hbm>>) target_semaphore(%run_scoped3A : memref<!tpu.dma_semaphore, #tpu.memory_space<semaphore_mem>>)
        %dma_wait3A_67 = arith.constant 0 : i32
        %dma_wait3A_68 = arith.constant 0 : i32
        %dma_wait3A_69 = tpu.memref_slice %arg6[%arg0, %dma_wait3A_67, %dma_wait3A_68] : memref<2x10000x128xf32, #tpu.memory_space<hbm>> -> memref<1x10000x128xf32, #tpu.memory_space<hbm>>
        %dma_wait3A_70 = tpu.memref_squeeze %dma_wait3A_69 : memref<1x10000x128xf32, #tpu.memory_space<hbm>> -> memref<10000x128xf32, #tpu.memory_space<hbm>>
        %dma_wait3A_71 = arith.constant 0 : i32
        %dma_wait3A_72 = tpu.memref_slice %dma_wait3A_70[%multiple_of3A_58, %dma_wait3A_71] : memref<10000x128xf32, #tpu.memory_space<hbm>> -> memref<624x128xf32, #tpu.memory_space<hbm>>
        %dma_wait3A_73 = arith.constant 0 : i32
        %dma_wait3A_74 = tpu.memref_slice %arg17[%multiple_of3A_58, %dma_wait3A_73] : memref<10000x128xf32, #tpu.memory_space<vmem_shared>> -> memref<624x128xf32, #tpu.memory_space<vmem_shared>>
        tpu.wait_dma2 semaphore(%run_scoped3A : memref<!tpu.dma_semaphore, #tpu.memory_space<semaphore_mem>>) src(%dma_wait3A_74 : memref<624x128xf32, #tpu.memory_space<vmem_shared>>) dst(%dma_wait3A_72 : memref<624x128xf32, #tpu.memory_space<hbm>>)
        tpu.yield
      }) : () -> ()
    } else {
    }
    return
  }
}

#map = affine_map<(d0, d1) -> (0)>
module attributes {stable_mosaic.version = 14 : i64} {
  func.func @k(%arg0: i32, %arg1: i32, %arg2: memref<320000xi32, #tpu.memory_space<hbm>>, %arg3: memref<10000xf32, #tpu.memory_space<hbm>>, %arg4: memref<10000xf32, #tpu.memory_space<hbm>>, %arg5: memref<10000xf32, #tpu.memory_space<hbm>>, %arg6: memref<128xi32, #tpu.memory_space<vmem>>, %arg7: memref<128xi32, #tpu.memory_space<vmem>>, %arg8: memref<128xi32, #tpu.memory_space<vmem>>, %arg9: memref<16xi32, #tpu.memory_space<vmem>>, %arg10: memref<128xf32, #tpu.memory_space<vmem>>, %arg11: memref<10000xf32, #tpu.memory_space<vmem_shared>>, %arg12: memref<!tpu.dma_semaphore, #tpu.memory_space<semaphore_mem>>, %arg13: memref<!tpu.dma_semaphore, #tpu.memory_space<semaphore_mem>>, %arg14: memref<!tpu.dma_semaphore, #tpu.memory_space<semaphore_mem>>) attributes {dimension_semantics = [#tpu.dimension_semantics<core_parallel>, #tpu.dimension_semantics<subcore_parallel>], iteration_bounds = array<i64: 2, 16>, scalar_prefetch = 0 : i64, scratch_operands = 9 : i64, tpu.core_type = #tpu.core_type<sc_vector_subcore>, window_params = [{transform_indices = #map}, {transform_indices = #map}, {transform_indices = #map}, {transform_indices = #map}]} {
    %mul3A = arith.constant 2 : i32
    %mul3A_0 = arith.muli %arg1, %mul3A : i32
    %add3A = arith.addi %mul3A_0, %arg0 : i32
    %mul3A_1 = arith.constant 10000 : i32
    %mul3A_2 = arith.muli %add3A, %mul3A_1 : i32
    %multiple_of3A = tpu.assume_multiple %mul3A_2, 8 : i32
    %broadcast_in_dim3A = arith.constant 1.000000e+00 : f32
    %broadcast_in_dim3A_3 = vector.broadcast %broadcast_in_dim3A : f32 to vector<16xf32>
    %swap3A = arith.constant 0 : index
    %swap3A_4 = tpu.vector_load %arg10[%swap3A] {strides = array<i32>} : memref<128xf32, #tpu.memory_space<vmem>>, vector<16xf32>,
    %swap3A_5 = vector.shape_cast %swap3A_4 : vector<16xf32> to vector<16xf32>
    %swap3A_6 = vector.shape_cast %broadcast_in_dim3A_3 : vector<16xf32> to vector<16xf32>
    tpu.vector_store %arg10[%swap3A], %swap3A_6 {strides = array<i32>} : memref<128xf32, #tpu.memory_space<vmem>>, vector<16xf32>,
    %broadcast_in_dim3A_7 = arith.constant 1.000000e+00 : f32
    %broadcast_in_dim3A_8 = vector.broadcast %broadcast_in_dim3A_7 : f32 to vector<16xf32>
    %swap3A_9 = arith.constant 16 : index
    %swap3A_10 = tpu.vector_load %arg10[%swap3A_9] {strides = array<i32>} : memref<128xf32, #tpu.memory_space<vmem>>, vector<16xf32>,
    %swap3A_11 = vector.shape_cast %swap3A_10 : vector<16xf32> to vector<16xf32>
    %swap3A_12 = vector.shape_cast %broadcast_in_dim3A_8 : vector<16xf32> to vector<16xf32>
    tpu.vector_store %arg10[%swap3A_9], %swap3A_12 {strides = array<i32>} : memref<128xf32, #tpu.memory_space<vmem>>, vector<16xf32>,
    %broadcast_in_dim3A_13 = arith.constant 1.000000e+00 : f32
    %broadcast_in_dim3A_14 = vector.broadcast %broadcast_in_dim3A_13 : f32 to vector<16xf32>
    %swap3A_15 = arith.constant 32 : index
    %swap3A_16 = tpu.vector_load %arg10[%swap3A_15] {strides = array<i32>} : memref<128xf32, #tpu.memory_space<vmem>>, vector<16xf32>,
    %swap3A_17 = vector.shape_cast %swap3A_16 : vector<16xf32> to vector<16xf32>
    %swap3A_18 = vector.shape_cast %broadcast_in_dim3A_14 : vector<16xf32> to vector<16xf32>
    tpu.vector_store %arg10[%swap3A_15], %swap3A_18 {strides = array<i32>} : memref<128xf32, #tpu.memory_space<vmem>>, vector<16xf32>,
    %broadcast_in_dim3A_19 = arith.constant 1.000000e+00 : f32
    %broadcast_in_dim3A_20 = vector.broadcast %broadcast_in_dim3A_19 : f32 to vector<16xf32>
    %swap3A_21 = arith.constant 48 : index
    %swap3A_22 = tpu.vector_load %arg10[%swap3A_21] {strides = array<i32>} : memref<128xf32, #tpu.memory_space<vmem>>, vector<16xf32>,
    %swap3A_23 = vector.shape_cast %swap3A_22 : vector<16xf32> to vector<16xf32>
    %swap3A_24 = vector.shape_cast %broadcast_in_dim3A_20 : vector<16xf32> to vector<16xf32>
    tpu.vector_store %arg10[%swap3A_21], %swap3A_24 {strides = array<i32>} : memref<128xf32, #tpu.memory_space<vmem>>, vector<16xf32>,
    %broadcast_in_dim3A_25 = arith.constant 1.000000e+00 : f32
    %broadcast_in_dim3A_26 = vector.broadcast %broadcast_in_dim3A_25 : f32 to vector<16xf32>
    %swap3A_27 = arith.constant 64 : index
    %swap3A_28 = tpu.vector_load %arg10[%swap3A_27] {strides = array<i32>} : memref<128xf32, #tpu.memory_space<vmem>>, vector<16xf32>,
    %swap3A_29 = vector.shape_cast %swap3A_28 : vector<16xf32> to vector<16xf32>
    %swap3A_30 = vector.shape_cast %broadcast_in_dim3A_26 : vector<16xf32> to vector<16xf32>
    tpu.vector_store %arg10[%swap3A_27], %swap3A_30 {strides = array<i32>} : memref<128xf32, #tpu.memory_space<vmem>>, vector<16xf32>,
    %broadcast_in_dim3A_31 = arith.constant 1.000000e+00 : f32
    %broadcast_in_dim3A_32 = vector.broadcast %broadcast_in_dim3A_31 : f32 to vector<16xf32>
    %swap3A_33 = arith.constant 80 : index
    %swap3A_34 = tpu.vector_load %arg10[%swap3A_33] {strides = array<i32>} : memref<128xf32, #tpu.memory_space<vmem>>, vector<16xf32>,
    %swap3A_35 = vector.shape_cast %swap3A_34 : vector<16xf32> to vector<16xf32>
    %swap3A_36 = vector.shape_cast %broadcast_in_dim3A_32 : vector<16xf32> to vector<16xf32>
    tpu.vector_store %arg10[%swap3A_33], %swap3A_36 {strides = array<i32>} : memref<128xf32, #tpu.memory_space<vmem>>, vector<16xf32>,
    %broadcast_in_dim3A_37 = arith.constant 1.000000e+00 : f32
    %broadcast_in_dim3A_38 = vector.broadcast %broadcast_in_dim3A_37 : f32 to vector<16xf32>
    %swap3A_39 = arith.constant 96 : index
    %swap3A_40 = tpu.vector_load %arg10[%swap3A_39] {strides = array<i32>} : memref<128xf32, #tpu.memory_space<vmem>>, vector<16xf32>,
    %swap3A_41 = vector.shape_cast %swap3A_40 : vector<16xf32> to vector<16xf32>
    %swap3A_42 = vector.shape_cast %broadcast_in_dim3A_38 : vector<16xf32> to vector<16xf32>
    tpu.vector_store %arg10[%swap3A_39], %swap3A_42 {strides = array<i32>} : memref<128xf32, #tpu.memory_space<vmem>>, vector<16xf32>,
    %broadcast_in_dim3A_43 = arith.constant 1.000000e+00 : f32
    %broadcast_in_dim3A_44 = vector.broadcast %broadcast_in_dim3A_43 : f32 to vector<16xf32>
    %swap3A_45 = arith.constant 112 : index
    %swap3A_46 = tpu.vector_load %arg10[%swap3A_45] {strides = array<i32>} : memref<128xf32, #tpu.memory_space<vmem>>, vector<16xf32>,
    %swap3A_47 = vector.shape_cast %swap3A_46 : vector<16xf32> to vector<16xf32>
    %swap3A_48 = vector.shape_cast %broadcast_in_dim3A_44 : vector<16xf32> to vector<16xf32>
    tpu.vector_store %arg10[%swap3A_45], %swap3A_48 {strides = array<i32>} : memref<128xf32, #tpu.memory_space<vmem>>, vector<16xf32>,
    %eq3A = arith.constant 0 : i32
    %eq3A_49 = arith.cmpi eq, %arg1, %eq3A : i32
    %convert_element_type3A = arith.extui %eq3A_49 : i1 to i32
    %cond3A = arith.constant 0 : i32
    %cond3A_50 = arith.cmpi ne, %convert_element_type3A, %cond3A : i32
    scf.if %cond3A_50 {
      "tpu.region"() ({
        %run_scoped3A = tpu.sem_alloc : memref<!tpu.dma_semaphore, #tpu.memory_space<semaphore_mem>>
        tpu.enqueue_dma source(%arg3 : memref<10000xf32, #tpu.memory_space<hbm>>) target(%arg11 : memref<10000xf32, #tpu.memory_space<vmem_shared>>) target_semaphore(%run_scoped3A : memref<!tpu.dma_semaphore, #tpu.memory_space<semaphore_mem>>)
        tpu.wait_dma2 semaphore(%run_scoped3A : memref<!tpu.dma_semaphore, #tpu.memory_space<semaphore_mem>>) src(%arg3 : memref<10000xf32, #tpu.memory_space<hbm>>) dst(%arg11 : memref<10000xf32, #tpu.memory_space<vmem_shared>>)
        tpu.yield
      }) : () -> ()
    } else {
    }
    %barrier3A = arith.constant 0 : index
    tpu.barrier barrier_id(%barrier3A)
    %add3A_51 = arith.constant 0 : i32
    %add3A_52 = arith.addi %multiple_of3A, %add3A_51 : i32
    %multiple_of3A_53 = tpu.assume_multiple %add3A_52, 8 : i32
    "tpu.region"() ({
      %run_scoped3A = tpu.sem_alloc : memref<!tpu.dma_semaphore, #tpu.memory_space<semaphore_mem>>
      %dma_start3A = tpu.memref_slice %arg2[%multiple_of3A_53] : memref<320000xi32, #tpu.memory_space<hbm>> -> memref<128xi32, #tpu.memory_space<hbm>>
      %dma_start3A_81 = tpu.memref_slice %arg2[%multiple_of3A_53] : memref<320000xi32, #tpu.memory_space<hbm>> -> memref<128xi32, #tpu.memory_space<hbm>>
      tpu.enqueue_dma source(%dma_start3A_81 : memref<128xi32, #tpu.memory_space<hbm>>) target(%arg6 : memref<128xi32, #tpu.memory_space<vmem>>) target_semaphore(%run_scoped3A : memref<!tpu.dma_semaphore, #tpu.memory_space<semaphore_mem>>)
      %dma_wait3A_82 = tpu.memref_slice %arg2[%multiple_of3A_53] : memref<320000xi32, #tpu.memory_space<hbm>> -> memref<128xi32, #tpu.memory_space<hbm>>
      %dma_wait3A_83 = tpu.memref_slice %arg2[%multiple_of3A_53] : memref<320000xi32, #tpu.memory_space<hbm>> -> memref<128xi32, #tpu.memory_space<hbm>>
      tpu.wait_dma2 semaphore(%run_scoped3A : memref<!tpu.dma_semaphore, #tpu.memory_space<semaphore_mem>>) src(%dma_wait3A_83 : memref<128xi32, #tpu.memory_space<hbm>>) dst(%arg6 : memref<128xi32, #tpu.memory_space<vmem>>)
      tpu.yield
    }) : () -> ()
    %scan3A = arith.constant 0 : i32
    %scan3A_54 = arith.constant 0 : i32
    %scan3A_55 = arith.constant 26 : i32
    %scan3A_56 = arith.addi %scan3A_54, %scan3A_55 : i32
    %scan3A_57 = arith.constant 1 : i32
    scf.for %scan3A_81 = %scan3A_54 to %scan3A_56 step %scan3A_57  : i32 {
      %mul3A_82 = arith.constant 3 : i32
      %mul3A_83 = arith.muli %mul3A_82, %scan3A_81 : i32
      %ge3A = arith.constant 2 : i32
      %ge3A_84 = arith.cmpi sge, %mul3A_83, %ge3A : i32
      %convert_element_type3A_85 = arith.extui %ge3A_84 : i1 to i32
      %cond3A_86 = arith.constant 0 : i32
      %cond3A_87 = arith.cmpi ne, %convert_element_type3A_85, %cond3A_86 : i32
      scf.if %cond3A_87 {
        %dma_wait3A_127 = arith.constant 0 : i32
        %dma_wait3A_128 = tpu.memref_slice %arg11[%dma_wait3A_127] : memref<10000xf32, #tpu.memory_space<vmem_shared>> -> memref<10000xf32, #tpu.memory_space<vmem_shared>>
        tpu.wait_indirect_dma semaphore(%arg13 : memref<!tpu.dma_semaphore, #tpu.memory_space<semaphore_mem>>) src(%arg10 : memref<128xf32, #tpu.memory_space<vmem>>) dst(%dma_wait3A_128 : memref<10000xf32, #tpu.memory_space<vmem_shared>>)
      } else {
      }
      %add3A_88 = arith.constant 1 : i32
      %add3A_89 = arith.addi %mul3A_83, %add3A_88 : i32
      %lt3A = arith.constant 78 : i32
      %lt3A_90 = arith.cmpi slt, %add3A_89, %lt3A : i32
      %convert_element_type3A_91 = arith.extui %lt3A_90 : i1 to i32
      %cond3A_92 = arith.constant 0 : i32
      %cond3A_93 = arith.cmpi ne, %convert_element_type3A_91, %cond3A_92 : i32
      scf.if %cond3A_93 {
        %add3A_127 = arith.constant 1 : i32
        %add3A_128 = arith.addi %mul3A_83, %add3A_127 : i32
        %mul3A_129 = arith.constant 128 : i32
        %mul3A_130 = arith.muli %add3A_128, %mul3A_129 : i32
        %add3A_131 = arith.addi %multiple_of3A, %mul3A_130 : i32
        %multiple_of3A_132 = tpu.assume_multiple %add3A_131, 8 : i32
        "tpu.region"() ({
          %run_scoped3A = tpu.sem_alloc : memref<!tpu.dma_semaphore, #tpu.memory_space<semaphore_mem>>
          %dma_start3A_133 = tpu.memref_slice %arg2[%multiple_of3A_132] : memref<320000xi32, #tpu.memory_space<hbm>> -> memref<128xi32, #tpu.memory_space<hbm>>
          %dma_start3A_134 = tpu.memref_slice %arg2[%multiple_of3A_132] : memref<320000xi32, #tpu.memory_space<hbm>> -> memref<128xi32, #tpu.memory_space<hbm>>
          tpu.enqueue_dma source(%dma_start3A_134 : memref<128xi32, #tpu.memory_space<hbm>>) target(%arg7 : memref<128xi32, #tpu.memory_space<vmem>>) target_semaphore(%run_scoped3A : memref<!tpu.dma_semaphore, #tpu.memory_space<semaphore_mem>>)
          %dma_wait3A_135 = tpu.memref_slice %arg2[%multiple_of3A_132] : memref<320000xi32, #tpu.memory_space<hbm>> -> memref<128xi32, #tpu.memory_space<hbm>>
          %dma_wait3A_136 = tpu.memref_slice %arg2[%multiple_of3A_132] : memref<320000xi32, #tpu.memory_space<hbm>> -> memref<128xi32, #tpu.memory_space<hbm>>
          tpu.wait_dma2 semaphore(%run_scoped3A : memref<!tpu.dma_semaphore, #tpu.memory_space<semaphore_mem>>) src(%dma_wait3A_136 : memref<128xi32, #tpu.memory_space<hbm>>) dst(%arg7 : memref<128xi32, #tpu.memory_space<vmem>>)
          tpu.yield
        }) : () -> ()
      } else {
      }
      %dma_start3A = arith.constant 0 : i32
      %dma_start3A_94 = tpu.memref_slice %arg11[%dma_start3A] : memref<10000xf32, #tpu.memory_space<vmem_shared>> -> memref<10000xf32, #tpu.memory_space<vmem_shared>>
      tpu.enqueue_indirect_dma source(%arg10 : memref<128xf32, #tpu.memory_space<vmem>>) target(%dma_start3A_94 : memref<10000xf32, #tpu.memory_space<vmem_shared>>) offsets(%arg6 : memref<128xi32, #tpu.memory_space<vmem>>) semaphore(%arg12 : memref<!tpu.dma_semaphore, #tpu.memory_space<semaphore_mem>>) {add = true}
      %add3A_95 = arith.constant 1 : i32
      %add3A_96 = arith.addi %mul3A_83, %add3A_95 : i32
      %ge3A_97 = arith.constant 2 : i32
      %ge3A_98 = arith.cmpi sge, %add3A_96, %ge3A_97 : i32
      %convert_element_type3A_99 = arith.extui %ge3A_98 : i1 to i32
      %cond3A_100 = arith.constant 0 : i32
      %cond3A_101 = arith.cmpi ne, %convert_element_type3A_99, %cond3A_100 : i32
      scf.if %cond3A_101 {
        %dma_wait3A_127 = arith.constant 0 : i32
        %dma_wait3A_128 = tpu.memref_slice %arg11[%dma_wait3A_127] : memref<10000xf32, #tpu.memory_space<vmem_shared>> -> memref<10000xf32, #tpu.memory_space<vmem_shared>>
        tpu.wait_indirect_dma semaphore(%arg14 : memref<!tpu.dma_semaphore, #tpu.memory_space<semaphore_mem>>) src(%arg10 : memref<128xf32, #tpu.memory_space<vmem>>) dst(%dma_wait3A_128 : memref<10000xf32, #tpu.memory_space<vmem_shared>>)
      } else {
      }
      %add3A_102 = arith.constant 1 : i32
      %add3A_103 = arith.addi %add3A_96, %add3A_102 : i32
      %lt3A_104 = arith.constant 78 : i32
      %lt3A_105 = arith.cmpi slt, %add3A_103, %lt3A_104 : i32
      %convert_element_type3A_106 = arith.extui %lt3A_105 : i1 to i32
      %cond3A_107 = arith.constant 0 : i32
      %cond3A_108 = arith.cmpi ne, %convert_element_type3A_106, %cond3A_107 : i32
      scf.if %cond3A_108 {
        %add3A_127 = arith.constant 1 : i32
        %add3A_128 = arith.addi %add3A_96, %add3A_127 : i32
        %mul3A_129 = arith.constant 128 : i32
        %mul3A_130 = arith.muli %add3A_128, %mul3A_129 : i32
        %add3A_131 = arith.addi %multiple_of3A, %mul3A_130 : i32
        %multiple_of3A_132 = tpu.assume_multiple %add3A_131, 8 : i32
        "tpu.region"() ({
          %run_scoped3A = tpu.sem_alloc : memref<!tpu.dma_semaphore, #tpu.memory_space<semaphore_mem>>
          %dma_start3A_133 = tpu.memref_slice %arg2[%multiple_of3A_132] : memref<320000xi32, #tpu.memory_space<hbm>> -> memref<128xi32, #tpu.memory_space<hbm>>
          %dma_start3A_134 = tpu.memref_slice %arg2[%multiple_of3A_132] : memref<320000xi32, #tpu.memory_space<hbm>> -> memref<128xi32, #tpu.memory_space<hbm>>
          tpu.enqueue_dma source(%dma_start3A_134 : memref<128xi32, #tpu.memory_space<hbm>>) target(%arg8 : memref<128xi32, #tpu.memory_space<vmem>>) target_semaphore(%run_scoped3A : memref<!tpu.dma_semaphore, #tpu.memory_space<semaphore_mem>>)
          %dma_wait3A_135 = tpu.memref_slice %arg2[%multiple_of3A_132] : memref<320000xi32, #tpu.memory_space<hbm>> -> memref<128xi32, #tpu.memory_space<hbm>>
          %dma_wait3A_136 = tpu.memref_slice %arg2[%multiple_of3A_132] : memref<320000xi32, #tpu.memory_space<hbm>> -> memref<128xi32, #tpu.memory_space<hbm>>
          tpu.wait_dma2 semaphore(%run_scoped3A : memref<!tpu.dma_semaphore, #tpu.memory_space<semaphore_mem>>) src(%dma_wait3A_136 : memref<128xi32, #tpu.memory_space<hbm>>) dst(%arg8 : memref<128xi32, #tpu.memory_space<vmem>>)
          tpu.yield
        }) : () -> ()
      } else {
      }
      %dma_start3A_109 = arith.constant 0 : i32
      %dma_start3A_110 = tpu.memref_slice %arg11[%dma_start3A_109] : memref<10000xf32, #tpu.memory_space<vmem_shared>> -> memref<10000xf32, #tpu.memory_space<vmem_shared>>
      tpu.enqueue_indirect_dma source(%arg10 : memref<128xf32, #tpu.memory_space<vmem>>) target(%dma_start3A_110 : memref<10000xf32, #tpu.memory_space<vmem_shared>>) offsets(%arg7 : memref<128xi32, #tpu.memory_space<vmem>>) semaphore(%arg13 : memref<!tpu.dma_semaphore, #tpu.memory_space<semaphore_mem>>) {add = true}
      %add3A_111 = arith.constant 2 : i32
      %add3A_112 = arith.addi %mul3A_83, %add3A_111 : i32
      %ge3A_113 = arith.constant 2 : i32
      %ge3A_114 = arith.cmpi sge, %add3A_112, %ge3A_113 : i32
      %convert_element_type3A_115 = arith.extui %ge3A_114 : i1 to i32
      %cond3A_116 = arith.constant 0 : i32
      %cond3A_117 = arith.cmpi ne, %convert_element_type3A_115, %cond3A_116 : i32
      scf.if %cond3A_117 {
        %dma_wait3A_127 = arith.constant 0 : i32
        %dma_wait3A_128 = tpu.memref_slice %arg11[%dma_wait3A_127] : memref<10000xf32, #tpu.memory_space<vmem_shared>> -> memref<10000xf32, #tpu.memory_space<vmem_shared>>
        tpu.wait_indirect_dma semaphore(%arg12 : memref<!tpu.dma_semaphore, #tpu.memory_space<semaphore_mem>>) src(%arg10 : memref<128xf32, #tpu.memory_space<vmem>>) dst(%dma_wait3A_128 : memref<10000xf32, #tpu.memory_space<vmem_shared>>)
      } else {
      }
      %add3A_118 = arith.constant 1 : i32
      %add3A_119 = arith.addi %add3A_112, %add3A_118 : i32
      %lt3A_120 = arith.constant 78 : i32
      %lt3A_121 = arith.cmpi slt, %add3A_119, %lt3A_120 : i32
      %convert_element_type3A_122 = arith.extui %lt3A_121 : i1 to i32
      %cond3A_123 = arith.constant 0 : i32
      %cond3A_124 = arith.cmpi ne, %convert_element_type3A_122, %cond3A_123 : i32
      scf.if %cond3A_124 {
        %add3A_127 = arith.constant 1 : i32
        %add3A_128 = arith.addi %add3A_112, %add3A_127 : i32
        %mul3A_129 = arith.constant 128 : i32
        %mul3A_130 = arith.muli %add3A_128, %mul3A_129 : i32
        %add3A_131 = arith.addi %multiple_of3A, %mul3A_130 : i32
        %multiple_of3A_132 = tpu.assume_multiple %add3A_131, 8 : i32
        "tpu.region"() ({
          %run_scoped3A = tpu.sem_alloc : memref<!tpu.dma_semaphore, #tpu.memory_space<semaphore_mem>>
          %dma_start3A_133 = tpu.memref_slice %arg2[%multiple_of3A_132] : memref<320000xi32, #tpu.memory_space<hbm>> -> memref<128xi32, #tpu.memory_space<hbm>>
          %dma_start3A_134 = tpu.memref_slice %arg2[%multiple_of3A_132] : memref<320000xi32, #tpu.memory_space<hbm>> -> memref<128xi32, #tpu.memory_space<hbm>>
          tpu.enqueue_dma source(%dma_start3A_134 : memref<128xi32, #tpu.memory_space<hbm>>) target(%arg6 : memref<128xi32, #tpu.memory_space<vmem>>) target_semaphore(%run_scoped3A : memref<!tpu.dma_semaphore, #tpu.memory_space<semaphore_mem>>)
          %dma_wait3A_135 = tpu.memref_slice %arg2[%multiple_of3A_132] : memref<320000xi32, #tpu.memory_space<hbm>> -> memref<128xi32, #tpu.memory_space<hbm>>
          %dma_wait3A_136 = tpu.memref_slice %arg2[%multiple_of3A_132] : memref<320000xi32, #tpu.memory_space<hbm>> -> memref<128xi32, #tpu.memory_space<hbm>>
          tpu.wait_dma2 semaphore(%run_scoped3A : memref<!tpu.dma_semaphore, #tpu.memory_space<semaphore_mem>>) src(%dma_wait3A_136 : memref<128xi32, #tpu.memory_space<hbm>>) dst(%arg6 : memref<128xi32, #tpu.memory_space<vmem>>)
          tpu.yield
        }) : () -> ()
      } else {
      }
      %dma_start3A_125 = arith.constant 0 : i32
      %dma_start3A_126 = tpu.memref_slice %arg11[%dma_start3A_125] : memref<10000xf32, #tpu.memory_space<vmem_shared>> -> memref<10000xf32, #tpu.memory_space<vmem_shared>>
      tpu.enqueue_indirect_dma source(%arg10 : memref<128xf32, #tpu.memory_space<vmem>>) target(%dma_start3A_126 : memref<10000xf32, #tpu.memory_space<vmem_shared>>) offsets(%arg8 : memref<128xi32, #tpu.memory_space<vmem>>) semaphore(%arg14 : memref<!tpu.dma_semaphore, #tpu.memory_space<semaphore_mem>>) {add = true}
    }
    %scan3A_58 = arith.constant 26 : i32
    %dma_wait3A = arith.constant 0 : i32
    %dma_wait3A_59 = tpu.memref_slice %arg11[%dma_wait3A] : memref<10000xf32, #tpu.memory_space<vmem_shared>> -> memref<10000xf32, #tpu.memory_space<vmem_shared>>
    tpu.wait_indirect_dma semaphore(%arg13 : memref<!tpu.dma_semaphore, #tpu.memory_space<semaphore_mem>>) src(%arg10 : memref<128xf32, #tpu.memory_space<vmem>>) dst(%dma_wait3A_59 : memref<10000xf32, #tpu.memory_space<vmem_shared>>)
    %dma_wait3A_60 = arith.constant 0 : i32
    %dma_wait3A_61 = tpu.memref_slice %arg11[%dma_wait3A_60] : memref<10000xf32, #tpu.memory_space<vmem_shared>> -> memref<10000xf32, #tpu.memory_space<vmem_shared>>
    tpu.wait_indirect_dma semaphore(%arg14 : memref<!tpu.dma_semaphore, #tpu.memory_space<semaphore_mem>>) src(%arg10 : memref<128xf32, #tpu.memory_space<vmem>>) dst(%dma_wait3A_61 : memref<10000xf32, #tpu.memory_space<vmem_shared>>)
    %add3A_62 = arith.constant 9984 : i32
    %add3A_63 = arith.addi %multiple_of3A, %add3A_62 : i32
    %multiple_of3A_64 = tpu.assume_multiple %add3A_63, 8 : i32
    "tpu.region"() ({
      %run_scoped3A = tpu.sem_alloc : memref<!tpu.dma_semaphore, #tpu.memory_space<semaphore_mem>>
      %dma_start3A = tpu.memref_slice %arg2[%multiple_of3A_64] : memref<320000xi32, #tpu.memory_space<hbm>> -> memref<16xi32, #tpu.memory_space<hbm>>
      %dma_start3A_81 = tpu.memref_slice %arg2[%multiple_of3A_64] : memref<320000xi32, #tpu.memory_space<hbm>> -> memref<16xi32, #tpu.memory_space<hbm>>
      tpu.enqueue_dma source(%dma_start3A_81 : memref<16xi32, #tpu.memory_space<hbm>>) target(%arg9 : memref<16xi32, #tpu.memory_space<vmem>>) target_semaphore(%run_scoped3A : memref<!tpu.dma_semaphore, #tpu.memory_space<semaphore_mem>>)
      %dma_wait3A_82 = tpu.memref_slice %arg2[%multiple_of3A_64] : memref<320000xi32, #tpu.memory_space<hbm>> -> memref<16xi32, #tpu.memory_space<hbm>>
      %dma_wait3A_83 = tpu.memref_slice %arg2[%multiple_of3A_64] : memref<320000xi32, #tpu.memory_space<hbm>> -> memref<16xi32, #tpu.memory_space<hbm>>
      tpu.wait_dma2 semaphore(%run_scoped3A : memref<!tpu.dma_semaphore, #tpu.memory_space<semaphore_mem>>) src(%dma_wait3A_83 : memref<16xi32, #tpu.memory_space<hbm>>) dst(%arg9 : memref<16xi32, #tpu.memory_space<vmem>>)
      tpu.yield
    }) : () -> ()
    "tpu.region"() ({
      %run_scoped3A = tpu.sem_alloc : memref<!tpu.dma_semaphore, #tpu.memory_space<semaphore_mem>>
      %dma_start3A = arith.constant 0 : i32
      %dma_start3A_81 = tpu.memref_slice %arg10[%dma_start3A] : memref<128xf32, #tpu.memory_space<vmem>> -> memref<16xf32, #tpu.memory_space<vmem>>
      %dma_start3A_82 = arith.constant 0 : i32
      %dma_start3A_83 = tpu.memref_slice %arg11[%dma_start3A_82] : memref<10000xf32, #tpu.memory_space<vmem_shared>> -> memref<10000xf32, #tpu.memory_space<vmem_shared>>
      tpu.enqueue_indirect_dma source(%dma_start3A_81 : memref<16xf32, #tpu.memory_space<vmem>>) target(%dma_start3A_83 : memref<10000xf32, #tpu.memory_space<vmem_shared>>) offsets(%arg9 : memref<16xi32, #tpu.memory_space<vmem>>) semaphore(%run_scoped3A : memref<!tpu.dma_semaphore, #tpu.memory_space<semaphore_mem>>) {add = true}
      %dma_wait3A_84 = arith.constant 0 : i32
      %dma_wait3A_85 = tpu.memref_slice %arg10[%dma_wait3A_84] : memref<128xf32, #tpu.memory_space<vmem>> -> memref<16xf32, #tpu.memory_space<vmem>>
      %dma_wait3A_86 = arith.constant 0 : i32
      %dma_wait3A_87 = tpu.memref_slice %arg11[%dma_wait3A_86] : memref<10000xf32, #tpu.memory_space<vmem_shared>> -> memref<10000xf32, #tpu.memory_space<vmem_shared>>
      tpu.wait_indirect_dma semaphore(%run_scoped3A : memref<!tpu.dma_semaphore, #tpu.memory_space<semaphore_mem>>) src(%dma_wait3A_85 : memref<16xf32, #tpu.memory_space<vmem>>) dst(%dma_wait3A_87 : memref<10000xf32, #tpu.memory_space<vmem_shared>>)
      tpu.yield
    }) : () -> ()
    %barrier3A_65 = arith.constant 0 : index
    tpu.barrier barrier_id(%barrier3A_65)
    %eq3A_66 = arith.constant 0 : i32
    %eq3A_67 = arith.cmpi eq, %arg1, %eq3A_66 : i32
    %eq3A_68 = arith.constant 0 : i32
    %eq3A_69 = arith.cmpi eq, %arg0, %eq3A_68 : i32
    %and3A = arith.andi %eq3A_67, %eq3A_69 : i1
    %convert_element_type3A_70 = arith.extui %and3A : i1 to i32
    %cond3A_71 = arith.constant 0 : i32
    %cond3A_72 = arith.cmpi ne, %convert_element_type3A_70, %cond3A_71 : i32
    scf.if %cond3A_72 {
      "tpu.region"() ({
        %run_scoped3A = tpu.sem_alloc : memref<!tpu.dma_semaphore, #tpu.memory_space<semaphore_mem>>
        tpu.enqueue_dma source(%arg11 : memref<10000xf32, #tpu.memory_space<vmem_shared>>) target(%arg4 : memref<10000xf32, #tpu.memory_space<hbm>>) target_semaphore(%run_scoped3A : memref<!tpu.dma_semaphore, #tpu.memory_space<semaphore_mem>>)
        tpu.wait_dma2 semaphore(%run_scoped3A : memref<!tpu.dma_semaphore, #tpu.memory_space<semaphore_mem>>) src(%arg11 : memref<10000xf32, #tpu.memory_space<vmem_shared>>) dst(%arg4 : memref<10000xf32, #tpu.memory_space<hbm>>)
        tpu.yield
      }) : () -> ()
    } else {
    }
    %eq3A_73 = arith.constant 0 : i32
    %eq3A_74 = arith.cmpi eq, %arg1, %eq3A_73 : i32
    %eq3A_75 = arith.constant 1 : i32
    %eq3A_76 = arith.cmpi eq, %arg0, %eq3A_75 : i32
    %and3A_77 = arith.andi %eq3A_74, %eq3A_76 : i1
    %convert_element_type3A_78 = arith.extui %and3A_77 : i1 to i32
    %cond3A_79 = arith.constant 0 : i32
    %cond3A_80 = arith.cmpi ne, %convert_element_type3A_78, %cond3A_79 : i32
    scf.if %cond3A_80 {
      "tpu.region"() ({
        %run_scoped3A = tpu.sem_alloc : memref<!tpu.dma_semaphore, #tpu.memory_space<semaphore_mem>>
        tpu.enqueue_dma source(%arg11 : memref<10000xf32, #tpu.memory_space<vmem_shared>>) target(%arg5 : memref<10000xf32, #tpu.memory_space<hbm>>) target_semaphore(%run_scoped3A : memref<!tpu.dma_semaphore, #tpu.memory_space<semaphore_mem>>)
        tpu.wait_dma2 semaphore(%run_scoped3A : memref<!tpu.dma_semaphore, #tpu.memory_space<semaphore_mem>>) src(%arg11 : memref<10000xf32, #tpu.memory_space<vmem_shared>>) dst(%arg5 : memref<10000xf32, #tpu.memory_space<hbm>>)
        tpu.yield
      }) : () -> ()
    } else {
    }
    return
  }
}

#map = affine_map<(d0, d1) -> (0, 0)>
#map1 = affine_map<(d0, d1) -> (0)>
#map2 = affine_map<(d0, d1) -> (0, 0, 0)>
module attributes {stable_mosaic.version = 14 : i64} {
  func.func @k(%arg0: i32, %arg1: i32, %arg2: memref<10000x128xf32, #tpu.memory_space<hbm>>, %arg3: memref<320000xi32, #tpu.memory_space<hbm>>, %arg4: memref<320000xi32, #tpu.memory_space<hbm>>, %arg5: memref<10000x128xf32, #tpu.memory_space<hbm>>, %arg6: memref<2x10000x128xf32, #tpu.memory_space<hbm>>, %arg7: memref<128xi32, #tpu.memory_space<vmem>>, %arg8: memref<128xi32, #tpu.memory_space<vmem>>, %arg9: memref<128xi32, #tpu.memory_space<vmem>>, %arg10: memref<128xi32, #tpu.memory_space<vmem>>, %arg11: memref<128xi32, #tpu.memory_space<vmem>>, %arg12: memref<128xi32, #tpu.memory_space<vmem>>, %arg13: memref<128x128xf32, #tpu.memory_space<vmem>>, %arg14: memref<128x128xf32, #tpu.memory_space<vmem>>, %arg15: memref<128x128xf32, #tpu.memory_space<vmem>>, %arg16: memref<16xi32, #tpu.memory_space<vmem>>, %arg17: memref<10000x128xf32, #tpu.memory_space<vmem_shared>>, %arg18: memref<!tpu.dma_semaphore, #tpu.memory_space<semaphore_mem>>, %arg19: memref<!tpu.dma_semaphore, #tpu.memory_space<semaphore_mem>>, %arg20: memref<!tpu.dma_semaphore, #tpu.memory_space<semaphore_mem>>, %arg21: memref<!tpu.dma_semaphore, #tpu.memory_space<semaphore_mem>>, %arg22: memref<!tpu.dma_semaphore, #tpu.memory_space<semaphore_mem>>, %arg23: memref<!tpu.dma_semaphore, #tpu.memory_space<semaphore_mem>>) attributes {dimension_semantics = [#tpu.dimension_semantics<core_parallel>, #tpu.dimension_semantics<subcore_parallel>], iteration_bounds = array<i64: 2, 16>, scalar_prefetch = 0 : i64, scratch_operands = 17 : i64, tpu.core_type = #tpu.core_type<sc_vector_subcore>, window_params = [{transform_indices = #map}, {transform_indices = #map1}, {transform_indices = #map1}, {transform_indices = #map}, {transform_indices = #map2}]} {
    %mul3A = arith.constant 2 : i32
    %mul3A_0 = arith.muli %arg1, %mul3A : i32
    %add3A = arith.addi %mul3A_0, %arg0 : i32
    %mul3A_1 = arith.constant 10000 : i32
    %mul3A_2 = arith.muli %add3A, %mul3A_1 : i32
    %multiple_of3A = tpu.assume_multiple %mul3A_2, 8 : i32
    %eq3A = arith.constant 0 : i32
    %eq3A_3 = arith.cmpi eq, %arg1, %eq3A : i32
    %convert_element_type3A = arith.extui %eq3A_3 : i1 to i32
    %cond3A = arith.constant 0 : i32
    %cond3A_4 = arith.cmpi ne, %convert_element_type3A, %cond3A : i32
    scf.if %cond3A_4 {
      "tpu.region"() ({
        %run_scoped3A = tpu.sem_alloc : memref<!tpu.dma_semaphore, #tpu.memory_space<semaphore_mem>>
        %dma_start3A_54 = arith.constant 0 : i32
        %dma_start3A_55 = arith.constant 0 : i32
        %dma_start3A_56 = tpu.memref_slice %arg17[%dma_start3A_54, %dma_start3A_55] : memref<10000x128xf32, #tpu.memory_space<vmem_shared>> -> memref<640x128xf32, #tpu.memory_space<vmem_shared>>
        %dma_start3A_57 = arith.constant 0 : i32
        %dma_start3A_58 = arith.constant 0 : i32
        %dma_start3A_59 = tpu.memref_slice %arg5[%dma_start3A_57, %dma_start3A_58] : memref<10000x128xf32, #tpu.memory_space<hbm>> -> memref<640x128xf32, #tpu.memory_space<hbm>>
        tpu.enqueue_dma source(%dma_start3A_59 : memref<640x128xf32, #tpu.memory_space<hbm>>) target(%dma_start3A_56 : memref<640x128xf32, #tpu.memory_space<vmem_shared>>) target_semaphore(%run_scoped3A : memref<!tpu.dma_semaphore, #tpu.memory_space<semaphore_mem>>)
        %dma_wait3A_60 = arith.constant 0 : i32
        %dma_wait3A_61 = arith.constant 0 : i32
        %dma_wait3A_62 = tpu.memref_slice %arg17[%dma_wait3A_60, %dma_wait3A_61] : memref<10000x128xf32, #tpu.memory_space<vmem_shared>> -> memref<640x128xf32, #tpu.memory_space<vmem_shared>>
        %dma_wait3A_63 = arith.constant 0 : i32
        %dma_wait3A_64 = arith.constant 0 : i32
        %dma_wait3A_65 = tpu.memref_slice %arg5[%dma_wait3A_63, %dma_wait3A_64] : memref<10000x128xf32, #tpu.memory_space<hbm>> -> memref<640x128xf32, #tpu.memory_space<hbm>>
        tpu.wait_dma2 semaphore(%run_scoped3A : memref<!tpu.dma_semaphore, #tpu.memory_space<semaphore_mem>>) src(%dma_wait3A_65 : memref<640x128xf32, #tpu.memory_space<hbm>>) dst(%dma_wait3A_62 : memref<640x128xf32, #tpu.memory_space<vmem_shared>>)
        tpu.yield
      }) : () -> ()
    } else {
    }
    %gt3A = arith.constant 0 : i32
    %gt3A_5 = arith.cmpi sgt, %arg1, %gt3A : i32
    %convert_element_type3A_6 = arith.extui %gt3A_5 : i1 to i32
    %cond3A_7 = arith.constant 0 : i32
    %cond3A_8 = arith.cmpi ne, %convert_element_type3A_6, %cond3A_7 : i32
    scf.if %cond3A_8 {
      %mul3A_54 = arith.constant 624 : i32
      %mul3A_55 = arith.muli %mul3A_54, %arg1 : i32
      %add3A_56 = arith.constant 16 : i32
      %add3A_57 = arith.addi %mul3A_55, %add3A_56 : i32
      %multiple_of3A_58 = tpu.assume_multiple %add3A_57, 8 : i32
      "tpu.region"() ({
        %run_scoped3A = tpu.sem_alloc : memref<!tpu.dma_semaphore, #tpu.memory_space<semaphore_mem>>
        %dma_start3A_59 = arith.constant 0 : i32
        %dma_start3A_60 = tpu.memref_slice %arg17[%multiple_of3A_58, %dma_start3A_59] : memref<10000x128xf32, #tpu.memory_space<vmem_shared>> -> memref<624x128xf32, #tpu.memory_space<vmem_shared>>
        %dma_start3A_61 = arith.constant 0 : i32
        %dma_start3A_62 = tpu.memref_slice %arg5[%multiple_of3A_58, %dma_start3A_61] : memref<10000x128xf32, #tpu.memory_space<hbm>> -> memref<624x128xf32, #tpu.memory_space<hbm>>
        tpu.enqueue_dma source(%dma_start3A_62 : memref<624x128xf32, #tpu.memory_space<hbm>>) target(%dma_start3A_60 : memref<624x128xf32, #tpu.memory_space<vmem_shared>>) target_semaphore(%run_scoped3A : memref<!tpu.dma_semaphore, #tpu.memory_space<semaphore_mem>>)
        %dma_wait3A_63 = arith.constant 0 : i32
        %dma_wait3A_64 = tpu.memref_slice %arg17[%multiple_of3A_58, %dma_wait3A_63] : memref<10000x128xf32, #tpu.memory_space<vmem_shared>> -> memref<624x128xf32, #tpu.memory_space<vmem_shared>>
        %dma_wait3A_65 = arith.constant 0 : i32
        %dma_wait3A_66 = tpu.memref_slice %arg5[%multiple_of3A_58, %dma_wait3A_65] : memref<10000x128xf32, #tpu.memory_space<hbm>> -> memref<624x128xf32, #tpu.memory_space<hbm>>
        tpu.wait_dma2 semaphore(%run_scoped3A : memref<!tpu.dma_semaphore, #tpu.memory_space<semaphore_mem>>) src(%dma_wait3A_66 : memref<624x128xf32, #tpu.memory_space<hbm>>) dst(%dma_wait3A_64 : memref<624x128xf32, #tpu.memory_space<vmem_shared>>)
        tpu.yield
      }) : () -> ()
    } else {
    }
    %barrier3A = arith.constant 0 : index
    tpu.barrier barrier_id(%barrier3A)
    %add3A_9 = arith.constant 0 : i32
    %add3A_10 = arith.addi %multiple_of3A, %add3A_9 : i32
    %multiple_of3A_11 = tpu.assume_multiple %add3A_10, 8 : i32
    "tpu.region"() ({
      %run_scoped3A = tpu.sem_alloc : memref<!tpu.dma_semaphore, #tpu.memory_space<semaphore_mem>>
      %dma_start3A_54 = tpu.memref_slice %arg3[%multiple_of3A_11] : memref<320000xi32, #tpu.memory_space<hbm>> -> memref<128xi32, #tpu.memory_space<hbm>>
      %dma_start3A_55 = tpu.memref_slice %arg3[%multiple_of3A_11] : memref<320000xi32, #tpu.memory_space<hbm>> -> memref<128xi32, #tpu.memory_space<hbm>>
      tpu.enqueue_dma source(%dma_start3A_55 : memref<128xi32, #tpu.memory_space<hbm>>) target(%arg7 : memref<128xi32, #tpu.memory_space<vmem>>) target_semaphore(%run_scoped3A : memref<!tpu.dma_semaphore, #tpu.memory_space<semaphore_mem>>)
      %dma_wait3A_56 = tpu.memref_slice %arg3[%multiple_of3A_11] : memref<320000xi32, #tpu.memory_space<hbm>> -> memref<128xi32, #tpu.memory_space<hbm>>
      %dma_wait3A_57 = tpu.memref_slice %arg3[%multiple_of3A_11] : memref<320000xi32, #tpu.memory_space<hbm>> -> memref<128xi32, #tpu.memory_space<hbm>>
      tpu.wait_dma2 semaphore(%run_scoped3A : memref<!tpu.dma_semaphore, #tpu.memory_space<semaphore_mem>>) src(%dma_wait3A_57 : memref<128xi32, #tpu.memory_space<hbm>>) dst(%arg7 : memref<128xi32, #tpu.memory_space<vmem>>)
      tpu.yield
    }) : () -> ()
    "tpu.region"() ({
      %run_scoped3A = tpu.sem_alloc : memref<!tpu.dma_semaphore, #tpu.memory_space<semaphore_mem>>
      %dma_start3A_54 = tpu.memref_slice %arg4[%multiple_of3A_11] : memref<320000xi32, #tpu.memory_space<hbm>> -> memref<128xi32, #tpu.memory_space<hbm>>
      %dma_start3A_55 = tpu.memref_slice %arg4[%multiple_of3A_11] : memref<320000xi32, #tpu.memory_space<hbm>> -> memref<128xi32, #tpu.memory_space<hbm>>
      tpu.enqueue_dma source(%dma_start3A_55 : memref<128xi32, #tpu.memory_space<hbm>>) target(%arg10 : memref<128xi32, #tpu.memory_space<vmem>>) target_semaphore(%run_scoped3A : memref<!tpu.dma_semaphore, #tpu.memory_space<semaphore_mem>>)
      %dma_wait3A_56 = tpu.memref_slice %arg4[%multiple_of3A_11] : memref<320000xi32, #tpu.memory_space<hbm>> -> memref<128xi32, #tpu.memory_space<hbm>>
      %dma_wait3A_57 = tpu.memref_slice %arg4[%multiple_of3A_11] : memref<320000xi32, #tpu.memory_space<hbm>> -> memref<128xi32, #tpu.memory_space<hbm>>
      tpu.wait_dma2 semaphore(%run_scoped3A : memref<!tpu.dma_semaphore, #tpu.memory_space<semaphore_mem>>) src(%dma_wait3A_57 : memref<128xi32, #tpu.memory_space<hbm>>) dst(%arg10 : memref<128xi32, #tpu.memory_space<vmem>>)
      tpu.yield
    }) : () -> ()
    %dma_start3A = arith.constant 0 : i32
    %dma_start3A_12 = arith.constant 0 : i32
    %dma_start3A_13 = tpu.memref_slice %arg2[%dma_start3A, %dma_start3A_12] : memref<10000x128xf32, #tpu.memory_space<hbm>> -> memref<10000x128xf32, #tpu.memory_space<hbm>>
    tpu.enqueue_indirect_dma source(%dma_start3A_13 : memref<10000x128xf32, #tpu.memory_space<hbm>>) target(%arg13 : memref<128x128xf32, #tpu.memory_space<vmem>>) offsets(%arg7 : memref<128xi32, #tpu.memory_space<vmem>>) semaphore(%arg18 : memref<!tpu.dma_semaphore, #tpu.memory_space<semaphore_mem>>)
    %scan3A = arith.constant 0 : i32
    %scan3A_14 = arith.constant 0 : i32
    %scan3A_15 = arith.constant 26 : i32
    %scan3A_16 = arith.addi %scan3A_14, %scan3A_15 : i32
    %scan3A_17 = arith.constant 1 : i32
    scf.for %scan3A_54 = %scan3A_14 to %scan3A_16 step %scan3A_17  : i32 {
      %mul3A_55 = arith.constant 3 : i32
      %mul3A_56 = arith.muli %mul3A_55, %scan3A_54 : i32
      %ge3A = arith.constant 2 : i32
      %ge3A_57 = arith.cmpi sge, %mul3A_56, %ge3A : i32
      %convert_element_type3A_58 = arith.extui %ge3A_57 : i1 to i32
      %cond3A_59 = arith.constant 0 : i32
      %cond3A_60 = arith.cmpi ne, %convert_element_type3A_58, %cond3A_59 : i32
      scf.if %cond3A_60 {
        %dma_wait3A_134 = arith.constant 0 : i32
        %dma_wait3A_135 = arith.constant 0 : i32
        %dma_wait3A_136 = tpu.memref_slice %arg17[%dma_wait3A_134, %dma_wait3A_135] : memref<10000x128xf32, #tpu.memory_space<vmem_shared>> -> memref<10000x128xf32, #tpu.memory_space<vmem_shared>>
        tpu.wait_indirect_dma semaphore(%arg22 : memref<!tpu.dma_semaphore, #tpu.memory_space<semaphore_mem>>) src(%arg14 : memref<128x128xf32, #tpu.memory_space<vmem>>) dst(%dma_wait3A_136 : memref<10000x128xf32, #tpu.memory_space<vmem_shared>>)
      } else {
      }
      %add3A_61 = arith.constant 1 : i32
      %add3A_62 = arith.addi %mul3A_56, %add3A_61 : i32
      %lt3A = arith.constant 78 : i32
      %lt3A_63 = arith.cmpi slt, %add3A_62, %lt3A : i32
      %convert_element_type3A_64 = arith.extui %lt3A_63 : i1 to i32
      %cond3A_65 = arith.constant 0 : i32
      %cond3A_66 = arith.cmpi ne, %convert_element_type3A_64, %cond3A_65 : i32
      scf.if %cond3A_66 {
        %add3A_134 = arith.constant 1 : i32
        %add3A_135 = arith.addi %mul3A_56, %add3A_134 : i32
        %mul3A_136 = arith.constant 128 : i32
        %mul3A_137 = arith.muli %add3A_135, %mul3A_136 : i32
        %add3A_138 = arith.addi %multiple_of3A, %mul3A_137 : i32
        %multiple_of3A_139 = tpu.assume_multiple %add3A_138, 8 : i32
        "tpu.region"() ({
          %run_scoped3A = tpu.sem_alloc : memref<!tpu.dma_semaphore, #tpu.memory_space<semaphore_mem>>
          %dma_start3A_140 = tpu.memref_slice %arg3[%multiple_of3A_139] : memref<320000xi32, #tpu.memory_space<hbm>> -> memref<128xi32, #tpu.memory_space<hbm>>
          %dma_start3A_141 = tpu.memref_slice %arg3[%multiple_of3A_139] : memref<320000xi32, #tpu.memory_space<hbm>> -> memref<128xi32, #tpu.memory_space<hbm>>
          tpu.enqueue_dma source(%dma_start3A_141 : memref<128xi32, #tpu.memory_space<hbm>>) target(%arg8 : memref<128xi32, #tpu.memory_space<vmem>>) target_semaphore(%run_scoped3A : memref<!tpu.dma_semaphore, #tpu.memory_space<semaphore_mem>>)
          %dma_wait3A_142 = tpu.memref_slice %arg3[%multiple_of3A_139] : memref<320000xi32, #tpu.memory_space<hbm>> -> memref<128xi32, #tpu.memory_space<hbm>>
          %dma_wait3A_143 = tpu.memref_slice %arg3[%multiple_of3A_139] : memref<320000xi32, #tpu.memory_space<hbm>> -> memref<128xi32, #tpu.memory_space<hbm>>
          tpu.wait_dma2 semaphore(%run_scoped3A : memref<!tpu.dma_semaphore, #tpu.memory_space<semaphore_mem>>) src(%dma_wait3A_143 : memref<128xi32, #tpu.memory_space<hbm>>) dst(%arg8 : memref<128xi32, #tpu.memory_space<vmem>>)
          tpu.yield
        }) : () -> ()
        "tpu.region"() ({
          %run_scoped3A = tpu.sem_alloc : memref<!tpu.dma_semaphore, #tpu.memory_space<semaphore_mem>>
          %dma_start3A_140 = tpu.memref_slice %arg4[%multiple_of3A_139] : memref<320000xi32, #tpu.memory_space<hbm>> -> memref<128xi32, #tpu.memory_space<hbm>>
          %dma_start3A_141 = tpu.memref_slice %arg4[%multiple_of3A_139] : memref<320000xi32, #tpu.memory_space<hbm>> -> memref<128xi32, #tpu.memory_space<hbm>>
          tpu.enqueue_dma source(%dma_start3A_141 : memref<128xi32, #tpu.memory_space<hbm>>) target(%arg11 : memref<128xi32, #tpu.memory_space<vmem>>) target_semaphore(%run_scoped3A : memref<!tpu.dma_semaphore, #tpu.memory_space<semaphore_mem>>)
          %dma_wait3A_142 = tpu.memref_slice %arg4[%multiple_of3A_139] : memref<320000xi32, #tpu.memory_space<hbm>> -> memref<128xi32, #tpu.memory_space<hbm>>
          %dma_wait3A_143 = tpu.memref_slice %arg4[%multiple_of3A_139] : memref<320000xi32, #tpu.memory_space<hbm>> -> memref<128xi32, #tpu.memory_space<hbm>>
          tpu.wait_dma2 semaphore(%run_scoped3A : memref<!tpu.dma_semaphore, #tpu.memory_space<semaphore_mem>>) src(%dma_wait3A_143 : memref<128xi32, #tpu.memory_space<hbm>>) dst(%arg11 : memref<128xi32, #tpu.memory_space<vmem>>)
          tpu.yield
        }) : () -> ()
      } else {
      }
      %dma_wait3A_67 = arith.constant 0 : i32
      %dma_wait3A_68 = arith.constant 0 : i32
      %dma_wait3A_69 = tpu.memref_slice %arg2[%dma_wait3A_67, %dma_wait3A_68] : memref<10000x128xf32, #tpu.memory_space<hbm>> -> memref<10000x128xf32, #tpu.memory_space<hbm>>
      tpu.wait_indirect_dma semaphore(%arg18 : memref<!tpu.dma_semaphore, #tpu.memory_space<semaphore_mem>>) src(%dma_wait3A_69 : memref<10000x128xf32, #tpu.memory_space<hbm>>) dst(%arg13 : memref<128x128xf32, #tpu.memory_space<vmem>>)
      %add3A_70 = arith.constant 1 : i32
      %add3A_71 = arith.addi %mul3A_56, %add3A_70 : i32
      %lt3A_72 = arith.constant 78 : i32
      %lt3A_73 = arith.cmpi slt, %add3A_71, %lt3A_72 : i32
      %convert_element_type3A_74 = arith.extui %lt3A_73 : i1 to i32
      %cond3A_75 = arith.constant 0 : i32
      %cond3A_76 = arith.cmpi ne, %convert_element_type3A_74, %cond3A_75 : i32
      scf.if %cond3A_76 {
        %dma_start3A_134 = arith.constant 0 : i32
        %dma_start3A_135 = arith.constant 0 : i32
        %dma_start3A_136 = tpu.memref_slice %arg2[%dma_start3A_134, %dma_start3A_135] : memref<10000x128xf32, #tpu.memory_space<hbm>> -> memref<10000x128xf32, #tpu.memory_space<hbm>>
        tpu.enqueue_indirect_dma source(%dma_start3A_136 : memref<10000x128xf32, #tpu.memory_space<hbm>>) target(%arg14 : memref<128x128xf32, #tpu.memory_space<vmem>>) offsets(%arg8 : memref<128xi32, #tpu.memory_space<vmem>>) semaphore(%arg19 : memref<!tpu.dma_semaphore, #tpu.memory_space<semaphore_mem>>)
      } else {
      }
      %dma_start3A_77 = arith.constant 0 : i32
      %dma_start3A_78 = arith.constant 0 : i32
      %dma_start3A_79 = tpu.memref_slice %arg17[%dma_start3A_77, %dma_start3A_78] : memref<10000x128xf32, #tpu.memory_space<vmem_shared>> -> memref<10000x128xf32, #tpu.memory_space<vmem_shared>>
      tpu.enqueue_indirect_dma source(%arg13 : memref<128x128xf32, #tpu.memory_space<vmem>>) target(%dma_start3A_79 : memref<10000x128xf32, #tpu.memory_space<vmem_shared>>) offsets(%arg10 : memref<128xi32, #tpu.memory_space<vmem>>) semaphore(%arg21 : memref<!tpu.dma_semaphore, #tpu.memory_space<semaphore_mem>>) {add = true}
      %add3A_80 = arith.constant 1 : i32
      %add3A_81 = arith.addi %mul3A_56, %add3A_80 : i32
      %ge3A_82 = arith.constant 2 : i32
      %ge3A_83 = arith.cmpi sge, %add3A_81, %ge3A_82 : i32
      %convert_element_type3A_84 = arith.extui %ge3A_83 : i1 to i32
      %cond3A_85 = arith.constant 0 : i32
      %cond3A_86 = arith.cmpi ne, %convert_element_type3A_84, %cond3A_85 : i32
      scf.if %cond3A_86 {
        %dma_wait3A_134 = arith.constant 0 : i32
        %dma_wait3A_135 = arith.constant 0 : i32
        %dma_wait3A_136 = tpu.memref_slice %arg17[%dma_wait3A_134, %dma_wait3A_135] : memref<10000x128xf32, #tpu.memory_space<vmem_shared>> -> memref<10000x128xf32, #tpu.memory_space<vmem_shared>>
        tpu.wait_indirect_dma semaphore(%arg23 : memref<!tpu.dma_semaphore, #tpu.memory_space<semaphore_mem>>) src(%arg15 : memref<128x128xf32, #tpu.memory_space<vmem>>) dst(%dma_wait3A_136 : memref<10000x128xf32, #tpu.memory_space<vmem_shared>>)
      } else {
      }
      %add3A_87 = arith.constant 1 : i32
      %add3A_88 = arith.addi %add3A_81, %add3A_87 : i32
      %lt3A_89 = arith.constant 78 : i32
      %lt3A_90 = arith.cmpi slt, %add3A_88, %lt3A_89 : i32
      %convert_element_type3A_91 = arith.extui %lt3A_90 : i1 to i32
      %cond3A_92 = arith.constant 0 : i32
      %cond3A_93 = arith.cmpi ne, %convert_element_type3A_91, %cond3A_92 : i32
      scf.if %cond3A_93 {
        %add3A_134 = arith.constant 1 : i32
        %add3A_135 = arith.addi %add3A_81, %add3A_134 : i32
        %mul3A_136 = arith.constant 128 : i32
        %mul3A_137 = arith.muli %add3A_135, %mul3A_136 : i32
        %add3A_138 = arith.addi %multiple_of3A, %mul3A_137 : i32
        %multiple_of3A_139 = tpu.assume_multiple %add3A_138, 8 : i32
        "tpu.region"() ({
          %run_scoped3A = tpu.sem_alloc : memref<!tpu.dma_semaphore, #tpu.memory_space<semaphore_mem>>
          %dma_start3A_140 = tpu.memref_slice %arg3[%multiple_of3A_139] : memref<320000xi32, #tpu.memory_space<hbm>> -> memref<128xi32, #tpu.memory_space<hbm>>
          %dma_start3A_141 = tpu.memref_slice %arg3[%multiple_of3A_139] : memref<320000xi32, #tpu.memory_space<hbm>> -> memref<128xi32, #tpu.memory_space<hbm>>
          tpu.enqueue_dma source(%dma_start3A_141 : memref<128xi32, #tpu.memory_space<hbm>>) target(%arg9 : memref<128xi32, #tpu.memory_space<vmem>>) target_semaphore(%run_scoped3A : memref<!tpu.dma_semaphore, #tpu.memory_space<semaphore_mem>>)
          %dma_wait3A_142 = tpu.memref_slice %arg3[%multiple_of3A_139] : memref<320000xi32, #tpu.memory_space<hbm>> -> memref<128xi32, #tpu.memory_space<hbm>>
          %dma_wait3A_143 = tpu.memref_slice %arg3[%multiple_of3A_139] : memref<320000xi32, #tpu.memory_space<hbm>> -> memref<128xi32, #tpu.memory_space<hbm>>
          tpu.wait_dma2 semaphore(%run_scoped3A : memref<!tpu.dma_semaphore, #tpu.memory_space<semaphore_mem>>) src(%dma_wait3A_143 : memref<128xi32, #tpu.memory_space<hbm>>) dst(%arg9 : memref<128xi32, #tpu.memory_space<vmem>>)
          tpu.yield
        }) : () -> ()
        "tpu.region"() ({
          %run_scoped3A = tpu.sem_alloc : memref<!tpu.dma_semaphore, #tpu.memory_space<semaphore_mem>>
          %dma_start3A_140 = tpu.memref_slice %arg4[%multiple_of3A_139] : memref<320000xi32, #tpu.memory_space<hbm>> -> memref<128xi32, #tpu.memory_space<hbm>>
          %dma_start3A_141 = tpu.memref_slice %arg4[%multiple_of3A_139] : memref<320000xi32, #tpu.memory_space<hbm>> -> memref<128xi32, #tpu.memory_space<hbm>>
          tpu.enqueue_dma source(%dma_start3A_141 : memref<128xi32, #tpu.memory_space<hbm>>) target(%arg12 : memref<128xi32, #tpu.memory_space<vmem>>) target_semaphore(%run_scoped3A : memref<!tpu.dma_semaphore, #tpu.memory_space<semaphore_mem>>)
          %dma_wait3A_142 = tpu.memref_slice %arg4[%multiple_of3A_139] : memref<320000xi32, #tpu.memory_space<hbm>> -> memref<128xi32, #tpu.memory_space<hbm>>
          %dma_wait3A_143 = tpu.memref_slice %arg4[%multiple_of3A_139] : memref<320000xi32, #tpu.memory_space<hbm>> -> memref<128xi32, #tpu.memory_space<hbm>>
          tpu.wait_dma2 semaphore(%run_scoped3A : memref<!tpu.dma_semaphore, #tpu.memory_space<semaphore_mem>>) src(%dma_wait3A_143 : memref<128xi32, #tpu.memory_space<hbm>>) dst(%arg12 : memref<128xi32, #tpu.memory_space<vmem>>)
          tpu.yield
        }) : () -> ()
      } else {
      }
      %dma_wait3A_94 = arith.constant 0 : i32
      %dma_wait3A_95 = arith.constant 0 : i32
      %dma_wait3A_96 = tpu.memref_slice %arg2[%dma_wait3A_94, %dma_wait3A_95] : memref<10000x128xf32, #tpu.memory_space<hbm>> -> memref<10000x128xf32, #tpu.memory_space<hbm>>
      tpu.wait_indirect_dma semaphore(%arg19 : memref<!tpu.dma_semaphore, #tpu.memory_space<semaphore_mem>>) src(%dma_wait3A_96 : memref<10000x128xf32, #tpu.memory_space<hbm>>) dst(%arg14 : memref<128x128xf32, #tpu.memory_space<vmem>>)
      %add3A_97 = arith.constant 1 : i32
      %add3A_98 = arith.addi %add3A_81, %add3A_97 : i32
      %lt3A_99 = arith.constant 78 : i32
      %lt3A_100 = arith.cmpi slt, %add3A_98, %lt3A_99 : i32
      %convert_element_type3A_101 = arith.extui %lt3A_100 : i1 to i32
      %cond3A_102 = arith.constant 0 : i32
      %cond3A_103 = arith.cmpi ne, %convert_element_type3A_101, %cond3A_102 : i32
      scf.if %cond3A_103 {
        %dma_start3A_134 = arith.constant 0 : i32
        %dma_start3A_135 = arith.constant 0 : i32
        %dma_start3A_136 = tpu.memref_slice %arg2[%dma_start3A_134, %dma_start3A_135] : memref<10000x128xf32, #tpu.memory_space<hbm>> -> memref<10000x128xf32, #tpu.memory_space<hbm>>
        tpu.enqueue_indirect_dma source(%dma_start3A_136 : memref<10000x128xf32, #tpu.memory_space<hbm>>) target(%arg15 : memref<128x128xf32, #tpu.memory_space<vmem>>) offsets(%arg9 : memref<128xi32, #tpu.memory_space<vmem>>) semaphore(%arg20 : memref<!tpu.dma_semaphore, #tpu.memory_space<semaphore_mem>>)
      } else {
      }
      %dma_start3A_104 = arith.constant 0 : i32
      %dma_start3A_105 = arith.constant 0 : i32
      %dma_start3A_106 = tpu.memref_slice %arg17[%dma_start3A_104, %dma_start3A_105] : memref<10000x128xf32, #tpu.memory_space<vmem_shared>> -> memref<10000x128xf32, #tpu.memory_space<vmem_shared>>
      tpu.enqueue_indirect_dma source(%arg14 : memref<128x128xf32, #tpu.memory_space<vmem>>) target(%dma_start3A_106 : memref<10000x128xf32, #tpu.memory_space<vmem_shared>>) offsets(%arg11 : memref<128xi32, #tpu.memory_space<vmem>>) semaphore(%arg22 : memref<!tpu.dma_semaphore, #tpu.memory_space<semaphore_mem>>) {add = true}
      %add3A_107 = arith.constant 2 : i32
      %add3A_108 = arith.addi %mul3A_56, %add3A_107 : i32
      %ge3A_109 = arith.constant 2 : i32
      %ge3A_110 = arith.cmpi sge, %add3A_108, %ge3A_109 : i32
      %convert_element_type3A_111 = arith.extui %ge3A_110 : i1 to i32
      %cond3A_112 = arith.constant 0 : i32
      %cond3A_113 = arith.cmpi ne, %convert_element_type3A_111, %cond3A_112 : i32
      scf.if %cond3A_113 {
        %dma_wait3A_134 = arith.constant 0 : i32
        %dma_wait3A_135 = arith.constant 0 : i32
        %dma_wait3A_136 = tpu.memref_slice %arg17[%dma_wait3A_134, %dma_wait3A_135] : memref<10000x128xf32, #tpu.memory_space<vmem_shared>> -> memref<10000x128xf32, #tpu.memory_space<vmem_shared>>
        tpu.wait_indirect_dma semaphore(%arg21 : memref<!tpu.dma_semaphore, #tpu.memory_space<semaphore_mem>>) src(%arg13 : memref<128x128xf32, #tpu.memory_space<vmem>>) dst(%dma_wait3A_136 : memref<10000x128xf32, #tpu.memory_space<vmem_shared>>)
      } else {
      }
      %add3A_114 = arith.constant 1 : i32
      %add3A_115 = arith.addi %add3A_108, %add3A_114 : i32
      %lt3A_116 = arith.constant 78 : i32
      %lt3A_117 = arith.cmpi slt, %add3A_115, %lt3A_116 : i32
      %convert_element_type3A_118 = arith.extui %lt3A_117 : i1 to i32
      %cond3A_119 = arith.constant 0 : i32
      %cond3A_120 = arith.cmpi ne, %convert_element_type3A_118, %cond3A_119 : i32
      scf.if %cond3A_120 {
        %add3A_134 = arith.constant 1 : i32
        %add3A_135 = arith.addi %add3A_108, %add3A_134 : i32
        %mul3A_136 = arith.constant 128 : i32
        %mul3A_137 = arith.muli %add3A_135, %mul3A_136 : i32
        %add3A_138 = arith.addi %multiple_of3A, %mul3A_137 : i32
        %multiple_of3A_139 = tpu.assume_multiple %add3A_138, 8 : i32
        "tpu.region"() ({
          %run_scoped3A = tpu.sem_alloc : memref<!tpu.dma_semaphore, #tpu.memory_space<semaphore_mem>>
          %dma_start3A_140 = tpu.memref_slice %arg3[%multiple_of3A_139] : memref<320000xi32, #tpu.memory_space<hbm>> -> memref<128xi32, #tpu.memory_space<hbm>>
          %dma_start3A_141 = tpu.memref_slice %arg3[%multiple_of3A_139] : memref<320000xi32, #tpu.memory_space<hbm>> -> memref<128xi32, #tpu.memory_space<hbm>>
          tpu.enqueue_dma source(%dma_start3A_141 : memref<128xi32, #tpu.memory_space<hbm>>) target(%arg7 : memref<128xi32, #tpu.memory_space<vmem>>) target_semaphore(%run_scoped3A : memref<!tpu.dma_semaphore, #tpu.memory_space<semaphore_mem>>)
          %dma_wait3A_142 = tpu.memref_slice %arg3[%multiple_of3A_139] : memref<320000xi32, #tpu.memory_space<hbm>> -> memref<128xi32, #tpu.memory_space<hbm>>
          %dma_wait3A_143 = tpu.memref_slice %arg3[%multiple_of3A_139] : memref<320000xi32, #tpu.memory_space<hbm>> -> memref<128xi32, #tpu.memory_space<hbm>>
          tpu.wait_dma2 semaphore(%run_scoped3A : memref<!tpu.dma_semaphore, #tpu.memory_space<semaphore_mem>>) src(%dma_wait3A_143 : memref<128xi32, #tpu.memory_space<hbm>>) dst(%arg7 : memref<128xi32, #tpu.memory_space<vmem>>)
          tpu.yield
        }) : () -> ()
        "tpu.region"() ({
          %run_scoped3A = tpu.sem_alloc : memref<!tpu.dma_semaphore, #tpu.memory_space<semaphore_mem>>
          %dma_start3A_140 = tpu.memref_slice %arg4[%multiple_of3A_139] : memref<320000xi32, #tpu.memory_space<hbm>> -> memref<128xi32, #tpu.memory_space<hbm>>
          %dma_start3A_141 = tpu.memref_slice %arg4[%multiple_of3A_139] : memref<320000xi32, #tpu.memory_space<hbm>> -> memref<128xi32, #tpu.memory_space<hbm>>
          tpu.enqueue_dma source(%dma_start3A_141 : memref<128xi32, #tpu.memory_space<hbm>>) target(%arg10 : memref<128xi32, #tpu.memory_space<vmem>>) target_semaphore(%run_scoped3A : memref<!tpu.dma_semaphore, #tpu.memory_space<semaphore_mem>>)
          %dma_wait3A_142 = tpu.memref_slice %arg4[%multiple_of3A_139] : memref<320000xi32, #tpu.memory_space<hbm>> -> memref<128xi32, #tpu.memory_space<hbm>>
          %dma_wait3A_143 = tpu.memref_slice %arg4[%multiple_of3A_139] : memref<320000xi32, #tpu.memory_space<hbm>> -> memref<128xi32, #tpu.memory_space<hbm>>
          tpu.wait_dma2 semaphore(%run_scoped3A : memref<!tpu.dma_semaphore, #tpu.memory_space<semaphore_mem>>) src(%dma_wait3A_143 : memref<128xi32, #tpu.memory_space<hbm>>) dst(%arg10 : memref<128xi32, #tpu.memory_space<vmem>>)
          tpu.yield
        }) : () -> ()
      } else {
      }
      %dma_wait3A_121 = arith.constant 0 : i32
      %dma_wait3A_122 = arith.constant 0 : i32
      %dma_wait3A_123 = tpu.memref_slice %arg2[%dma_wait3A_121, %dma_wait3A_122] : memref<10000x128xf32, #tpu.memory_space<hbm>> -> memref<10000x128xf32, #tpu.memory_space<hbm>>
      tpu.wait_indirect_dma semaphore(%arg20 : memref<!tpu.dma_semaphore, #tpu.memory_space<semaphore_mem>>) src(%dma_wait3A_123 : memref<10000x128xf32, #tpu.memory_space<hbm>>) dst(%arg15 : memref<128x128xf32, #tpu.memory_space<vmem>>)
      %add3A_124 = arith.constant 1 : i32
      %add3A_125 = arith.addi %add3A_108, %add3A_124 : i32
      %lt3A_126 = arith.constant 78 : i32
      %lt3A_127 = arith.cmpi slt, %add3A_125, %lt3A_126 : i32
      %convert_element_type3A_128 = arith.extui %lt3A_127 : i1 to i32
      %cond3A_129 = arith.constant 0 : i32
      %cond3A_130 = arith.cmpi ne, %convert_element_type3A_128, %cond3A_129 : i32
      scf.if %cond3A_130 {
        %dma_start3A_134 = arith.constant 0 : i32
        %dma_start3A_135 = arith.constant 0 : i32
        %dma_start3A_136 = tpu.memref_slice %arg2[%dma_start3A_134, %dma_start3A_135] : memref<10000x128xf32, #tpu.memory_space<hbm>> -> memref<10000x128xf32, #tpu.memory_space<hbm>>
        tpu.enqueue_indirect_dma source(%dma_start3A_136 : memref<10000x128xf32, #tpu.memory_space<hbm>>) target(%arg13 : memref<128x128xf32, #tpu.memory_space<vmem>>) offsets(%arg7 : memref<128xi32, #tpu.memory_space<vmem>>) semaphore(%arg18 : memref<!tpu.dma_semaphore, #tpu.memory_space<semaphore_mem>>)
      } else {
      }
      %dma_start3A_131 = arith.constant 0 : i32
      %dma_start3A_132 = arith.constant 0 : i32
      %dma_start3A_133 = tpu.memref_slice %arg17[%dma_start3A_131, %dma_start3A_132] : memref<10000x128xf32, #tpu.memory_space<vmem_shared>> -> memref<10000x128xf32, #tpu.memory_space<vmem_shared>>
      tpu.enqueue_indirect_dma source(%arg15 : memref<128x128xf32, #tpu.memory_space<vmem>>) target(%dma_start3A_133 : memref<10000x128xf32, #tpu.memory_space<vmem_shared>>) offsets(%arg12 : memref<128xi32, #tpu.memory_space<vmem>>) semaphore(%arg23 : memref<!tpu.dma_semaphore, #tpu.memory_space<semaphore_mem>>) {add = true}
    }
    %scan3A_18 = arith.constant 26 : i32
    %dma_wait3A = arith.constant 0 : i32
    %dma_wait3A_19 = arith.constant 0 : i32
    %dma_wait3A_20 = tpu.memref_slice %arg17[%dma_wait3A, %dma_wait3A_19] : memref<10000x128xf32, #tpu.memory_space<vmem_shared>> -> memref<10000x128xf32, #tpu.memory_space<vmem_shared>>
    tpu.wait_indirect_dma semaphore(%arg22 : memref<!tpu.dma_semaphore, #tpu.memory_space<semaphore_mem>>) src(%arg14 : memref<128x128xf32, #tpu.memory_space<vmem>>) dst(%dma_wait3A_20 : memref<10000x128xf32, #tpu.memory_space<vmem_shared>>)
    %dma_wait3A_21 = arith.constant 0 : i32
    %dma_wait3A_22 = arith.constant 0 : i32
    %dma_wait3A_23 = tpu.memref_slice %arg17[%dma_wait3A_21, %dma_wait3A_22] : memref<10000x128xf32, #tpu.memory_space<vmem_shared>> -> memref<10000x128xf32, #tpu.memory_space<vmem_shared>>
    tpu.wait_indirect_dma semaphore(%arg23 : memref<!tpu.dma_semaphore, #tpu.memory_space<semaphore_mem>>) src(%arg15 : memref<128x128xf32, #tpu.memory_space<vmem>>) dst(%dma_wait3A_23 : memref<10000x128xf32, #tpu.memory_space<vmem_shared>>)
    %add3A_24 = arith.constant 9984 : i32
    %add3A_25 = arith.addi %multiple_of3A, %add3A_24 : i32
    %multiple_of3A_26 = tpu.assume_multiple %add3A_25, 8 : i32
    "tpu.region"() ({
      %run_scoped3A = tpu.sem_alloc : memref<!tpu.dma_semaphore, #tpu.memory_space<semaphore_mem>>
      %dma_start3A_54 = arith.constant 0 : i32
      %dma_start3A_55 = tpu.memref_slice %arg7[%dma_start3A_54] : memref<128xi32, #tpu.memory_space<vmem>> -> memref<16xi32, #tpu.memory_space<vmem>>
      %dma_start3A_56 = tpu.memref_slice %arg3[%multiple_of3A_26] : memref<320000xi32, #tpu.memory_space<hbm>> -> memref<16xi32, #tpu.memory_space<hbm>>
      %dma_start3A_57 = arith.constant 0 : i32
      %dma_start3A_58 = tpu.memref_slice %arg7[%dma_start3A_57] : memref<128xi32, #tpu.memory_space<vmem>> -> memref<16xi32, #tpu.memory_space<vmem>>
      %dma_start3A_59 = tpu.memref_slice %arg3[%multiple_of3A_26] : memref<320000xi32, #tpu.memory_space<hbm>> -> memref<16xi32, #tpu.memory_space<hbm>>
      tpu.enqueue_dma source(%dma_start3A_59 : memref<16xi32, #tpu.memory_space<hbm>>) target(%dma_start3A_58 : memref<16xi32, #tpu.memory_space<vmem>>) target_semaphore(%run_scoped3A : memref<!tpu.dma_semaphore, #tpu.memory_space<semaphore_mem>>)
      %dma_wait3A_60 = arith.constant 0 : i32
      %dma_wait3A_61 = tpu.memref_slice %arg7[%dma_wait3A_60] : memref<128xi32, #tpu.memory_space<vmem>> -> memref<16xi32, #tpu.memory_space<vmem>>
      %dma_wait3A_62 = tpu.memref_slice %arg3[%multiple_of3A_26] : memref<320000xi32, #tpu.memory_space<hbm>> -> memref<16xi32, #tpu.memory_space<hbm>>
      %dma_wait3A_63 = arith.constant 0 : i32
      %dma_wait3A_64 = tpu.memref_slice %arg7[%dma_wait3A_63] : memref<128xi32, #tpu.memory_space<vmem>> -> memref<16xi32, #tpu.memory_space<vmem>>
      %dma_wait3A_65 = tpu.memref_slice %arg3[%multiple_of3A_26] : memref<320000xi32, #tpu.memory_space<hbm>> -> memref<16xi32, #tpu.memory_space<hbm>>
      tpu.wait_dma2 semaphore(%run_scoped3A : memref<!tpu.dma_semaphore, #tpu.memory_space<semaphore_mem>>) src(%dma_wait3A_65 : memref<16xi32, #tpu.memory_space<hbm>>) dst(%dma_wait3A_64 : memref<16xi32, #tpu.memory_space<vmem>>)
      tpu.yield
    }) : () -> ()
    "tpu.region"() ({
      %run_scoped3A = tpu.sem_alloc : memref<!tpu.dma_semaphore, #tpu.memory_space<semaphore_mem>>
      %dma_start3A_54 = tpu.memref_slice %arg4[%multiple_of3A_26] : memref<320000xi32, #tpu.memory_space<hbm>> -> memref<16xi32, #tpu.memory_space<hbm>>
      %dma_start3A_55 = tpu.memref_slice %arg4[%multiple_of3A_26] : memref<320000xi32, #tpu.memory_space<hbm>> -> memref<16xi32, #tpu.memory_space<hbm>>
      tpu.enqueue_dma source(%dma_start3A_55 : memref<16xi32, #tpu.memory_space<hbm>>) target(%arg16 : memref<16xi32, #tpu.memory_space<vmem>>) target_semaphore(%run_scoped3A : memref<!tpu.dma_semaphore, #tpu.memory_space<semaphore_mem>>)
      %dma_wait3A_56 = tpu.memref_slice %arg4[%multiple_of3A_26] : memref<320000xi32, #tpu.memory_space<hbm>> -> memref<16xi32, #tpu.memory_space<hbm>>
      %dma_wait3A_57 = tpu.memref_slice %arg4[%multiple_of3A_26] : memref<320000xi32, #tpu.memory_space<hbm>> -> memref<16xi32, #tpu.memory_space<hbm>>
      tpu.wait_dma2 semaphore(%run_scoped3A : memref<!tpu.dma_semaphore, #tpu.memory_space<semaphore_mem>>) src(%dma_wait3A_57 : memref<16xi32, #tpu.memory_space<hbm>>) dst(%arg16 : memref<16xi32, #tpu.memory_space<vmem>>)
      tpu.yield
    }) : () -> ()
    %dma_start3A_27 = arith.constant 0 : i32
    %dma_start3A_28 = arith.constant 0 : i32
    %dma_start3A_29 = tpu.memref_slice %arg13[%dma_start3A_27, %dma_start3A_28] : memref<128x128xf32, #tpu.memory_space<vmem>> -> memref<16x128xf32, #tpu.memory_space<vmem>>
    %dma_start3A_30 = arith.constant 0 : i32
    %dma_start3A_31 = tpu.memref_slice %arg7[%dma_start3A_30] : memref<128xi32, #tpu.memory_space<vmem>> -> memref<16xi32, #tpu.memory_space<vmem>>
    %dma_start3A_32 = arith.constant 0 : i32
    %dma_start3A_33 = arith.constant 0 : i32
    %dma_start3A_34 = tpu.memref_slice %arg2[%dma_start3A_32, %dma_start3A_33] : memref<10000x128xf32, #tpu.memory_space<hbm>> -> memref<10000x128xf32, #tpu.memory_space<hbm>>
    tpu.enqueue_indirect_dma source(%dma_start3A_34 : memref<10000x128xf32, #tpu.memory_space<hbm>>) target(%dma_start3A_29 : memref<16x128xf32, #tpu.memory_space<vmem>>) offsets(%dma_start3A_31 : memref<16xi32, #tpu.memory_space<vmem>>) semaphore(%arg18 : memref<!tpu.dma_semaphore, #tpu.memory_space<semaphore_mem>>)
    %dma_wait3A_35 = arith.constant 0 : i32
    %dma_wait3A_36 = arith.constant 0 : i32
    %dma_wait3A_37 = tpu.memref_slice %arg13[%dma_wait3A_35, %dma_wait3A_36] : memref<128x128xf32, #tpu.memory_space<vmem>> -> memref<16x128xf32, #tpu.memory_space<vmem>>
    %dma_wait3A_38 = arith.constant 0 : i32
    %dma_wait3A_39 = tpu.memref_slice %arg7[%dma_wait3A_38] : memref<128xi32, #tpu.memory_space<vmem>> -> memref<16xi32, #tpu.memory_space<vmem>>
    %dma_wait3A_40 = arith.constant 0 : i32
    %dma_wait3A_41 = arith.constant 0 : i32
    %dma_wait3A_42 = tpu.memref_slice %arg2[%dma_wait3A_40, %dma_wait3A_41] : memref<10000x128xf32, #tpu.memory_space<hbm>> -> memref<10000x128xf32, #tpu.memory_space<hbm>>
    tpu.wait_indirect_dma semaphore(%arg18 : memref<!tpu.dma_semaphore, #tpu.memory_space<semaphore_mem>>) src(%dma_wait3A_42 : memref<10000x128xf32, #tpu.memory_space<hbm>>) dst(%dma_wait3A_37 : memref<16x128xf32, #tpu.memory_space<vmem>>)
    "tpu.region"() ({
      %run_scoped3A = tpu.sem_alloc : memref<!tpu.dma_semaphore, #tpu.memory_space<semaphore_mem>>
      %dma_start3A_54 = arith.constant 0 : i32
      %dma_start3A_55 = arith.constant 0 : i32
      %dma_start3A_56 = tpu.memref_slice %arg13[%dma_start3A_54, %dma_start3A_55] : memref<128x128xf32, #tpu.memory_space<vmem>> -> memref<16x128xf32, #tpu.memory_space<vmem>>
      %dma_start3A_57 = arith.constant 0 : i32
      %dma_start3A_58 = arith.constant 0 : i32
      %dma_start3A_59 = tpu.memref_slice %arg17[%dma_start3A_57, %dma_start3A_58] : memref<10000x128xf32, #tpu.memory_space<vmem_shared>> -> memref<10000x128xf32, #tpu.memory_space<vmem_shared>>
      tpu.enqueue_indirect_dma source(%dma_start3A_56 : memref<16x128xf32, #tpu.memory_space<vmem>>) target(%dma_start3A_59 : memref<10000x128xf32, #tpu.memory_space<vmem_shared>>) offsets(%arg16 : memref<16xi32, #tpu.memory_space<vmem>>) semaphore(%run_scoped3A : memref<!tpu.dma_semaphore, #tpu.memory_space<semaphore_mem>>) {add = true}
      %dma_wait3A_60 = arith.constant 0 : i32
      %dma_wait3A_61 = arith.constant 0 : i32
      %dma_wait3A_62 = tpu.memref_slice %arg13[%dma_wait3A_60, %dma_wait3A_61] : memref<128x128xf32, #tpu.memory_space<vmem>> -> memref<16x128xf32, #tpu.memory_space<vmem>>
      %dma_wait3A_63 = arith.constant 0 : i32
      %dma_wait3A_64 = arith.constant 0 : i32
      %dma_wait3A_65 = tpu.memref_slice %arg17[%dma_wait3A_63, %dma_wait3A_64] : memref<10000x128xf32, #tpu.memory_space<vmem_shared>> -> memref<10000x128xf32, #tpu.memory_space<vmem_shared>>
      tpu.wait_indirect_dma semaphore(%run_scoped3A : memref<!tpu.dma_semaphore, #tpu.memory_space<semaphore_mem>>) src(%dma_wait3A_62 : memref<16x128xf32, #tpu.memory_space<vmem>>) dst(%dma_wait3A_65 : memref<10000x128xf32, #tpu.memory_space<vmem_shared>>)
      tpu.yield
    }) : () -> ()
    %barrier3A_43 = arith.constant 0 : index
    tpu.barrier barrier_id(%barrier3A_43)
    %eq3A_44 = arith.constant 0 : i32
    %eq3A_45 = arith.cmpi eq, %arg1, %eq3A_44 : i32
    %convert_element_type3A_46 = arith.extui %eq3A_45 : i1 to i32
    %cond3A_47 = arith.constant 0 : i32
    %cond3A_48 = arith.cmpi ne, %convert_element_type3A_46, %cond3A_47 : i32
    scf.if %cond3A_48 {
      "tpu.region"() ({
        %run_scoped3A = tpu.sem_alloc : memref<!tpu.dma_semaphore, #tpu.memory_space<semaphore_mem>>
        %dma_start3A_54 = arith.constant 0 : i32
        %dma_start3A_55 = arith.constant 0 : i32
        %dma_start3A_56 = tpu.memref_slice %arg6[%arg0, %dma_start3A_54, %dma_start3A_55] : memref<2x10000x128xf32, #tpu.memory_space<hbm>> -> memref<1x10000x128xf32, #tpu.memory_space<hbm>>
        %dma_start3A_57 = tpu.memref_squeeze %dma_start3A_56 : memref<1x10000x128xf32, #tpu.memory_space<hbm>> -> memref<10000x128xf32, #tpu.memory_space<hbm>>
        %dma_start3A_58 = arith.constant 0 : i32
        %dma_start3A_59 = arith.constant 0 : i32
        %dma_start3A_60 = tpu.memref_slice %dma_start3A_57[%dma_start3A_58, %dma_start3A_59] : memref<10000x128xf32, #tpu.memory_space<hbm>> -> memref<640x128xf32, #tpu.memory_space<hbm>>
        %dma_start3A_61 = arith.constant 0 : i32
        %dma_start3A_62 = arith.constant 0 : i32
        %dma_start3A_63 = tpu.memref_slice %arg17[%dma_start3A_61, %dma_start3A_62] : memref<10000x128xf32, #tpu.memory_space<vmem_shared>> -> memref<640x128xf32, #tpu.memory_space<vmem_shared>>
        tpu.enqueue_dma source(%dma_start3A_63 : memref<640x128xf32, #tpu.memory_space<vmem_shared>>) target(%dma_start3A_60 : memref<640x128xf32, #tpu.memory_space<hbm>>) target_semaphore(%run_scoped3A : memref<!tpu.dma_semaphore, #tpu.memory_space<semaphore_mem>>)
        %dma_wait3A_64 = arith.constant 0 : i32
        %dma_wait3A_65 = arith.constant 0 : i32
        %dma_wait3A_66 = tpu.memref_slice %arg6[%arg0, %dma_wait3A_64, %dma_wait3A_65] : memref<2x10000x128xf32, #tpu.memory_space<hbm>> -> memref<1x10000x128xf32, #tpu.memory_space<hbm>>
        %dma_wait3A_67 = tpu.memref_squeeze %dma_wait3A_66 : memref<1x10000x128xf32, #tpu.memory_space<hbm>> -> memref<10000x128xf32, #tpu.memory_space<hbm>>
        %dma_wait3A_68 = arith.constant 0 : i32
        %dma_wait3A_69 = arith.constant 0 : i32
        %dma_wait3A_70 = tpu.memref_slice %dma_wait3A_67[%dma_wait3A_68, %dma_wait3A_69] : memref<10000x128xf32, #tpu.memory_space<hbm>> -> memref<640x128xf32, #tpu.memory_space<hbm>>
        %dma_wait3A_71 = arith.constant 0 : i32
        %dma_wait3A_72 = arith.constant 0 : i32
        %dma_wait3A_73 = tpu.memref_slice %arg17[%dma_wait3A_71, %dma_wait3A_72] : memref<10000x128xf32, #tpu.memory_space<vmem_shared>> -> memref<640x128xf32, #tpu.memory_space<vmem_shared>>
        tpu.wait_dma2 semaphore(%run_scoped3A : memref<!tpu.dma_semaphore, #tpu.memory_space<semaphore_mem>>) src(%dma_wait3A_73 : memref<640x128xf32, #tpu.memory_space<vmem_shared>>) dst(%dma_wait3A_70 : memref<640x128xf32, #tpu.memory_space<hbm>>)
        tpu.yield
      }) : () -> ()
    } else {
    }
    %gt3A_49 = arith.constant 0 : i32
    %gt3A_50 = arith.cmpi sgt, %arg1, %gt3A_49 : i32
    %convert_element_type3A_51 = arith.extui %gt3A_50 : i1 to i32
    %cond3A_52 = arith.constant 0 : i32
    %cond3A_53 = arith.cmpi ne, %convert_element_type3A_51, %cond3A_52 : i32
    scf.if %cond3A_53 {
      %mul3A_54 = arith.constant 624 : i32
      %mul3A_55 = arith.muli %mul3A_54, %arg1 : i32
      %add3A_56 = arith.constant 16 : i32
      %add3A_57 = arith.addi %mul3A_55, %add3A_56 : i32
      %multiple_of3A_58 = tpu.assume_multiple %add3A_57, 8 : i32
      "tpu.region"() ({
        %run_scoped3A = tpu.sem_alloc : memref<!tpu.dma_semaphore, #tpu.memory_space<semaphore_mem>>
        %dma_start3A_59 = arith.constant 0 : i32
        %dma_start3A_60 = arith.constant 0 : i32
        %dma_start3A_61 = tpu.memref_slice %arg6[%arg0, %dma_start3A_59, %dma_start3A_60] : memref<2x10000x128xf32, #tpu.memory_space<hbm>> -> memref<1x10000x128xf32, #tpu.memory_space<hbm>>
        %dma_start3A_62 = tpu.memref_squeeze %dma_start3A_61 : memref<1x10000x128xf32, #tpu.memory_space<hbm>> -> memref<10000x128xf32, #tpu.memory_space<hbm>>
        %dma_start3A_63 = arith.constant 0 : i32
        %dma_start3A_64 = tpu.memref_slice %dma_start3A_62[%multiple_of3A_58, %dma_start3A_63] : memref<10000x128xf32, #tpu.memory_space<hbm>> -> memref<624x128xf32, #tpu.memory_space<hbm>>
        %dma_start3A_65 = arith.constant 0 : i32
        %dma_start3A_66 = tpu.memref_slice %arg17[%multiple_of3A_58, %dma_start3A_65] : memref<10000x128xf32, #tpu.memory_space<vmem_shared>> -> memref<624x128xf32, #tpu.memory_space<vmem_shared>>
        tpu.enqueue_dma source(%dma_start3A_66 : memref<624x128xf32, #tpu.memory_space<vmem_shared>>) target(%dma_start3A_64 : memref<624x128xf32, #tpu.memory_space<hbm>>) target_semaphore(%run_scoped3A : memref<!tpu.dma_semaphore, #tpu.memory_space<semaphore_mem>>)
        %dma_wait3A_67 = arith.constant 0 : i32
        %dma_wait3A_68 = arith.constant 0 : i32
        %dma_wait3A_69 = tpu.memref_slice %arg6[%arg0, %dma_wait3A_67, %dma_wait3A_68] : memref<2x10000x128xf32, #tpu.memory_space<hbm>> -> memref<1x10000x128xf32, #tpu.memory_space<hbm>>
        %dma_wait3A_70 = tpu.memref_squeeze %dma_wait3A_69 : memref<1x10000x128xf32, #tpu.memory_space<hbm>> -> memref<10000x128xf32, #tpu.memory_space<hbm>>
        %dma_wait3A_71 = arith.constant 0 : i32
        %dma_wait3A_72 = tpu.memref_slice %dma_wait3A_70[%multiple_of3A_58, %dma_wait3A_71] : memref<10000x128xf32, #tpu.memory_space<hbm>> -> memref<624x128xf32, #tpu.memory_space<hbm>>
        %dma_wait3A_73 = arith.constant 0 : i32
        %dma_wait3A_74 = tpu.memref_slice %arg17[%multiple_of3A_58, %dma_wait3A_73] : memref<10000x128xf32, #tpu.memory_space<vmem_shared>> -> memref<624x128xf32, #tpu.memory_space<vmem_shared>>
        tpu.wait_dma2 semaphore(%run_scoped3A : memref<!tpu.dma_semaphore, #tpu.memory_space<semaphore_mem>>) src(%dma_wait3A_74 : memref<624x128xf32, #tpu.memory_space<vmem_shared>>) dst(%dma_wait3A_72 : memref<624x128xf32, #tpu.memory_space<hbm>>)
        tpu.yield
      }) : () -> ()
    } else {
    }
    return
  }
}

#map = affine_map<(d0, d1) -> (0, 0)>
#map1 = affine_map<(d0, d1) -> (0)>
#map2 = affine_map<(d0, d1) -> (0, 0, 0)>
module attributes {stable_mosaic.version = 14 : i64} {
  func.func @k(%arg0: i32, %arg1: i32, %arg2: memref<10000x128xf32, #tpu.memory_space<hbm>>, %arg3: memref<320000xi32, #tpu.memory_space<hbm>>, %arg4: memref<320000xi32, #tpu.memory_space<hbm>>, %arg5: memref<10000x128xf32, #tpu.memory_space<hbm>>, %arg6: memref<2x10000x128xf32, #tpu.memory_space<hbm>>, %arg7: memref<128xi32, #tpu.memory_space<vmem>>, %arg8: memref<128xi32, #tpu.memory_space<vmem>>, %arg9: memref<128xi32, #tpu.memory_space<vmem>>, %arg10: memref<128xi32, #tpu.memory_space<vmem>>, %arg11: memref<128xi32, #tpu.memory_space<vmem>>, %arg12: memref<128xi32, #tpu.memory_space<vmem>>, %arg13: memref<128x128xf32, #tpu.memory_space<vmem>>, %arg14: memref<128x128xf32, #tpu.memory_space<vmem>>, %arg15: memref<128x128xf32, #tpu.memory_space<vmem>>, %arg16: memref<16xi32, #tpu.memory_space<vmem>>, %arg17: memref<10000x128xf32, #tpu.memory_space<vmem_shared>>, %arg18: memref<!tpu.dma_semaphore, #tpu.memory_space<semaphore_mem>>, %arg19: memref<!tpu.dma_semaphore, #tpu.memory_space<semaphore_mem>>, %arg20: memref<!tpu.dma_semaphore, #tpu.memory_space<semaphore_mem>>, %arg21: memref<!tpu.dma_semaphore, #tpu.memory_space<semaphore_mem>>, %arg22: memref<!tpu.dma_semaphore, #tpu.memory_space<semaphore_mem>>, %arg23: memref<!tpu.dma_semaphore, #tpu.memory_space<semaphore_mem>>) attributes {dimension_semantics = [#tpu.dimension_semantics<core_parallel>, #tpu.dimension_semantics<subcore_parallel>], iteration_bounds = array<i64: 2, 16>, scalar_prefetch = 0 : i64, scratch_operands = 17 : i64, tpu.core_type = #tpu.core_type<sc_vector_subcore>, window_params = [{transform_indices = #map}, {transform_indices = #map1}, {transform_indices = #map1}, {transform_indices = #map}, {transform_indices = #map2}]} {
    %mul3A = arith.constant 2 : i32
    %mul3A_0 = arith.muli %arg1, %mul3A : i32
    %add3A = arith.addi %mul3A_0, %arg0 : i32
    %mul3A_1 = arith.constant 10000 : i32
    %mul3A_2 = arith.muli %add3A, %mul3A_1 : i32
    %multiple_of3A = tpu.assume_multiple %mul3A_2, 8 : i32
    %eq3A = arith.constant 0 : i32
    %eq3A_3 = arith.cmpi eq, %arg1, %eq3A : i32
    %convert_element_type3A = arith.extui %eq3A_3 : i1 to i32
    %cond3A = arith.constant 0 : i32
    %cond3A_4 = arith.cmpi ne, %convert_element_type3A, %cond3A : i32
    scf.if %cond3A_4 {
      "tpu.region"() ({
        %run_scoped3A = tpu.sem_alloc : memref<!tpu.dma_semaphore, #tpu.memory_space<semaphore_mem>>
        %dma_start3A_54 = arith.constant 0 : i32
        %dma_start3A_55 = arith.constant 0 : i32
        %dma_start3A_56 = tpu.memref_slice %arg17[%dma_start3A_54, %dma_start3A_55] : memref<10000x128xf32, #tpu.memory_space<vmem_shared>> -> memref<640x128xf32, #tpu.memory_space<vmem_shared>>
        %dma_start3A_57 = arith.constant 0 : i32
        %dma_start3A_58 = arith.constant 0 : i32
        %dma_start3A_59 = tpu.memref_slice %arg5[%dma_start3A_57, %dma_start3A_58] : memref<10000x128xf32, #tpu.memory_space<hbm>> -> memref<640x128xf32, #tpu.memory_space<hbm>>
        tpu.enqueue_dma source(%dma_start3A_59 : memref<640x128xf32, #tpu.memory_space<hbm>>) target(%dma_start3A_56 : memref<640x128xf32, #tpu.memory_space<vmem_shared>>) target_semaphore(%run_scoped3A : memref<!tpu.dma_semaphore, #tpu.memory_space<semaphore_mem>>)
        %dma_wait3A_60 = arith.constant 0 : i32
        %dma_wait3A_61 = arith.constant 0 : i32
        %dma_wait3A_62 = tpu.memref_slice %arg17[%dma_wait3A_60, %dma_wait3A_61] : memref<10000x128xf32, #tpu.memory_space<vmem_shared>> -> memref<640x128xf32, #tpu.memory_space<vmem_shared>>
        %dma_wait3A_63 = arith.constant 0 : i32
        %dma_wait3A_64 = arith.constant 0 : i32
        %dma_wait3A_65 = tpu.memref_slice %arg5[%dma_wait3A_63, %dma_wait3A_64] : memref<10000x128xf32, #tpu.memory_space<hbm>> -> memref<640x128xf32, #tpu.memory_space<hbm>>
        tpu.wait_dma2 semaphore(%run_scoped3A : memref<!tpu.dma_semaphore, #tpu.memory_space<semaphore_mem>>) src(%dma_wait3A_65 : memref<640x128xf32, #tpu.memory_space<hbm>>) dst(%dma_wait3A_62 : memref<640x128xf32, #tpu.memory_space<vmem_shared>>)
        tpu.yield
      }) : () -> ()
    } else {
    }
    %gt3A = arith.constant 0 : i32
    %gt3A_5 = arith.cmpi sgt, %arg1, %gt3A : i32
    %convert_element_type3A_6 = arith.extui %gt3A_5 : i1 to i32
    %cond3A_7 = arith.constant 0 : i32
    %cond3A_8 = arith.cmpi ne, %convert_element_type3A_6, %cond3A_7 : i32
    scf.if %cond3A_8 {
      %mul3A_54 = arith.constant 624 : i32
      %mul3A_55 = arith.muli %mul3A_54, %arg1 : i32
      %add3A_56 = arith.constant 16 : i32
      %add3A_57 = arith.addi %mul3A_55, %add3A_56 : i32
      %multiple_of3A_58 = tpu.assume_multiple %add3A_57, 8 : i32
      "tpu.region"() ({
        %run_scoped3A = tpu.sem_alloc : memref<!tpu.dma_semaphore, #tpu.memory_space<semaphore_mem>>
        %dma_start3A_59 = arith.constant 0 : i32
        %dma_start3A_60 = tpu.memref_slice %arg17[%multiple_of3A_58, %dma_start3A_59] : memref<10000x128xf32, #tpu.memory_space<vmem_shared>> -> memref<624x128xf32, #tpu.memory_space<vmem_shared>>
        %dma_start3A_61 = arith.constant 0 : i32
        %dma_start3A_62 = tpu.memref_slice %arg5[%multiple_of3A_58, %dma_start3A_61] : memref<10000x128xf32, #tpu.memory_space<hbm>> -> memref<624x128xf32, #tpu.memory_space<hbm>>
        tpu.enqueue_dma source(%dma_start3A_62 : memref<624x128xf32, #tpu.memory_space<hbm>>) target(%dma_start3A_60 : memref<624x128xf32, #tpu.memory_space<vmem_shared>>) target_semaphore(%run_scoped3A : memref<!tpu.dma_semaphore, #tpu.memory_space<semaphore_mem>>)
        %dma_wait3A_63 = arith.constant 0 : i32
        %dma_wait3A_64 = tpu.memref_slice %arg17[%multiple_of3A_58, %dma_wait3A_63] : memref<10000x128xf32, #tpu.memory_space<vmem_shared>> -> memref<624x128xf32, #tpu.memory_space<vmem_shared>>
        %dma_wait3A_65 = arith.constant 0 : i32
        %dma_wait3A_66 = tpu.memref_slice %arg5[%multiple_of3A_58, %dma_wait3A_65] : memref<10000x128xf32, #tpu.memory_space<hbm>> -> memref<624x128xf32, #tpu.memory_space<hbm>>
        tpu.wait_dma2 semaphore(%run_scoped3A : memref<!tpu.dma_semaphore, #tpu.memory_space<semaphore_mem>>) src(%dma_wait3A_66 : memref<624x128xf32, #tpu.memory_space<hbm>>) dst(%dma_wait3A_64 : memref<624x128xf32, #tpu.memory_space<vmem_shared>>)
        tpu.yield
      }) : () -> ()
    } else {
    }
    %barrier3A = arith.constant 0 : index
    tpu.barrier barrier_id(%barrier3A)
    %add3A_9 = arith.constant 0 : i32
    %add3A_10 = arith.addi %multiple_of3A, %add3A_9 : i32
    %multiple_of3A_11 = tpu.assume_multiple %add3A_10, 8 : i32
    "tpu.region"() ({
      %run_scoped3A = tpu.sem_alloc : memref<!tpu.dma_semaphore, #tpu.memory_space<semaphore_mem>>
      %dma_start3A_54 = tpu.memref_slice %arg3[%multiple_of3A_11] : memref<320000xi32, #tpu.memory_space<hbm>> -> memref<128xi32, #tpu.memory_space<hbm>>
      %dma_start3A_55 = tpu.memref_slice %arg3[%multiple_of3A_11] : memref<320000xi32, #tpu.memory_space<hbm>> -> memref<128xi32, #tpu.memory_space<hbm>>
      tpu.enqueue_dma source(%dma_start3A_55 : memref<128xi32, #tpu.memory_space<hbm>>) target(%arg7 : memref<128xi32, #tpu.memory_space<vmem>>) target_semaphore(%run_scoped3A : memref<!tpu.dma_semaphore, #tpu.memory_space<semaphore_mem>>)
      %dma_wait3A_56 = tpu.memref_slice %arg3[%multiple_of3A_11] : memref<320000xi32, #tpu.memory_space<hbm>> -> memref<128xi32, #tpu.memory_space<hbm>>
      %dma_wait3A_57 = tpu.memref_slice %arg3[%multiple_of3A_11] : memref<320000xi32, #tpu.memory_space<hbm>> -> memref<128xi32, #tpu.memory_space<hbm>>
      tpu.wait_dma2 semaphore(%run_scoped3A : memref<!tpu.dma_semaphore, #tpu.memory_space<semaphore_mem>>) src(%dma_wait3A_57 : memref<128xi32, #tpu.memory_space<hbm>>) dst(%arg7 : memref<128xi32, #tpu.memory_space<vmem>>)
      tpu.yield
    }) : () -> ()
    "tpu.region"() ({
      %run_scoped3A = tpu.sem_alloc : memref<!tpu.dma_semaphore, #tpu.memory_space<semaphore_mem>>
      %dma_start3A_54 = tpu.memref_slice %arg4[%multiple_of3A_11] : memref<320000xi32, #tpu.memory_space<hbm>> -> memref<128xi32, #tpu.memory_space<hbm>>
      %dma_start3A_55 = tpu.memref_slice %arg4[%multiple_of3A_11] : memref<320000xi32, #tpu.memory_space<hbm>> -> memref<128xi32, #tpu.memory_space<hbm>>
      tpu.enqueue_dma source(%dma_start3A_55 : memref<128xi32, #tpu.memory_space<hbm>>) target(%arg10 : memref<128xi32, #tpu.memory_space<vmem>>) target_semaphore(%run_scoped3A : memref<!tpu.dma_semaphore, #tpu.memory_space<semaphore_mem>>)
      %dma_wait3A_56 = tpu.memref_slice %arg4[%multiple_of3A_11] : memref<320000xi32, #tpu.memory_space<hbm>> -> memref<128xi32, #tpu.memory_space<hbm>>
      %dma_wait3A_57 = tpu.memref_slice %arg4[%multiple_of3A_11] : memref<320000xi32, #tpu.memory_space<hbm>> -> memref<128xi32, #tpu.memory_space<hbm>>
      tpu.wait_dma2 semaphore(%run_scoped3A : memref<!tpu.dma_semaphore, #tpu.memory_space<semaphore_mem>>) src(%dma_wait3A_57 : memref<128xi32, #tpu.memory_space<hbm>>) dst(%arg10 : memref<128xi32, #tpu.memory_space<vmem>>)
      tpu.yield
    }) : () -> ()
    %dma_start3A = arith.constant 0 : i32
    %dma_start3A_12 = arith.constant 0 : i32
    %dma_start3A_13 = tpu.memref_slice %arg2[%dma_start3A, %dma_start3A_12] : memref<10000x128xf32, #tpu.memory_space<hbm>> -> memref<10000x128xf32, #tpu.memory_space<hbm>>
    tpu.enqueue_indirect_dma source(%dma_start3A_13 : memref<10000x128xf32, #tpu.memory_space<hbm>>) target(%arg13 : memref<128x128xf32, #tpu.memory_space<vmem>>) offsets(%arg7 : memref<128xi32, #tpu.memory_space<vmem>>) semaphore(%arg18 : memref<!tpu.dma_semaphore, #tpu.memory_space<semaphore_mem>>)
    %scan3A = arith.constant 0 : i32
    %scan3A_14 = arith.constant 0 : i32
    %scan3A_15 = arith.constant 26 : i32
    %scan3A_16 = arith.addi %scan3A_14, %scan3A_15 : i32
    %scan3A_17 = arith.constant 1 : i32
    scf.for %scan3A_54 = %scan3A_14 to %scan3A_16 step %scan3A_17  : i32 {
      %mul3A_55 = arith.constant 3 : i32
      %mul3A_56 = arith.muli %mul3A_55, %scan3A_54 : i32
      %ge3A = arith.constant 2 : i32
      %ge3A_57 = arith.cmpi sge, %mul3A_56, %ge3A : i32
      %convert_element_type3A_58 = arith.extui %ge3A_57 : i1 to i32
      %cond3A_59 = arith.constant 0 : i32
      %cond3A_60 = arith.cmpi ne, %convert_element_type3A_58, %cond3A_59 : i32
      scf.if %cond3A_60 {
        %dma_wait3A_134 = arith.constant 0 : i32
        %dma_wait3A_135 = arith.constant 0 : i32
        %dma_wait3A_136 = tpu.memref_slice %arg17[%dma_wait3A_134, %dma_wait3A_135] : memref<10000x128xf32, #tpu.memory_space<vmem_shared>> -> memref<10000x128xf32, #tpu.memory_space<vmem_shared>>
        tpu.wait_indirect_dma semaphore(%arg22 : memref<!tpu.dma_semaphore, #tpu.memory_space<semaphore_mem>>) src(%arg14 : memref<128x128xf32, #tpu.memory_space<vmem>>) dst(%dma_wait3A_136 : memref<10000x128xf32, #tpu.memory_space<vmem_shared>>)
      } else {
      }
      %add3A_61 = arith.constant 1 : i32
      %add3A_62 = arith.addi %mul3A_56, %add3A_61 : i32
      %lt3A = arith.constant 78 : i32
      %lt3A_63 = arith.cmpi slt, %add3A_62, %lt3A : i32
      %convert_element_type3A_64 = arith.extui %lt3A_63 : i1 to i32
      %cond3A_65 = arith.constant 0 : i32
      %cond3A_66 = arith.cmpi ne, %convert_element_type3A_64, %cond3A_65 : i32
      scf.if %cond3A_66 {
        %add3A_134 = arith.constant 1 : i32
        %add3A_135 = arith.addi %mul3A_56, %add3A_134 : i32
        %mul3A_136 = arith.constant 128 : i32
        %mul3A_137 = arith.muli %add3A_135, %mul3A_136 : i32
        %add3A_138 = arith.addi %multiple_of3A, %mul3A_137 : i32
        %multiple_of3A_139 = tpu.assume_multiple %add3A_138, 8 : i32
        "tpu.region"() ({
          %run_scoped3A = tpu.sem_alloc : memref<!tpu.dma_semaphore, #tpu.memory_space<semaphore_mem>>
          %dma_start3A_140 = tpu.memref_slice %arg3[%multiple_of3A_139] : memref<320000xi32, #tpu.memory_space<hbm>> -> memref<128xi32, #tpu.memory_space<hbm>>
          %dma_start3A_141 = tpu.memref_slice %arg3[%multiple_of3A_139] : memref<320000xi32, #tpu.memory_space<hbm>> -> memref<128xi32, #tpu.memory_space<hbm>>
          tpu.enqueue_dma source(%dma_start3A_141 : memref<128xi32, #tpu.memory_space<hbm>>) target(%arg8 : memref<128xi32, #tpu.memory_space<vmem>>) target_semaphore(%run_scoped3A : memref<!tpu.dma_semaphore, #tpu.memory_space<semaphore_mem>>)
          %dma_wait3A_142 = tpu.memref_slice %arg3[%multiple_of3A_139] : memref<320000xi32, #tpu.memory_space<hbm>> -> memref<128xi32, #tpu.memory_space<hbm>>
          %dma_wait3A_143 = tpu.memref_slice %arg3[%multiple_of3A_139] : memref<320000xi32, #tpu.memory_space<hbm>> -> memref<128xi32, #tpu.memory_space<hbm>>
          tpu.wait_dma2 semaphore(%run_scoped3A : memref<!tpu.dma_semaphore, #tpu.memory_space<semaphore_mem>>) src(%dma_wait3A_143 : memref<128xi32, #tpu.memory_space<hbm>>) dst(%arg8 : memref<128xi32, #tpu.memory_space<vmem>>)
          tpu.yield
        }) : () -> ()
        "tpu.region"() ({
          %run_scoped3A = tpu.sem_alloc : memref<!tpu.dma_semaphore, #tpu.memory_space<semaphore_mem>>
          %dma_start3A_140 = tpu.memref_slice %arg4[%multiple_of3A_139] : memref<320000xi32, #tpu.memory_space<hbm>> -> memref<128xi32, #tpu.memory_space<hbm>>
          %dma_start3A_141 = tpu.memref_slice %arg4[%multiple_of3A_139] : memref<320000xi32, #tpu.memory_space<hbm>> -> memref<128xi32, #tpu.memory_space<hbm>>
          tpu.enqueue_dma source(%dma_start3A_141 : memref<128xi32, #tpu.memory_space<hbm>>) target(%arg11 : memref<128xi32, #tpu.memory_space<vmem>>) target_semaphore(%run_scoped3A : memref<!tpu.dma_semaphore, #tpu.memory_space<semaphore_mem>>)
          %dma_wait3A_142 = tpu.memref_slice %arg4[%multiple_of3A_139] : memref<320000xi32, #tpu.memory_space<hbm>> -> memref<128xi32, #tpu.memory_space<hbm>>
          %dma_wait3A_143 = tpu.memref_slice %arg4[%multiple_of3A_139] : memref<320000xi32, #tpu.memory_space<hbm>> -> memref<128xi32, #tpu.memory_space<hbm>>
          tpu.wait_dma2 semaphore(%run_scoped3A : memref<!tpu.dma_semaphore, #tpu.memory_space<semaphore_mem>>) src(%dma_wait3A_143 : memref<128xi32, #tpu.memory_space<hbm>>) dst(%arg11 : memref<128xi32, #tpu.memory_space<vmem>>)
          tpu.yield
        }) : () -> ()
      } else {
      }
      %dma_wait3A_67 = arith.constant 0 : i32
      %dma_wait3A_68 = arith.constant 0 : i32
      %dma_wait3A_69 = tpu.memref_slice %arg2[%dma_wait3A_67, %dma_wait3A_68] : memref<10000x128xf32, #tpu.memory_space<hbm>> -> memref<10000x128xf32, #tpu.memory_space<hbm>>
      tpu.wait_indirect_dma semaphore(%arg18 : memref<!tpu.dma_semaphore, #tpu.memory_space<semaphore_mem>>) src(%dma_wait3A_69 : memref<10000x128xf32, #tpu.memory_space<hbm>>) dst(%arg13 : memref<128x128xf32, #tpu.memory_space<vmem>>)
      %add3A_70 = arith.constant 1 : i32
      %add3A_71 = arith.addi %mul3A_56, %add3A_70 : i32
      %lt3A_72 = arith.constant 78 : i32
      %lt3A_73 = arith.cmpi slt, %add3A_71, %lt3A_72 : i32
      %convert_element_type3A_74 = arith.extui %lt3A_73 : i1 to i32
      %cond3A_75 = arith.constant 0 : i32
      %cond3A_76 = arith.cmpi ne, %convert_element_type3A_74, %cond3A_75 : i32
      scf.if %cond3A_76 {
        %dma_start3A_134 = arith.constant 0 : i32
        %dma_start3A_135 = arith.constant 0 : i32
        %dma_start3A_136 = tpu.memref_slice %arg2[%dma_start3A_134, %dma_start3A_135] : memref<10000x128xf32, #tpu.memory_space<hbm>> -> memref<10000x128xf32, #tpu.memory_space<hbm>>
        tpu.enqueue_indirect_dma source(%dma_start3A_136 : memref<10000x128xf32, #tpu.memory_space<hbm>>) target(%arg14 : memref<128x128xf32, #tpu.memory_space<vmem>>) offsets(%arg8 : memref<128xi32, #tpu.memory_space<vmem>>) semaphore(%arg19 : memref<!tpu.dma_semaphore, #tpu.memory_space<semaphore_mem>>)
      } else {
      }
      %dma_start3A_77 = arith.constant 0 : i32
      %dma_start3A_78 = arith.constant 0 : i32
      %dma_start3A_79 = tpu.memref_slice %arg17[%dma_start3A_77, %dma_start3A_78] : memref<10000x128xf32, #tpu.memory_space<vmem_shared>> -> memref<10000x128xf32, #tpu.memory_space<vmem_shared>>
      tpu.enqueue_indirect_dma source(%arg13 : memref<128x128xf32, #tpu.memory_space<vmem>>) target(%dma_start3A_79 : memref<10000x128xf32, #tpu.memory_space<vmem_shared>>) offsets(%arg10 : memref<128xi32, #tpu.memory_space<vmem>>) semaphore(%arg21 : memref<!tpu.dma_semaphore, #tpu.memory_space<semaphore_mem>>) {add = true}
      %add3A_80 = arith.constant 1 : i32
      %add3A_81 = arith.addi %mul3A_56, %add3A_80 : i32
      %ge3A_82 = arith.constant 2 : i32
      %ge3A_83 = arith.cmpi sge, %add3A_81, %ge3A_82 : i32
      %convert_element_type3A_84 = arith.extui %ge3A_83 : i1 to i32
      %cond3A_85 = arith.constant 0 : i32
      %cond3A_86 = arith.cmpi ne, %convert_element_type3A_84, %cond3A_85 : i32
      scf.if %cond3A_86 {
        %dma_wait3A_134 = arith.constant 0 : i32
        %dma_wait3A_135 = arith.constant 0 : i32
        %dma_wait3A_136 = tpu.memref_slice %arg17[%dma_wait3A_134, %dma_wait3A_135] : memref<10000x128xf32, #tpu.memory_space<vmem_shared>> -> memref<10000x128xf32, #tpu.memory_space<vmem_shared>>
        tpu.wait_indirect_dma semaphore(%arg23 : memref<!tpu.dma_semaphore, #tpu.memory_space<semaphore_mem>>) src(%arg15 : memref<128x128xf32, #tpu.memory_space<vmem>>) dst(%dma_wait3A_136 : memref<10000x128xf32, #tpu.memory_space<vmem_shared>>)
      } else {
      }
      %add3A_87 = arith.constant 1 : i32
      %add3A_88 = arith.addi %add3A_81, %add3A_87 : i32
      %lt3A_89 = arith.constant 78 : i32
      %lt3A_90 = arith.cmpi slt, %add3A_88, %lt3A_89 : i32
      %convert_element_type3A_91 = arith.extui %lt3A_90 : i1 to i32
      %cond3A_92 = arith.constant 0 : i32
      %cond3A_93 = arith.cmpi ne, %convert_element_type3A_91, %cond3A_92 : i32
      scf.if %cond3A_93 {
        %add3A_134 = arith.constant 1 : i32
        %add3A_135 = arith.addi %add3A_81, %add3A_134 : i32
        %mul3A_136 = arith.constant 128 : i32
        %mul3A_137 = arith.muli %add3A_135, %mul3A_136 : i32
        %add3A_138 = arith.addi %multiple_of3A, %mul3A_137 : i32
        %multiple_of3A_139 = tpu.assume_multiple %add3A_138, 8 : i32
        "tpu.region"() ({
          %run_scoped3A = tpu.sem_alloc : memref<!tpu.dma_semaphore, #tpu.memory_space<semaphore_mem>>
          %dma_start3A_140 = tpu.memref_slice %arg3[%multiple_of3A_139] : memref<320000xi32, #tpu.memory_space<hbm>> -> memref<128xi32, #tpu.memory_space<hbm>>
          %dma_start3A_141 = tpu.memref_slice %arg3[%multiple_of3A_139] : memref<320000xi32, #tpu.memory_space<hbm>> -> memref<128xi32, #tpu.memory_space<hbm>>
          tpu.enqueue_dma source(%dma_start3A_141 : memref<128xi32, #tpu.memory_space<hbm>>) target(%arg9 : memref<128xi32, #tpu.memory_space<vmem>>) target_semaphore(%run_scoped3A : memref<!tpu.dma_semaphore, #tpu.memory_space<semaphore_mem>>)
          %dma_wait3A_142 = tpu.memref_slice %arg3[%multiple_of3A_139] : memref<320000xi32, #tpu.memory_space<hbm>> -> memref<128xi32, #tpu.memory_space<hbm>>
          %dma_wait3A_143 = tpu.memref_slice %arg3[%multiple_of3A_139] : memref<320000xi32, #tpu.memory_space<hbm>> -> memref<128xi32, #tpu.memory_space<hbm>>
          tpu.wait_dma2 semaphore(%run_scoped3A : memref<!tpu.dma_semaphore, #tpu.memory_space<semaphore_mem>>) src(%dma_wait3A_143 : memref<128xi32, #tpu.memory_space<hbm>>) dst(%arg9 : memref<128xi32, #tpu.memory_space<vmem>>)
          tpu.yield
        }) : () -> ()
        "tpu.region"() ({
          %run_scoped3A = tpu.sem_alloc : memref<!tpu.dma_semaphore, #tpu.memory_space<semaphore_mem>>
          %dma_start3A_140 = tpu.memref_slice %arg4[%multiple_of3A_139] : memref<320000xi32, #tpu.memory_space<hbm>> -> memref<128xi32, #tpu.memory_space<hbm>>
          %dma_start3A_141 = tpu.memref_slice %arg4[%multiple_of3A_139] : memref<320000xi32, #tpu.memory_space<hbm>> -> memref<128xi32, #tpu.memory_space<hbm>>
          tpu.enqueue_dma source(%dma_start3A_141 : memref<128xi32, #tpu.memory_space<hbm>>) target(%arg12 : memref<128xi32, #tpu.memory_space<vmem>>) target_semaphore(%run_scoped3A : memref<!tpu.dma_semaphore, #tpu.memory_space<semaphore_mem>>)
          %dma_wait3A_142 = tpu.memref_slice %arg4[%multiple_of3A_139] : memref<320000xi32, #tpu.memory_space<hbm>> -> memref<128xi32, #tpu.memory_space<hbm>>
          %dma_wait3A_143 = tpu.memref_slice %arg4[%multiple_of3A_139] : memref<320000xi32, #tpu.memory_space<hbm>> -> memref<128xi32, #tpu.memory_space<hbm>>
          tpu.wait_dma2 semaphore(%run_scoped3A : memref<!tpu.dma_semaphore, #tpu.memory_space<semaphore_mem>>) src(%dma_wait3A_143 : memref<128xi32, #tpu.memory_space<hbm>>) dst(%arg12 : memref<128xi32, #tpu.memory_space<vmem>>)
          tpu.yield
        }) : () -> ()
      } else {
      }
      %dma_wait3A_94 = arith.constant 0 : i32
      %dma_wait3A_95 = arith.constant 0 : i32
      %dma_wait3A_96 = tpu.memref_slice %arg2[%dma_wait3A_94, %dma_wait3A_95] : memref<10000x128xf32, #tpu.memory_space<hbm>> -> memref<10000x128xf32, #tpu.memory_space<hbm>>
      tpu.wait_indirect_dma semaphore(%arg19 : memref<!tpu.dma_semaphore, #tpu.memory_space<semaphore_mem>>) src(%dma_wait3A_96 : memref<10000x128xf32, #tpu.memory_space<hbm>>) dst(%arg14 : memref<128x128xf32, #tpu.memory_space<vmem>>)
      %add3A_97 = arith.constant 1 : i32
      %add3A_98 = arith.addi %add3A_81, %add3A_97 : i32
      %lt3A_99 = arith.constant 78 : i32
      %lt3A_100 = arith.cmpi slt, %add3A_98, %lt3A_99 : i32
      %convert_element_type3A_101 = arith.extui %lt3A_100 : i1 to i32
      %cond3A_102 = arith.constant 0 : i32
      %cond3A_103 = arith.cmpi ne, %convert_element_type3A_101, %cond3A_102 : i32
      scf.if %cond3A_103 {
        %dma_start3A_134 = arith.constant 0 : i32
        %dma_start3A_135 = arith.constant 0 : i32
        %dma_start3A_136 = tpu.memref_slice %arg2[%dma_start3A_134, %dma_start3A_135] : memref<10000x128xf32, #tpu.memory_space<hbm>> -> memref<10000x128xf32, #tpu.memory_space<hbm>>
        tpu.enqueue_indirect_dma source(%dma_start3A_136 : memref<10000x128xf32, #tpu.memory_space<hbm>>) target(%arg15 : memref<128x128xf32, #tpu.memory_space<vmem>>) offsets(%arg9 : memref<128xi32, #tpu.memory_space<vmem>>) semaphore(%arg20 : memref<!tpu.dma_semaphore, #tpu.memory_space<semaphore_mem>>)
      } else {
      }
      %dma_start3A_104 = arith.constant 0 : i32
      %dma_start3A_105 = arith.constant 0 : i32
      %dma_start3A_106 = tpu.memref_slice %arg17[%dma_start3A_104, %dma_start3A_105] : memref<10000x128xf32, #tpu.memory_space<vmem_shared>> -> memref<10000x128xf32, #tpu.memory_space<vmem_shared>>
      tpu.enqueue_indirect_dma source(%arg14 : memref<128x128xf32, #tpu.memory_space<vmem>>) target(%dma_start3A_106 : memref<10000x128xf32, #tpu.memory_space<vmem_shared>>) offsets(%arg11 : memref<128xi32, #tpu.memory_space<vmem>>) semaphore(%arg22 : memref<!tpu.dma_semaphore, #tpu.memory_space<semaphore_mem>>) {add = true}
      %add3A_107 = arith.constant 2 : i32
      %add3A_108 = arith.addi %mul3A_56, %add3A_107 : i32
      %ge3A_109 = arith.constant 2 : i32
      %ge3A_110 = arith.cmpi sge, %add3A_108, %ge3A_109 : i32
      %convert_element_type3A_111 = arith.extui %ge3A_110 : i1 to i32
      %cond3A_112 = arith.constant 0 : i32
      %cond3A_113 = arith.cmpi ne, %convert_element_type3A_111, %cond3A_112 : i32
      scf.if %cond3A_113 {
        %dma_wait3A_134 = arith.constant 0 : i32
        %dma_wait3A_135 = arith.constant 0 : i32
        %dma_wait3A_136 = tpu.memref_slice %arg17[%dma_wait3A_134, %dma_wait3A_135] : memref<10000x128xf32, #tpu.memory_space<vmem_shared>> -> memref<10000x128xf32, #tpu.memory_space<vmem_shared>>
        tpu.wait_indirect_dma semaphore(%arg21 : memref<!tpu.dma_semaphore, #tpu.memory_space<semaphore_mem>>) src(%arg13 : memref<128x128xf32, #tpu.memory_space<vmem>>) dst(%dma_wait3A_136 : memref<10000x128xf32, #tpu.memory_space<vmem_shared>>)
      } else {
      }
      %add3A_114 = arith.constant 1 : i32
      %add3A_115 = arith.addi %add3A_108, %add3A_114 : i32
      %lt3A_116 = arith.constant 78 : i32
      %lt3A_117 = arith.cmpi slt, %add3A_115, %lt3A_116 : i32
      %convert_element_type3A_118 = arith.extui %lt3A_117 : i1 to i32
      %cond3A_119 = arith.constant 0 : i32
      %cond3A_120 = arith.cmpi ne, %convert_element_type3A_118, %cond3A_119 : i32
      scf.if %cond3A_120 {
        %add3A_134 = arith.constant 1 : i32
        %add3A_135 = arith.addi %add3A_108, %add3A_134 : i32
        %mul3A_136 = arith.constant 128 : i32
        %mul3A_137 = arith.muli %add3A_135, %mul3A_136 : i32
        %add3A_138 = arith.addi %multiple_of3A, %mul3A_137 : i32
        %multiple_of3A_139 = tpu.assume_multiple %add3A_138, 8 : i32
        "tpu.region"() ({
          %run_scoped3A = tpu.sem_alloc : memref<!tpu.dma_semaphore, #tpu.memory_space<semaphore_mem>>
          %dma_start3A_140 = tpu.memref_slice %arg3[%multiple_of3A_139] : memref<320000xi32, #tpu.memory_space<hbm>> -> memref<128xi32, #tpu.memory_space<hbm>>
          %dma_start3A_141 = tpu.memref_slice %arg3[%multiple_of3A_139] : memref<320000xi32, #tpu.memory_space<hbm>> -> memref<128xi32, #tpu.memory_space<hbm>>
          tpu.enqueue_dma source(%dma_start3A_141 : memref<128xi32, #tpu.memory_space<hbm>>) target(%arg7 : memref<128xi32, #tpu.memory_space<vmem>>) target_semaphore(%run_scoped3A : memref<!tpu.dma_semaphore, #tpu.memory_space<semaphore_mem>>)
          %dma_wait3A_142 = tpu.memref_slice %arg3[%multiple_of3A_139] : memref<320000xi32, #tpu.memory_space<hbm>> -> memref<128xi32, #tpu.memory_space<hbm>>
          %dma_wait3A_143 = tpu.memref_slice %arg3[%multiple_of3A_139] : memref<320000xi32, #tpu.memory_space<hbm>> -> memref<128xi32, #tpu.memory_space<hbm>>
          tpu.wait_dma2 semaphore(%run_scoped3A : memref<!tpu.dma_semaphore, #tpu.memory_space<semaphore_mem>>) src(%dma_wait3A_143 : memref<128xi32, #tpu.memory_space<hbm>>) dst(%arg7 : memref<128xi32, #tpu.memory_space<vmem>>)
          tpu.yield
        }) : () -> ()
        "tpu.region"() ({
          %run_scoped3A = tpu.sem_alloc : memref<!tpu.dma_semaphore, #tpu.memory_space<semaphore_mem>>
          %dma_start3A_140 = tpu.memref_slice %arg4[%multiple_of3A_139] : memref<320000xi32, #tpu.memory_space<hbm>> -> memref<128xi32, #tpu.memory_space<hbm>>
          %dma_start3A_141 = tpu.memref_slice %arg4[%multiple_of3A_139] : memref<320000xi32, #tpu.memory_space<hbm>> -> memref<128xi32, #tpu.memory_space<hbm>>
          tpu.enqueue_dma source(%dma_start3A_141 : memref<128xi32, #tpu.memory_space<hbm>>) target(%arg10 : memref<128xi32, #tpu.memory_space<vmem>>) target_semaphore(%run_scoped3A : memref<!tpu.dma_semaphore, #tpu.memory_space<semaphore_mem>>)
          %dma_wait3A_142 = tpu.memref_slice %arg4[%multiple_of3A_139] : memref<320000xi32, #tpu.memory_space<hbm>> -> memref<128xi32, #tpu.memory_space<hbm>>
          %dma_wait3A_143 = tpu.memref_slice %arg4[%multiple_of3A_139] : memref<320000xi32, #tpu.memory_space<hbm>> -> memref<128xi32, #tpu.memory_space<hbm>>
          tpu.wait_dma2 semaphore(%run_scoped3A : memref<!tpu.dma_semaphore, #tpu.memory_space<semaphore_mem>>) src(%dma_wait3A_143 : memref<128xi32, #tpu.memory_space<hbm>>) dst(%arg10 : memref<128xi32, #tpu.memory_space<vmem>>)
          tpu.yield
        }) : () -> ()
      } else {
      }
      %dma_wait3A_121 = arith.constant 0 : i32
      %dma_wait3A_122 = arith.constant 0 : i32
      %dma_wait3A_123 = tpu.memref_slice %arg2[%dma_wait3A_121, %dma_wait3A_122] : memref<10000x128xf32, #tpu.memory_space<hbm>> -> memref<10000x128xf32, #tpu.memory_space<hbm>>
      tpu.wait_indirect_dma semaphore(%arg20 : memref<!tpu.dma_semaphore, #tpu.memory_space<semaphore_mem>>) src(%dma_wait3A_123 : memref<10000x128xf32, #tpu.memory_space<hbm>>) dst(%arg15 : memref<128x128xf32, #tpu.memory_space<vmem>>)
      %add3A_124 = arith.constant 1 : i32
      %add3A_125 = arith.addi %add3A_108, %add3A_124 : i32
      %lt3A_126 = arith.constant 78 : i32
      %lt3A_127 = arith.cmpi slt, %add3A_125, %lt3A_126 : i32
      %convert_element_type3A_128 = arith.extui %lt3A_127 : i1 to i32
      %cond3A_129 = arith.constant 0 : i32
      %cond3A_130 = arith.cmpi ne, %convert_element_type3A_128, %cond3A_129 : i32
      scf.if %cond3A_130 {
        %dma_start3A_134 = arith.constant 0 : i32
        %dma_start3A_135 = arith.constant 0 : i32
        %dma_start3A_136 = tpu.memref_slice %arg2[%dma_start3A_134, %dma_start3A_135] : memref<10000x128xf32, #tpu.memory_space<hbm>> -> memref<10000x128xf32, #tpu.memory_space<hbm>>
        tpu.enqueue_indirect_dma source(%dma_start3A_136 : memref<10000x128xf32, #tpu.memory_space<hbm>>) target(%arg13 : memref<128x128xf32, #tpu.memory_space<vmem>>) offsets(%arg7 : memref<128xi32, #tpu.memory_space<vmem>>) semaphore(%arg18 : memref<!tpu.dma_semaphore, #tpu.memory_space<semaphore_mem>>)
      } else {
      }
      %dma_start3A_131 = arith.constant 0 : i32
      %dma_start3A_132 = arith.constant 0 : i32
      %dma_start3A_133 = tpu.memref_slice %arg17[%dma_start3A_131, %dma_start3A_132] : memref<10000x128xf32, #tpu.memory_space<vmem_shared>> -> memref<10000x128xf32, #tpu.memory_space<vmem_shared>>
      tpu.enqueue_indirect_dma source(%arg15 : memref<128x128xf32, #tpu.memory_space<vmem>>) target(%dma_start3A_133 : memref<10000x128xf32, #tpu.memory_space<vmem_shared>>) offsets(%arg12 : memref<128xi32, #tpu.memory_space<vmem>>) semaphore(%arg23 : memref<!tpu.dma_semaphore, #tpu.memory_space<semaphore_mem>>) {add = true}
    }
    %scan3A_18 = arith.constant 26 : i32
    %dma_wait3A = arith.constant 0 : i32
    %dma_wait3A_19 = arith.constant 0 : i32
    %dma_wait3A_20 = tpu.memref_slice %arg17[%dma_wait3A, %dma_wait3A_19] : memref<10000x128xf32, #tpu.memory_space<vmem_shared>> -> memref<10000x128xf32, #tpu.memory_space<vmem_shared>>
    tpu.wait_indirect_dma semaphore(%arg22 : memref<!tpu.dma_semaphore, #tpu.memory_space<semaphore_mem>>) src(%arg14 : memref<128x128xf32, #tpu.memory_space<vmem>>) dst(%dma_wait3A_20 : memref<10000x128xf32, #tpu.memory_space<vmem_shared>>)
    %dma_wait3A_21 = arith.constant 0 : i32
    %dma_wait3A_22 = arith.constant 0 : i32
    %dma_wait3A_23 = tpu.memref_slice %arg17[%dma_wait3A_21, %dma_wait3A_22] : memref<10000x128xf32, #tpu.memory_space<vmem_shared>> -> memref<10000x128xf32, #tpu.memory_space<vmem_shared>>
    tpu.wait_indirect_dma semaphore(%arg23 : memref<!tpu.dma_semaphore, #tpu.memory_space<semaphore_mem>>) src(%arg15 : memref<128x128xf32, #tpu.memory_space<vmem>>) dst(%dma_wait3A_23 : memref<10000x128xf32, #tpu.memory_space<vmem_shared>>)
    %add3A_24 = arith.constant 9984 : i32
    %add3A_25 = arith.addi %multiple_of3A, %add3A_24 : i32
    %multiple_of3A_26 = tpu.assume_multiple %add3A_25, 8 : i32
    "tpu.region"() ({
      %run_scoped3A = tpu.sem_alloc : memref<!tpu.dma_semaphore, #tpu.memory_space<semaphore_mem>>
      %dma_start3A_54 = arith.constant 0 : i32
      %dma_start3A_55 = tpu.memref_slice %arg7[%dma_start3A_54] : memref<128xi32, #tpu.memory_space<vmem>> -> memref<16xi32, #tpu.memory_space<vmem>>
      %dma_start3A_56 = tpu.memref_slice %arg3[%multiple_of3A_26] : memref<320000xi32, #tpu.memory_space<hbm>> -> memref<16xi32, #tpu.memory_space<hbm>>
      %dma_start3A_57 = arith.constant 0 : i32
      %dma_start3A_58 = tpu.memref_slice %arg7[%dma_start3A_57] : memref<128xi32, #tpu.memory_space<vmem>> -> memref<16xi32, #tpu.memory_space<vmem>>
      %dma_start3A_59 = tpu.memref_slice %arg3[%multiple_of3A_26] : memref<320000xi32, #tpu.memory_space<hbm>> -> memref<16xi32, #tpu.memory_space<hbm>>
      tpu.enqueue_dma source(%dma_start3A_59 : memref<16xi32, #tpu.memory_space<hbm>>) target(%dma_start3A_58 : memref<16xi32, #tpu.memory_space<vmem>>) target_semaphore(%run_scoped3A : memref<!tpu.dma_semaphore, #tpu.memory_space<semaphore_mem>>)
      %dma_wait3A_60 = arith.constant 0 : i32
      %dma_wait3A_61 = tpu.memref_slice %arg7[%dma_wait3A_60] : memref<128xi32, #tpu.memory_space<vmem>> -> memref<16xi32, #tpu.memory_space<vmem>>
      %dma_wait3A_62 = tpu.memref_slice %arg3[%multiple_of3A_26] : memref<320000xi32, #tpu.memory_space<hbm>> -> memref<16xi32, #tpu.memory_space<hbm>>
      %dma_wait3A_63 = arith.constant 0 : i32
      %dma_wait3A_64 = tpu.memref_slice %arg7[%dma_wait3A_63] : memref<128xi32, #tpu.memory_space<vmem>> -> memref<16xi32, #tpu.memory_space<vmem>>
      %dma_wait3A_65 = tpu.memref_slice %arg3[%multiple_of3A_26] : memref<320000xi32, #tpu.memory_space<hbm>> -> memref<16xi32, #tpu.memory_space<hbm>>
      tpu.wait_dma2 semaphore(%run_scoped3A : memref<!tpu.dma_semaphore, #tpu.memory_space<semaphore_mem>>) src(%dma_wait3A_65 : memref<16xi32, #tpu.memory_space<hbm>>) dst(%dma_wait3A_64 : memref<16xi32, #tpu.memory_space<vmem>>)
      tpu.yield
    }) : () -> ()
    "tpu.region"() ({
      %run_scoped3A = tpu.sem_alloc : memref<!tpu.dma_semaphore, #tpu.memory_space<semaphore_mem>>
      %dma_start3A_54 = tpu.memref_slice %arg4[%multiple_of3A_26] : memref<320000xi32, #tpu.memory_space<hbm>> -> memref<16xi32, #tpu.memory_space<hbm>>
      %dma_start3A_55 = tpu.memref_slice %arg4[%multiple_of3A_26] : memref<320000xi32, #tpu.memory_space<hbm>> -> memref<16xi32, #tpu.memory_space<hbm>>
      tpu.enqueue_dma source(%dma_start3A_55 : memref<16xi32, #tpu.memory_space<hbm>>) target(%arg16 : memref<16xi32, #tpu.memory_space<vmem>>) target_semaphore(%run_scoped3A : memref<!tpu.dma_semaphore, #tpu.memory_space<semaphore_mem>>)
      %dma_wait3A_56 = tpu.memref_slice %arg4[%multiple_of3A_26] : memref<320000xi32, #tpu.memory_space<hbm>> -> memref<16xi32, #tpu.memory_space<hbm>>
      %dma_wait3A_57 = tpu.memref_slice %arg4[%multiple_of3A_26] : memref<320000xi32, #tpu.memory_space<hbm>> -> memref<16xi32, #tpu.memory_space<hbm>>
      tpu.wait_dma2 semaphore(%run_scoped3A : memref<!tpu.dma_semaphore, #tpu.memory_space<semaphore_mem>>) src(%dma_wait3A_57 : memref<16xi32, #tpu.memory_space<hbm>>) dst(%arg16 : memref<16xi32, #tpu.memory_space<vmem>>)
      tpu.yield
    }) : () -> ()
    %dma_start3A_27 = arith.constant 0 : i32
    %dma_start3A_28 = arith.constant 0 : i32
    %dma_start3A_29 = tpu.memref_slice %arg13[%dma_start3A_27, %dma_start3A_28] : memref<128x128xf32, #tpu.memory_space<vmem>> -> memref<16x128xf32, #tpu.memory_space<vmem>>
    %dma_start3A_30 = arith.constant 0 : i32
    %dma_start3A_31 = tpu.memref_slice %arg7[%dma_start3A_30] : memref<128xi32, #tpu.memory_space<vmem>> -> memref<16xi32, #tpu.memory_space<vmem>>
    %dma_start3A_32 = arith.constant 0 : i32
    %dma_start3A_33 = arith.constant 0 : i32
    %dma_start3A_34 = tpu.memref_slice %arg2[%dma_start3A_32, %dma_start3A_33] : memref<10000x128xf32, #tpu.memory_space<hbm>> -> memref<10000x128xf32, #tpu.memory_space<hbm>>
    tpu.enqueue_indirect_dma source(%dma_start3A_34 : memref<10000x128xf32, #tpu.memory_space<hbm>>) target(%dma_start3A_29 : memref<16x128xf32, #tpu.memory_space<vmem>>) offsets(%dma_start3A_31 : memref<16xi32, #tpu.memory_space<vmem>>) semaphore(%arg18 : memref<!tpu.dma_semaphore, #tpu.memory_space<semaphore_mem>>)
    %dma_wait3A_35 = arith.constant 0 : i32
    %dma_wait3A_36 = arith.constant 0 : i32
    %dma_wait3A_37 = tpu.memref_slice %arg13[%dma_wait3A_35, %dma_wait3A_36] : memref<128x128xf32, #tpu.memory_space<vmem>> -> memref<16x128xf32, #tpu.memory_space<vmem>>
    %dma_wait3A_38 = arith.constant 0 : i32
    %dma_wait3A_39 = tpu.memref_slice %arg7[%dma_wait3A_38] : memref<128xi32, #tpu.memory_space<vmem>> -> memref<16xi32, #tpu.memory_space<vmem>>
    %dma_wait3A_40 = arith.constant 0 : i32
    %dma_wait3A_41 = arith.constant 0 : i32
    %dma_wait3A_42 = tpu.memref_slice %arg2[%dma_wait3A_40, %dma_wait3A_41] : memref<10000x128xf32, #tpu.memory_space<hbm>> -> memref<10000x128xf32, #tpu.memory_space<hbm>>
    tpu.wait_indirect_dma semaphore(%arg18 : memref<!tpu.dma_semaphore, #tpu.memory_space<semaphore_mem>>) src(%dma_wait3A_42 : memref<10000x128xf32, #tpu.memory_space<hbm>>) dst(%dma_wait3A_37 : memref<16x128xf32, #tpu.memory_space<vmem>>)
    "tpu.region"() ({
      %run_scoped3A = tpu.sem_alloc : memref<!tpu.dma_semaphore, #tpu.memory_space<semaphore_mem>>
      %dma_start3A_54 = arith.constant 0 : i32
      %dma_start3A_55 = arith.constant 0 : i32
      %dma_start3A_56 = tpu.memref_slice %arg13[%dma_start3A_54, %dma_start3A_55] : memref<128x128xf32, #tpu.memory_space<vmem>> -> memref<16x128xf32, #tpu.memory_space<vmem>>
      %dma_start3A_57 = arith.constant 0 : i32
      %dma_start3A_58 = arith.constant 0 : i32
      %dma_start3A_59 = tpu.memref_slice %arg17[%dma_start3A_57, %dma_start3A_58] : memref<10000x128xf32, #tpu.memory_space<vmem_shared>> -> memref<10000x128xf32, #tpu.memory_space<vmem_shared>>
      tpu.enqueue_indirect_dma source(%dma_start3A_56 : memref<16x128xf32, #tpu.memory_space<vmem>>) target(%dma_start3A_59 : memref<10000x128xf32, #tpu.memory_space<vmem_shared>>) offsets(%arg16 : memref<16xi32, #tpu.memory_space<vmem>>) semaphore(%run_scoped3A : memref<!tpu.dma_semaphore, #tpu.memory_space<semaphore_mem>>) {add = true}
      %dma_wait3A_60 = arith.constant 0 : i32
      %dma_wait3A_61 = arith.constant 0 : i32
      %dma_wait3A_62 = tpu.memref_slice %arg13[%dma_wait3A_60, %dma_wait3A_61] : memref<128x128xf32, #tpu.memory_space<vmem>> -> memref<16x128xf32, #tpu.memory_space<vmem>>
      %dma_wait3A_63 = arith.constant 0 : i32
      %dma_wait3A_64 = arith.constant 0 : i32
      %dma_wait3A_65 = tpu.memref_slice %arg17[%dma_wait3A_63, %dma_wait3A_64] : memref<10000x128xf32, #tpu.memory_space<vmem_shared>> -> memref<10000x128xf32, #tpu.memory_space<vmem_shared>>
      tpu.wait_indirect_dma semaphore(%run_scoped3A : memref<!tpu.dma_semaphore, #tpu.memory_space<semaphore_mem>>) src(%dma_wait3A_62 : memref<16x128xf32, #tpu.memory_space<vmem>>) dst(%dma_wait3A_65 : memref<10000x128xf32, #tpu.memory_space<vmem_shared>>)
      tpu.yield
    }) : () -> ()
    %barrier3A_43 = arith.constant 0 : index
    tpu.barrier barrier_id(%barrier3A_43)
    %eq3A_44 = arith.constant 0 : i32
    %eq3A_45 = arith.cmpi eq, %arg1, %eq3A_44 : i32
    %convert_element_type3A_46 = arith.extui %eq3A_45 : i1 to i32
    %cond3A_47 = arith.constant 0 : i32
    %cond3A_48 = arith.cmpi ne, %convert_element_type3A_46, %cond3A_47 : i32
    scf.if %cond3A_48 {
      "tpu.region"() ({
        %run_scoped3A = tpu.sem_alloc : memref<!tpu.dma_semaphore, #tpu.memory_space<semaphore_mem>>
        %dma_start3A_54 = arith.constant 0 : i32
        %dma_start3A_55 = arith.constant 0 : i32
        %dma_start3A_56 = tpu.memref_slice %arg6[%arg0, %dma_start3A_54, %dma_start3A_55] : memref<2x10000x128xf32, #tpu.memory_space<hbm>> -> memref<1x10000x128xf32, #tpu.memory_space<hbm>>
        %dma_start3A_57 = tpu.memref_squeeze %dma_start3A_56 : memref<1x10000x128xf32, #tpu.memory_space<hbm>> -> memref<10000x128xf32, #tpu.memory_space<hbm>>
        %dma_start3A_58 = arith.constant 0 : i32
        %dma_start3A_59 = arith.constant 0 : i32
        %dma_start3A_60 = tpu.memref_slice %dma_start3A_57[%dma_start3A_58, %dma_start3A_59] : memref<10000x128xf32, #tpu.memory_space<hbm>> -> memref<640x128xf32, #tpu.memory_space<hbm>>
        %dma_start3A_61 = arith.constant 0 : i32
        %dma_start3A_62 = arith.constant 0 : i32
        %dma_start3A_63 = tpu.memref_slice %arg17[%dma_start3A_61, %dma_start3A_62] : memref<10000x128xf32, #tpu.memory_space<vmem_shared>> -> memref<640x128xf32, #tpu.memory_space<vmem_shared>>
        tpu.enqueue_dma source(%dma_start3A_63 : memref<640x128xf32, #tpu.memory_space<vmem_shared>>) target(%dma_start3A_60 : memref<640x128xf32, #tpu.memory_space<hbm>>) target_semaphore(%run_scoped3A : memref<!tpu.dma_semaphore, #tpu.memory_space<semaphore_mem>>)
        %dma_wait3A_64 = arith.constant 0 : i32
        %dma_wait3A_65 = arith.constant 0 : i32
        %dma_wait3A_66 = tpu.memref_slice %arg6[%arg0, %dma_wait3A_64, %dma_wait3A_65] : memref<2x10000x128xf32, #tpu.memory_space<hbm>> -> memref<1x10000x128xf32, #tpu.memory_space<hbm>>
        %dma_wait3A_67 = tpu.memref_squeeze %dma_wait3A_66 : memref<1x10000x128xf32, #tpu.memory_space<hbm>> -> memref<10000x128xf32, #tpu.memory_space<hbm>>
        %dma_wait3A_68 = arith.constant 0 : i32
        %dma_wait3A_69 = arith.constant 0 : i32
        %dma_wait3A_70 = tpu.memref_slice %dma_wait3A_67[%dma_wait3A_68, %dma_wait3A_69] : memref<10000x128xf32, #tpu.memory_space<hbm>> -> memref<640x128xf32, #tpu.memory_space<hbm>>
        %dma_wait3A_71 = arith.constant 0 : i32
        %dma_wait3A_72 = arith.constant 0 : i32
        %dma_wait3A_73 = tpu.memref_slice %arg17[%dma_wait3A_71, %dma_wait3A_72] : memref<10000x128xf32, #tpu.memory_space<vmem_shared>> -> memref<640x128xf32, #tpu.memory_space<vmem_shared>>
        tpu.wait_dma2 semaphore(%run_scoped3A : memref<!tpu.dma_semaphore, #tpu.memory_space<semaphore_mem>>) src(%dma_wait3A_73 : memref<640x128xf32, #tpu.memory_space<vmem_shared>>) dst(%dma_wait3A_70 : memref<640x128xf32, #tpu.memory_space<hbm>>)
        tpu.yield
      }) : () -> ()
    } else {
    }
    %gt3A_49 = arith.constant 0 : i32
    %gt3A_50 = arith.cmpi sgt, %arg1, %gt3A_49 : i32
    %convert_element_type3A_51 = arith.extui %gt3A_50 : i1 to i32
    %cond3A_52 = arith.constant 0 : i32
    %cond3A_53 = arith.cmpi ne, %convert_element_type3A_51, %cond3A_52 : i32
    scf.if %cond3A_53 {
      %mul3A_54 = arith.constant 624 : i32
      %mul3A_55 = arith.muli %mul3A_54, %arg1 : i32
      %add3A_56 = arith.constant 16 : i32
      %add3A_57 = arith.addi %mul3A_55, %add3A_56 : i32
      %multiple_of3A_58 = tpu.assume_multiple %add3A_57, 8 : i32
      "tpu.region"() ({
        %run_scoped3A = tpu.sem_alloc : memref<!tpu.dma_semaphore, #tpu.memory_space<semaphore_mem>>
        %dma_start3A_59 = arith.constant 0 : i32
        %dma_start3A_60 = arith.constant 0 : i32
        %dma_start3A_61 = tpu.memref_slice %arg6[%arg0, %dma_start3A_59, %dma_start3A_60] : memref<2x10000x128xf32, #tpu.memory_space<hbm>> -> memref<1x10000x128xf32, #tpu.memory_space<hbm>>
        %dma_start3A_62 = tpu.memref_squeeze %dma_start3A_61 : memref<1x10000x128xf32, #tpu.memory_space<hbm>> -> memref<10000x128xf32, #tpu.memory_space<hbm>>
        %dma_start3A_63 = arith.constant 0 : i32
        %dma_start3A_64 = tpu.memref_slice %dma_start3A_62[%multiple_of3A_58, %dma_start3A_63] : memref<10000x128xf32, #tpu.memory_space<hbm>> -> memref<624x128xf32, #tpu.memory_space<hbm>>
        %dma_start3A_65 = arith.constant 0 : i32
        %dma_start3A_66 = tpu.memref_slice %arg17[%multiple_of3A_58, %dma_start3A_65] : memref<10000x128xf32, #tpu.memory_space<vmem_shared>> -> memref<624x128xf32, #tpu.memory_space<vmem_shared>>
        tpu.enqueue_dma source(%dma_start3A_66 : memref<624x128xf32, #tpu.memory_space<vmem_shared>>) target(%dma_start3A_64 : memref<624x128xf32, #tpu.memory_space<hbm>>) target_semaphore(%run_scoped3A : memref<!tpu.dma_semaphore, #tpu.memory_space<semaphore_mem>>)
        %dma_wait3A_67 = arith.constant 0 : i32
        %dma_wait3A_68 = arith.constant 0 : i32
        %dma_wait3A_69 = tpu.memref_slice %arg6[%arg0, %dma_wait3A_67, %dma_wait3A_68] : memref<2x10000x128xf32, #tpu.memory_space<hbm>> -> memref<1x10000x128xf32, #tpu.memory_space<hbm>>
        %dma_wait3A_70 = tpu.memref_squeeze %dma_wait3A_69 : memref<1x10000x128xf32, #tpu.memory_space<hbm>> -> memref<10000x128xf32, #tpu.memory_space<hbm>>
        %dma_wait3A_71 = arith.constant 0 : i32
        %dma_wait3A_72 = tpu.memref_slice %dma_wait3A_70[%multiple_of3A_58, %dma_wait3A_71] : memref<10000x128xf32, #tpu.memory_space<hbm>> -> memref<624x128xf32, #tpu.memory_space<hbm>>
        %dma_wait3A_73 = arith.constant 0 : i32
        %dma_wait3A_74 = tpu.memref_slice %arg17[%multiple_of3A_58, %dma_wait3A_73] : memref<10000x128xf32, #tpu.memory_space<vmem_shared>> -> memref<624x128xf32, #tpu.memory_space<vmem_shared>>
        tpu.wait_dma2 semaphore(%run_scoped3A : memref<!tpu.dma_semaphore, #tpu.memory_space<semaphore_mem>>) src(%dma_wait3A_74 : memref<624x128xf32, #tpu.memory_space<vmem_shared>>) dst(%dma_wait3A_72 : memref<624x128xf32, #tpu.memory_space<hbm>>)
        tpu.yield
      }) : () -> ()
    } else {
    }
    return
  }
}

module attributes {stable_mosaic.version = 14 : i64} {
  func.func @_tc_mm_body(%arg0: i32, %arg1: memref<1000x128xf32, #tpu.memory_space<vmem>>, %arg2: memref<128x128xf32, #tpu.memory_space<vmem>>, %arg3: memref<1000x128xf32, #tpu.memory_space<vmem>>) attributes {dimension_semantics = [#tpu.dimension_semantics<arbitrary>], iteration_bounds = array<i64: 10>, scalar_prefetch = 0 : i64, scratch_operands = 0 : i64, tpu.core_type = #tpu.core_type<tc>, window_params = [{transform_indices = @transform_0, window_bounds = array<i64: 1000, 128>}, {pipeline_mode = #tpu.pipeline_mode<synchronous>, transform_indices = @transform_1, window_bounds = array<i64: 128, 128>}, {transform_indices = @transform_2, window_bounds = array<i64: 1000, 128>}]} {
    %get3A = arith.constant 0 : index
    %get3A_0 = arith.constant 0 : index
    %get3A_1 = vector.load %arg1[%get3A, %get3A_0] : memref<1000x128xf32, #tpu.memory_space<vmem>>, vector<1000x128xf32>
    %get3A_2 = arith.constant 0 : index
    %get3A_3 = arith.constant 0 : index
    %get3A_4 = vector.load %arg2[%get3A_2, %get3A_3] : memref<128x128xf32, #tpu.memory_space<vmem>>, vector<128x128xf32>
    %dot_general3A = arith.constant dense<0.000000e+00> : vector<1000x128xf32>
    %dot_general3A_5 = tpu.matmul %get3A_1, %get3A_4, %dot_general3A {dimension_numbers = #tpu.dot_dimension_numbers<[1], [0], [0], [1], [0, 0, 1, 1], [], []>, transpose_lhs_hint = false} : vector<1000x128xf32>, vector<128x128xf32>, vector<1000x128xf32> -> vector<1000x128xf32>
    %swap3A = arith.constant 0 : index
    %swap3A_6 = arith.constant 0 : index
    %swap3A_7 = vector.load %arg3[%swap3A, %swap3A_6] : memref<1000x128xf32, #tpu.memory_space<vmem>>, vector<1000x128xf32>
    tpu.vector_store %arg3[%swap3A, %swap3A_6], %dot_general3A_5 {strides = array<i32>} : memref<1000x128xf32, #tpu.memory_space<vmem>>, vector<1000x128xf32>,
    return
  }
  func.func @transform_0(%arg0: i32) -> (i32, i32) {
    %c0_i32 = arith.constant 0 : i32
    %c0_i32_0 = arith.constant 0 : i32
    return %arg0, %c0_i32 : i32, i32
  }
  func.func @transform_1(%arg0: i32) -> (i32, i32) {
    %c0_i32 = arith.constant 0 : i32
    %c0_i32_0 = arith.constant 0 : i32
    %c0_i32_1 = arith.constant 0 : i32
    return %c0_i32, %c0_i32_0 : i32, i32
  }
  func.func @transform_2(%arg0: i32) -> (i32, i32) {
    %c0_i32 = arith.constant 0 : i32
    %c0_i32_0 = arith.constant 0 : i32
    return %arg0, %c0_i32 : i32, i32
  }
}

module attributes {stable_mosaic.version = 14 : i64} {
  func.func @_tc_scale_body(%arg0: i32, %arg1: memref<1000x128xf32, #tpu.memory_space<vmem>>, %arg2: memref<1000x1xf32, #tpu.memory_space<vmem>>, %arg3: memref<1000x1xf32, #tpu.memory_space<vmem>>, %arg4: memref<1000x128xf32, #tpu.memory_space<vmem>>, %arg5: memref<1000x1xf32, #tpu.memory_space<vmem>>) attributes {dimension_semantics = [#tpu.dimension_semantics<arbitrary>], iteration_bounds = array<i64: 10>, scalar_prefetch = 0 : i64, scratch_operands = 0 : i64, tpu.core_type = #tpu.core_type<tc>, window_params = [{transform_indices = @transform_0, window_bounds = array<i64: 1000, 128>}, {transform_indices = @transform_1, window_bounds = array<i64: 1000, 1>}, {transform_indices = @transform_2, window_bounds = array<i64: 1000, 1>}, {transform_indices = @transform_3, window_bounds = array<i64: 1000, 128>}, {transform_indices = @transform_4, window_bounds = array<i64: 1000, 1>}]} {
    %get3A = arith.constant 0 : index
    %get3A_0 = arith.constant 0 : index
    %get3A_1 = vector.load %arg2[%get3A, %get3A_0] : memref<1000x1xf32, #tpu.memory_space<vmem>>, vector<1000x1xf32>
    %get3A_2 = arith.constant 0 : index
    %get3A_3 = arith.constant 0 : index
    %get3A_4 = vector.load %arg3[%get3A_2, %get3A_3] : memref<1000x1xf32, #tpu.memory_space<vmem>>, vector<1000x1xf32>
    %add3A = arith.addf %get3A_1, %get3A_4 : vector<1000x1xf32>
    %add3A_5 = arith.constant 1.000000e+00 : f32
    %add3A_6 = vector.broadcast %add3A_5 : f32 to vector<1000x1xf32>
    %add3A_7 = arith.addf %add3A, %add3A_6 : vector<1000x1xf32>
    %rsqrt3A = math.rsqrt %add3A_7 : vector<1000x1xf32>
    %swap3A = arith.constant 0 : index
    %swap3A_8 = arith.constant 0 : index
    %swap3A_9 = vector.load %arg5[%swap3A, %swap3A_8] : memref<1000x1xf32, #tpu.memory_space<vmem>>, vector<1000x1xf32>
    tpu.vector_store %arg5[%swap3A, %swap3A_8], %rsqrt3A {strides = array<i32>} : memref<1000x1xf32, #tpu.memory_space<vmem>>, vector<1000x1xf32>,
    %get3A_10 = arith.constant 0 : index
    %get3A_11 = arith.constant 0 : index
    %get3A_12 = vector.load %arg1[%get3A_10, %get3A_11] : memref<1000x128xf32, #tpu.memory_space<vmem>>, vector<1000x128xf32>
    %mul3A = vector.broadcast %rsqrt3A : vector<1000x1xf32> to vector<1000x128xf32>
    %mul3A_13 = arith.mulf %get3A_12, %mul3A : vector<1000x128xf32>
    %swap3A_14 = arith.constant 0 : index
    %swap3A_15 = arith.constant 0 : index
    %swap3A_16 = vector.load %arg4[%swap3A_14, %swap3A_15] : memref<1000x128xf32, #tpu.memory_space<vmem>>, vector<1000x128xf32>
    tpu.vector_store %arg4[%swap3A_14, %swap3A_15], %mul3A_13 {strides = array<i32>} : memref<1000x128xf32, #tpu.memory_space<vmem>>, vector<1000x128xf32>,
    return
  }
  func.func @transform_0(%arg0: i32) -> (i32, i32) {
    %c0_i32 = arith.constant 0 : i32
    %c0_i32_0 = arith.constant 0 : i32
    return %arg0, %c0_i32 : i32, i32
  }
  func.func @transform_1(%arg0: i32) -> (i32, i32) {
    %c0_i32 = arith.constant 0 : i32
    %c0_i32_0 = arith.constant 0 : i32
    return %arg0, %c0_i32 : i32, i32
  }
  func.func @transform_2(%arg0: i32) -> (i32, i32) {
    %c0_i32 = arith.constant 0 : i32
    %c0_i32_0 = arith.constant 0 : i32
    return %arg0, %c0_i32 : i32, i32
  }
  func.func @transform_3(%arg0: i32) -> (i32, i32) {
    %c0_i32 = arith.constant 0 : i32
    %c0_i32_0 = arith.constant 0 : i32
    return %arg0, %c0_i32 : i32, i32
  }
  func.func @transform_4(%arg0: i32) -> (i32, i32) {
    %c0_i32 = arith.constant 0 : i32
    %c0_i32_0 = arith.constant 0 : i32
    return %arg0, %c0_i32 : i32, i32
  }
}

module attributes {stable_mosaic.version = 14 : i64} {
  func.func @_tc_l1_body(%arg0: i32, %arg1: memref<1000x128xf32, #tpu.memory_space<vmem>>, %arg2: memref<1000x128xf32, #tpu.memory_space<vmem>>, %arg3: memref<1000x128xf32, #tpu.memory_space<vmem>>, %arg4: memref<1000x1xf32, #tpu.memory_space<vmem>>, %arg5: memref<1x128xf32, #tpu.memory_space<vmem>>, %arg6: memref<1000x128xf32, #tpu.memory_space<vmem>>) attributes {dimension_semantics = [#tpu.dimension_semantics<arbitrary>], iteration_bounds = array<i64: 10>, scalar_prefetch = 0 : i64, scratch_operands = 0 : i64, tpu.core_type = #tpu.core_type<tc>, window_params = [{transform_indices = @transform_0, window_bounds = array<i64: 1000, 128>}, {transform_indices = @transform_1, window_bounds = array<i64: 1000, 128>}, {transform_indices = @transform_2, window_bounds = array<i64: 1000, 128>}, {transform_indices = @transform_3, window_bounds = array<i64: 1000, 1>}, {pipeline_mode = #tpu.pipeline_mode<synchronous>, transform_indices = @transform_4, window_bounds = array<i64: 1, 128>}, {transform_indices = @transform_5, window_bounds = array<i64: 1000, 128>}]} {
    %get3A = arith.constant 0 : index
    %get3A_0 = arith.constant 0 : index
    %get3A_1 = vector.load %arg4[%get3A, %get3A_0] : memref<1000x1xf32, #tpu.memory_space<vmem>>, vector<1000x1xf32>
    %get3A_2 = arith.constant 0 : index
    %get3A_3 = arith.constant 0 : index
    %get3A_4 = vector.load %arg1[%get3A_2, %get3A_3] : memref<1000x128xf32, #tpu.memory_space<vmem>>, vector<1000x128xf32>
    %get3A_5 = arith.constant 0 : index
    %get3A_6 = arith.constant 0 : index
    %get3A_7 = vector.load %arg2[%get3A_5, %get3A_6] : memref<1000x128xf32, #tpu.memory_space<vmem>>, vector<1000x128xf32>
    %add3A = arith.addf %get3A_4, %get3A_7 : vector<1000x128xf32>
    %get3A_8 = arith.constant 0 : index
    %get3A_9 = arith.constant 0 : index
    %get3A_10 = vector.load %arg3[%get3A_8, %get3A_9] : memref<1000x128xf32, #tpu.memory_space<vmem>>, vector<1000x128xf32>
    %add3A_11 = arith.addf %add3A, %get3A_10 : vector<1000x128xf32>
    %mul3A = vector.broadcast %get3A_1 : vector<1000x1xf32> to vector<1000x128xf32>
    %mul3A_12 = arith.mulf %mul3A, %add3A_11 : vector<1000x128xf32>
    %get3A_13 = arith.constant 0 : index
    %get3A_14 = arith.constant 0 : index
    %get3A_15 = vector.load %arg5[%get3A_13, %get3A_14] : memref<1x128xf32, #tpu.memory_space<vmem>>, vector<1x128xf32>
    %add3A_16 = vector.broadcast %get3A_15 : vector<1x128xf32> to vector<1000x128xf32>
    %add3A_17 = arith.addf %mul3A_12, %add3A_16 : vector<1000x128xf32>
    %max3A = arith.constant 0.000000e+00 : f32
    %max3A_18 = vector.broadcast %max3A : f32 to vector<1000x128xf32>
    %max3A_19 = arith.maximumf %add3A_17, %max3A_18 : vector<1000x128xf32>
    %mul3A_20 = vector.broadcast %get3A_1 : vector<1000x1xf32> to vector<1000x128xf32>
    %mul3A_21 = arith.mulf %max3A_19, %mul3A_20 : vector<1000x128xf32>
    %swap3A = arith.constant 0 : index
    %swap3A_22 = arith.constant 0 : index
    %swap3A_23 = vector.load %arg6[%swap3A, %swap3A_22] : memref<1000x128xf32, #tpu.memory_space<vmem>>, vector<1000x128xf32>
    tpu.vector_store %arg6[%swap3A, %swap3A_22], %mul3A_21 {strides = array<i32>} : memref<1000x128xf32, #tpu.memory_space<vmem>>, vector<1000x128xf32>,
    return
  }
  func.func @transform_0(%arg0: i32) -> (i32, i32) {
    %c0_i32 = arith.constant 0 : i32
    %c0_i32_0 = arith.constant 0 : i32
    return %arg0, %c0_i32 : i32, i32
  }
  func.func @transform_1(%arg0: i32) -> (i32, i32) {
    %c0_i32 = arith.constant 0 : i32
    %c0_i32_0 = arith.constant 0 : i32
    return %arg0, %c0_i32 : i32, i32
  }
  func.func @transform_2(%arg0: i32) -> (i32, i32) {
    %c0_i32 = arith.constant 0 : i32
    %c0_i32_0 = arith.constant 0 : i32
    return %arg0, %c0_i32 : i32, i32
  }
  func.func @transform_3(%arg0: i32) -> (i32, i32) {
    %c0_i32 = arith.constant 0 : i32
    %c0_i32_0 = arith.constant 0 : i32
    return %arg0, %c0_i32 : i32, i32
  }
  func.func @transform_4(%arg0: i32) -> (i32, i32) {
    %c0_i32 = arith.constant 0 : i32
    %c0_i32_0 = arith.constant 0 : i32
    %c0_i32_1 = arith.constant 0 : i32
    return %c0_i32, %c0_i32_0 : i32, i32
  }
  func.func @transform_5(%arg0: i32) -> (i32, i32) {
    %c0_i32 = arith.constant 0 : i32
    %c0_i32_0 = arith.constant 0 : i32
    return %arg0, %c0_i32 : i32, i32
  }
}

module attributes {stable_mosaic.version = 14 : i64} {
  func.func @_tc_l2_body(%arg0: i32, %arg1: memref<1000x128xf32, #tpu.memory_space<vmem>>, %arg2: memref<1000x128xf32, #tpu.memory_space<vmem>>, %arg3: memref<1000x128xf32, #tpu.memory_space<vmem>>, %arg4: memref<1000x1xf32, #tpu.memory_space<vmem>>, %arg5: memref<1x64xf32, #tpu.memory_space<vmem>>, %arg6: memref<128x64xf32, #tpu.memory_space<vmem>>, %arg7: memref<64x64xf32, #tpu.memory_space<vmem>>, %arg8: memref<1000x128xf32, #tpu.memory_space<vmem>>) attributes {dimension_semantics = [#tpu.dimension_semantics<arbitrary>], iteration_bounds = array<i64: 10>, scalar_prefetch = 0 : i64, scratch_operands = 0 : i64, tpu.core_type = #tpu.core_type<tc>, window_params = [{transform_indices = @transform_0, window_bounds = array<i64: 1000, 128>}, {transform_indices = @transform_1, window_bounds = array<i64: 1000, 128>}, {transform_indices = @transform_2, window_bounds = array<i64: 1000, 128>}, {transform_indices = @transform_3, window_bounds = array<i64: 1000, 1>}, {pipeline_mode = #tpu.pipeline_mode<synchronous>, transform_indices = @transform_4, window_bounds = array<i64: 1, 64>}, {pipeline_mode = #tpu.pipeline_mode<synchronous>, transform_indices = @transform_5, window_bounds = array<i64: 128, 64>}, {pipeline_mode = #tpu.pipeline_mode<synchronous>, transform_indices = @transform_6, window_bounds = array<i64: 64, 64>}, {transform_indices = @transform_7, window_bounds = array<i64: 1000, 128>}]} {
    %get3A = arith.constant 0 : index
    %get3A_0 = arith.constant 0 : index
    %get3A_1 = vector.load %arg4[%get3A, %get3A_0] : memref<1000x1xf32, #tpu.memory_space<vmem>>, vector<1000x1xf32>
    %get3A_2 = arith.constant 0 : index
    %get3A_3 = arith.constant 0 : index
    %get3A_4 = vector.load %arg1[%get3A_2, %get3A_3] : memref<1000x128xf32, #tpu.memory_space<vmem>>, vector<1000x128xf32>
    %get3A_5 = arith.constant 0 : index
    %get3A_6 = arith.constant 0 : index
    %get3A_7 = vector.load %arg2[%get3A_5, %get3A_6] : memref<1000x128xf32, #tpu.memory_space<vmem>>, vector<1000x128xf32>
    %add3A = arith.addf %get3A_4, %get3A_7 : vector<1000x128xf32>
    %get3A_8 = arith.constant 0 : index
    %get3A_9 = arith.constant 0 : index
    %get3A_10 = vector.load %arg3[%get3A_8, %get3A_9] : memref<1000x128xf32, #tpu.memory_space<vmem>>, vector<1000x128xf32>
    %add3A_11 = arith.addf %add3A, %get3A_10 : vector<1000x128xf32>
    %mul3A = vector.broadcast %get3A_1 : vector<1000x1xf32> to vector<1000x128xf32>
    %mul3A_12 = arith.mulf %mul3A, %add3A_11 : vector<1000x128xf32>
    %get3A_13 = arith.constant 0 : index
    %get3A_14 = arith.constant 0 : index
    %get3A_15 = vector.load %arg6[%get3A_13, %get3A_14] : memref<128x64xf32, #tpu.memory_space<vmem>>, vector<128x64xf32>
    %dot_general3A = arith.constant dense<0.000000e+00> : vector<1000x64xf32>
    %dot_general3A_16 = tpu.matmul %mul3A_12, %get3A_15, %dot_general3A {dimension_numbers = #tpu.dot_dimension_numbers<[1], [0], [0], [1], [0, 0, 1, 1], [], []>, transpose_lhs_hint = false} : vector<1000x128xf32>, vector<128x64xf32>, vector<1000x64xf32> -> vector<1000x64xf32>
    %get3A_17 = arith.constant 0 : index
    %get3A_18 = arith.constant 0 : index
    %get3A_19 = vector.load %arg5[%get3A_17, %get3A_18] : memref<1x64xf32, #tpu.memory_space<vmem>>, vector<1x64xf32>
    %add3A_20 = vector.broadcast %get3A_19 : vector<1x64xf32> to vector<1000x64xf32>
    %add3A_21 = arith.addf %dot_general3A_16, %add3A_20 : vector<1000x64xf32>
    %get3A_22 = arith.constant 0 : index
    %get3A_23 = arith.constant 0 : index
    %get3A_24 = vector.load %arg7[%get3A_22, %get3A_23] : memref<64x64xf32, #tpu.memory_space<vmem>>, vector<64x64xf32>
    %dot_general3A_25 = arith.constant dense<0.000000e+00> : vector<1000x64xf32>
    %dot_general3A_26 = tpu.matmul %add3A_21, %get3A_24, %dot_general3A_25 {dimension_numbers = #tpu.dot_dimension_numbers<[1], [0], [0], [1], [0, 0, 1, 1], [], []>, transpose_lhs_hint = false} : vector<1000x64xf32>, vector<64x64xf32>, vector<1000x64xf32> -> vector<1000x64xf32>
    %mul3A_27 = vector.broadcast %get3A_1 : vector<1000x1xf32> to vector<1000x64xf32>
    %mul3A_28 = arith.mulf %dot_general3A_26, %mul3A_27 : vector<1000x64xf32>
    %broadcast_in_dim3A = arith.constant 0.000000e+00 : f32
    %broadcast_in_dim3A_29 = vector.broadcast %broadcast_in_dim3A : f32 to vector<1000x64xf32>
    %concatenate3A = tpu.concatenate %mul3A_28, %broadcast_in_dim3A_29 in 1 : vector<1000x64xf32>, vector<1000x64xf32> -> vector<1000x128xf32>
    %swap3A = arith.constant 0 : index
    %swap3A_30 = arith.constant 0 : index
    %swap3A_31 = vector.load %arg8[%swap3A, %swap3A_30] : memref<1000x128xf32, #tpu.memory_space<vmem>>, vector<1000x128xf32>
    tpu.vector_store %arg8[%swap3A, %swap3A_30], %concatenate3A {strides = array<i32>} : memref<1000x128xf32, #tpu.memory_space<vmem>>, vector<1000x128xf32>,
    return
  }
  func.func @transform_0(%arg0: i32) -> (i32, i32) {
    %c0_i32 = arith.constant 0 : i32
    %c0_i32_0 = arith.constant 0 : i32
    return %arg0, %c0_i32 : i32, i32
  }
  func.func @transform_1(%arg0: i32) -> (i32, i32) {
    %c0_i32 = arith.constant 0 : i32
    %c0_i32_0 = arith.constant 0 : i32
    return %arg0, %c0_i32 : i32, i32
  }
  func.func @transform_2(%arg0: i32) -> (i32, i32) {
    %c0_i32 = arith.constant 0 : i32
    %c0_i32_0 = arith.constant 0 : i32
    return %arg0, %c0_i32 : i32, i32
  }
  func.func @transform_3(%arg0: i32) -> (i32, i32) {
    %c0_i32 = arith.constant 0 : i32
    %c0_i32_0 = arith.constant 0 : i32
    return %arg0, %c0_i32 : i32, i32
  }
  func.func @transform_4(%arg0: i32) -> (i32, i32) {
    %c0_i32 = arith.constant 0 : i32
    %c0_i32_0 = arith.constant 0 : i32
    %c0_i32_1 = arith.constant 0 : i32
    return %c0_i32, %c0_i32_0 : i32, i32
  }
  func.func @transform_5(%arg0: i32) -> (i32, i32) {
    %c0_i32 = arith.constant 0 : i32
    %c0_i32_0 = arith.constant 0 : i32
    %c0_i32_1 = arith.constant 0 : i32
    return %c0_i32, %c0_i32_0 : i32, i32
  }
  func.func @transform_6(%arg0: i32) -> (i32, i32) {
    %c0_i32 = arith.constant 0 : i32
    %c0_i32_0 = arith.constant 0 : i32
    %c0_i32_1 = arith.constant 0 : i32
    return %c0_i32, %c0_i32_0 : i32, i32
  }
  func.func @transform_7(%arg0: i32) -> (i32, i32) {
    %c0_i32 = arith.constant 0 : i32
    %c0_i32_0 = arith.constant 0 : i32
    return %arg0, %c0_i32 : i32, i32
  }
}

module attributes {stable_mosaic.version = 14 : i64} {
  func.func @_tc_l3_body(%arg0: i32, %arg1: memref<1000x128xf32, #tpu.memory_space<vmem>>, %arg2: memref<1000x128xf32, #tpu.memory_space<vmem>>, %arg3: memref<1000x128xf32, #tpu.memory_space<vmem>>, %arg4: memref<1000x1xf32, #tpu.memory_space<vmem>>, %arg5: memref<1x128xf32, #tpu.memory_space<vmem>>, %arg6: memref<1000x64xf32, #tpu.memory_space<vmem>>) attributes {dimension_semantics = [#tpu.dimension_semantics<arbitrary>], iteration_bounds = array<i64: 10>, scalar_prefetch = 0 : i64, scratch_operands = 0 : i64, tpu.core_type = #tpu.core_type<tc>, window_params = [{transform_indices = @transform_0, window_bounds = array<i64: 1000, 128>}, {transform_indices = @transform_1, window_bounds = array<i64: 1000, 128>}, {transform_indices = @transform_2, window_bounds = array<i64: 1000, 128>}, {transform_indices = @transform_3, window_bounds = array<i64: 1000, 1>}, {pipeline_mode = #tpu.pipeline_mode<synchronous>, transform_indices = @transform_4, window_bounds = array<i64: 1, 128>}, {transform_indices = @transform_5, window_bounds = array<i64: 1000, 64>}]} {
    %get3A = arith.constant 0 : index
    %get3A_0 = arith.constant 0 : index
    %get3A_1 = vector.load %arg4[%get3A, %get3A_0] : memref<1000x1xf32, #tpu.memory_space<vmem>>, vector<1000x1xf32>
    %get3A_2 = arith.constant 0 : index
    %get3A_3 = arith.constant 0 : index
    %get3A_4 = vector.load %arg1[%get3A_2, %get3A_3] : memref<1000x128xf32, #tpu.memory_space<vmem>>, vector<1000x128xf32>
    %get3A_5 = arith.constant 0 : index
    %get3A_6 = arith.constant 0 : index
    %get3A_7 = vector.load %arg2[%get3A_5, %get3A_6] : memref<1000x128xf32, #tpu.memory_space<vmem>>, vector<1000x128xf32>
    %add3A = arith.addf %get3A_4, %get3A_7 : vector<1000x128xf32>
    %get3A_8 = arith.constant 0 : index
    %get3A_9 = arith.constant 0 : index
    %get3A_10 = vector.load %arg3[%get3A_8, %get3A_9] : memref<1000x128xf32, #tpu.memory_space<vmem>>, vector<1000x128xf32>
    %add3A_11 = arith.addf %add3A, %get3A_10 : vector<1000x128xf32>
    %mul3A = vector.broadcast %get3A_1 : vector<1000x1xf32> to vector<1000x128xf32>
    %mul3A_12 = arith.mulf %mul3A, %add3A_11 : vector<1000x128xf32>
    %get3A_13 = arith.constant 0 : index
    %get3A_14 = arith.constant 0 : index
    %get3A_15 = vector.load %arg5[%get3A_13, %get3A_14] : memref<1x128xf32, #tpu.memory_space<vmem>>, vector<1x128xf32>
    %add3A_16 = vector.broadcast %get3A_15 : vector<1x128xf32> to vector<1000x128xf32>
    %add3A_17 = arith.addf %mul3A_12, %add3A_16 : vector<1000x128xf32>
    %slice3A = vector.extract_strided_slice %add3A_17 {offsets = [0, 0], sizes = [1000, 64], strides = [1, 1]} : vector<1000x128xf32> to vector<1000x64xf32>
    %swap3A = arith.constant 0 : index
    %swap3A_18 = arith.constant 0 : index
    %swap3A_19 = vector.load %arg6[%swap3A, %swap3A_18] : memref<1000x64xf32, #tpu.memory_space<vmem>>, vector<1000x64xf32>
    tpu.vector_store %arg6[%swap3A, %swap3A_18], %slice3A {strides = array<i32>} : memref<1000x64xf32, #tpu.memory_space<vmem>>, vector<1000x64xf32>,
    return
  }
  func.func @transform_0(%arg0: i32) -> (i32, i32) {
    %c0_i32 = arith.constant 0 : i32
    %c0_i32_0 = arith.constant 0 : i32
    return %arg0, %c0_i32 : i32, i32
  }
  func.func @transform_1(%arg0: i32) -> (i32, i32) {
    %c0_i32 = arith.constant 0 : i32
    %c0_i32_0 = arith.constant 0 : i32
    return %arg0, %c0_i32 : i32, i32
  }
  func.func @transform_2(%arg0: i32) -> (i32, i32) {
    %c0_i32 = arith.constant 0 : i32
    %c0_i32_0 = arith.constant 0 : i32
    return %arg0, %c0_i32 : i32, i32
  }
  func.func @transform_3(%arg0: i32) -> (i32, i32) {
    %c0_i32 = arith.constant 0 : i32
    %c0_i32_0 = arith.constant 0 : i32
    return %arg0, %c0_i32 : i32, i32
  }
  func.func @transform_4(%arg0: i32) -> (i32, i32) {
    %c0_i32 = arith.constant 0 : i32
    %c0_i32_0 = arith.constant 0 : i32
    %c0_i32_1 = arith.constant 0 : i32
    return %c0_i32, %c0_i32_0 : i32, i32
  }
  func.func @transform_5(%arg0: i32) -> (i32, i32) {
    %c0_i32 = arith.constant 0 : i32
    %c0_i32_0 = arith.constant 0 : i32
    return %arg0, %c0_i32 : i32, i32
  }
}

</mosaic_0001>

<sc_bundles>
// kernel: kernel.11.cloned.1.call-start
scs
__scs_entry_jumppad:
0x0: {  	(pc) =	sbr.rel $0x88, $3  }
0x1: {  	(tag) =	ssettag $0x0;
	lr =	simm.s32 $0x1  }
0x2: {  	[smem:$0x3F99] =	sst lr;
	_ =	strace $0xD0000000  }
0x3: {  	_ = 	snop  }
0x4: {  	_ = 	snop  }
0x5: {  	_ = 	snop  }
0x6: {  	_ = 	snop  }
0x7: {  	_ = 	snop  }
__scs_overlays_trampoline_lowered:
0x8: {  	[smem:$0x3FA8] =	sst s0  }
0x9: {  	[smem:$0x3FA9] =	sst s1  }
0xa: {  	[smem:$0x3FAA] =	sst s2  }
0xb: {  	[smem:$0x3FAB] =	sst s3  }
0xc: {  	[smem:$0x3FAC] =	sst s4  }
0xd: {  	[smem:$0x3FAD] =	sst s5  }
0xe: {  	[smem:$0x3FAE] =	sst s6  }
0xf: {  	[smem:$0x3FAF] =	sst s7  }
0x10: {  	[smem:$0x3FB0] =	sst s8  }
0x11: {  	[smem:$0x3FB1] =	sst s9;
	s0 =	simm.s32 @!p0 $0x0  }
0x12: {  	s1 =	sld [smem:$0x3F97];
	s0 =	simm.s32 @p0 $0x1  }
0x13: {  	[smem:$0x3FB2] =	sst s0;
	s0 =	simm.s32 @!p1 $0x0  }
0x14: {  	s2 =	sld [smem:$0x3F96];
	s0 =	simm.s32 @p1 $0x1  }
0x15: {  	[smem:$0x3FB3] =	sst s0;
	s0 =	simm.s32 @!p2 $0x0  }
0x16: {  	s3 =	sld [smem:$0x3FDB];
	s0 =	simm.s32 @p2 $0x1  }
0x17: {  	s4 =	simm.s32 $0x1BF5;
	[smem:$0x3FB5] =	sst s0  }
0x18: {  	s0 =	sld [smem:$0x3F98];
	_ =	swait.ge [sflag:s4], $0x0  }
0x19: {  	s7 =	sld [smem:$0x3F99]  }
0x1a: {  	s8 =	sadd.s32 $0xFFFFE003, lr  }
0x1b: {  	s9 =	sadd.s32 $0xFFFFFEF7, lr;
	s5 =	simm.s32 $0xFFFFFFFF;
	p2 =	slt.u32 s8, $0xFFFFF086  }
0x1c: {  	p1 =	slt.u32 s9, $0xF7A;
	s5 =	simm.s32 @!p2 $0x0  }
0x1d: {  	s5 =	simm.s32 @p1 $0x1;
	p0 =	seq.s32 s7, s2  }
0x1e: {  	s7 =	smul.u32 @!p0 $0xF7A, s2;
	p2 =	seq.s32 @!p0 s5, $0x0  }
0x1f: {  	s9 =	smul.u32 $0xF7A, s1;
	s8 =	simm.s32 @!p0 $0x1BF5;
	p2 =	por !p2, p0  }
0x20: {  	[sflag:s8] =	ssyncset.s32 @!p0 $0xFFFFF086;
	s6 =	sadd.s32 @!p0 s3, s7;
	s7 =	simm.s32 @!p0 $0x108  }
0x21: {  	s3 =	sadd.s32 s3, s9;
	s6 =	sadd.s32 @!p0 $0x88, s6;
	s7 =	simm.s32 @p2 $0x1082  }
0x22: {  	[simem:s7], [sflag:s8] =	dma.local @!p0 [hbm:s6], $0xF7A  }
0x23: {  	s9 =	sor.u32 $0xD0000000, s2;
	s6 =	simm.s32 $0x108;
	_ =	swait.ge @!p0 [sflag:s8], $0x0  }
0x24: {  	s3 =	sadd.s32 $0x88, s3;
	s6 =	simm.s32 @!p1 $0x1082;
	[sflag:s4] =	ssyncset.s32 $0xFFFFF086  }
0x25: {  	[simem:s6], [sflag:s4] =	dma.local [hbm:s3], $0xF7A  }
0x26: {  	[smem:$0x3F99] =	sst s1;
	(tag) =	ssettag s2;
	_ =	strace s9  }
0x27: {  	s1 =	sld [smem:$0x3FA9]  }
0x28: {  	s2 =	sld [smem:$0x3FAA]  }
0x29: {  	s4 =	sld [smem:$0x3FAC]  }
0x2a: {  	p0 =	seq.s32 s5, $0x0;
	s5 =	sld [smem:$0x3FAD]  }
0x2b: {  	s6 =	sld [smem:$0x3FAE]  }
0x2c: {  	s7 =	sld [smem:$0x3FAF]  }
0x2d: {  	s3 =	simm.s32 $0x108;
	s8 =	sld [smem:$0x3FB0]  }
0x2e: {  	s3 =	simm.s32 @!p0 $0x1082;
	s9 =	sld [smem:$0x3FB1]  }
0x2f: {  	lr =	sadd.s32 s0, s3;
	s0 =	sld [smem:$0x3FA8]  }
0x30: {  	s3 =	sld [smem:$0x3FAB]  }
0x31: {  	[smem:$0x3FB4] =	sst s10  }
0x32: {  	s10 =	sld [smem:$0x3FB2];
	_ =	sdelay $0x3  }
0x33: {  	p0 =	seq.s32 s10, $0x1;
	s10 =	sld [smem:$0x3FB4];
	_ =	sdelay $0x3  }
0x34: {  	[smem:$0x3FB4] =	sst s10  }
0x35: {  	s10 =	sld [smem:$0x3FB3];
	_ =	sdelay $0x3  }
0x36: {  	p1 =	seq.s32 s10, $0x1;
	s10 =	sld [smem:$0x3FB4];
	_ =	sdelay $0x3  }
0x37: {  	[smem:$0x3FB4] =	sst s10  }
0x38: {  	s10 =	sld [smem:$0x3FB5]  }
0x39: {  	_ = 	snop;
	(pc) =	sbr.ind lr, $3  }
0x3a: {  	_ = 	snop  }
0x3b: {  	_ = 	snop  }
0x3c: {  	p2 =	seq.s32 s10, $0x1;
	s10 =	sld [smem:$0x3FB4]  }
0x3d: {  	_ =	shalt  }
0x3e: {  	_ =	shalt  }
0x3f: {  	_ =	shalt  }
0x40: {  	_ =	shalt  }
0x41: {  	_ =	shalt  }
0x42: {  	_ =	shalt  }
0x43: {  	_ =	shalt  }
0x44: {  	_ =	shalt  }
0x45: {  	_ =	shalt  }
0x46: {  	_ =	shalt  }
0x47: {  	_ =	shalt  }
0x48: {  	_ =	shalt  }
0x49: {  	_ =	shalt  }
0x4a: {  	_ =	shalt  }
0x4b: {  	_ =	shalt  }
0x4c: {  	_ =	shalt  }
0x4d: {  	_ =	shalt  }
0x4e: {  	_ =	shalt  }
0x4f: {  	_ =	shalt  }
0x50: {  	_ =	shalt  }
0x51: {  	_ =	shalt  }
0x52: {  	_ =	shalt  }
0x53: {  	_ =	shalt  }
0x54: {  	_ =	shalt  }
0x55: {  	_ =	shalt  }
0x56: {  	_ =	shalt  }
0x57: {  	_ =	shalt  }
0x58: {  	_ =	shalt  }
0x59: {  	_ =	shalt  }
0x5a: {  	_ =	shalt  }
0x5b: {  	_ =	shalt  }
0x5c: {  	_ =	shalt  }
0x5d: {  	_ =	shalt  }
0x5e: {  	_ =	shalt  }
0x5f: {  	_ =	shalt  }
0x60: {  	_ =	shalt  }
0x61: {  	_ =	shalt  }
0x62: {  	_ =	shalt  }
0x63: {  	_ =	shalt  }
0x64: {  	_ =	shalt  }
0x65: {  	_ =	shalt  }
0x66: {  	_ =	shalt  }
0x67: {  	_ =	shalt  }
0x68: {  	_ =	shalt  }
0x69: {  	_ =	shalt  }
0x6a: {  	_ =	shalt  }
0x6b: {  	_ =	shalt  }
0x6c: {  	_ =	shalt  }
0x6d: {  	_ =	shalt  }
0x6e: {  	_ =	shalt  }
0x6f: {  	_ =	shalt  }
0x70: {  	_ =	shalt  }
0x71: {  	_ =	shalt  }
0x72: {  	_ =	shalt  }
0x73: {  	_ =	shalt  }
0x74: {  	_ =	shalt  }
0x75: {  	_ =	shalt  }
0x76: {  	_ =	shalt  }
0x77: {  	_ =	shalt  }
0x78: {  	_ =	shalt  }
0x79: {  	_ =	shalt  }
0x7a: {  	_ =	shalt  }
0x7b: {  	_ =	shalt  }
0x7c: {  	_ =	shalt  }
0x7d: {  	_ =	shalt  }
0x7e: {  	_ =	shalt  }
0x7f: {  	_ =	shalt  }
0x80: {  	_ =	shalt  }
0x81: {  	_ =	shalt  }
0x82: {  	_ =	shalt  }
0x83: {  	_ =	shalt  }
0x84: {  	_ =	shalt  }
0x85: {  	_ =	shalt  }
0x86: {  	_ =	shalt  }
0x87: {  	_ =	shalt  }
.Lfunc_end0:
.L_simem_size_0:
called_computation_lowered:
.L_overlay_start_0:
0x88: {  	s2 =	sld [smem:$0x3FD9]  }
0x89: {  	s3 =	sld [smem:$0x3FFE];
	_ =	sdelay $0x1  }
0x8a: {  	s1 =	srdreg.scid  }
0x8b: {  	s0 =	sand.u32 $0x1, s1  }
0x8c: {  	s16 =	sshll.u32 s0, $0xA;
	s2 =	sadd.s32 s3, s2  }
0x8d: {  	s2 =	sadd.s32 s2, s16  }
0x8e: {  	[smem:$0x3FC0] =	sst s2  }
0x8f: {  	_ = 	snop  }
0x90: {  	(tm) =	ssettm $0x1  }
0x91: {  	s17 =	sld [smem:$0x3FFB];
	_ =	sdelay $0x3  }
0x92: {  	_ =	strace s17  }
0x93: {  	s2 =	sld [smem:$0x3FFC];
	_ =	sdelay $0x3  }
0x94: {  	_ =	strace s2  }
0x95: {  	s2 =	sld [smem:$0x3FFD];
	_ =	sdelay $0x3  }
0x96: {  	_ =	strace s2  }
0x97: {  	_ =	strace $0x8FFFFFFF  }
0x98: {  	s18 =	sld [smem:$0x3FDB];
	_ =	sdelay $0x1  }
0x99: {  	s19 =	simm.s32 $_scs_section_size  }
0x9a: {  	s4 =	simm.s32 $_size__tile_overlayer_lowered;
	s5 =	simm.s32 $_tile_overlayer_lowered  }
0x9b: {  	s22 =	simm.s32 $0x1BFF;
	s21 =	sshll.u32 s5, $0x1;
	s2 =	sadd.s32 s19, s18  }
0x9c: {  	s6 =	simm.s32 $0x0;
	s20 =	sshll.u32 s4, $0x1;
	s4 =	sadd.s32 s21, s2  }
0x9d: {  	[timem:s6], [sflag:s22] =	dma.local [hbm:s4], s20  }
0x9e: {  	_ =	swait.ge [sflag:s22], s20  }
0x9f: {  	s3 =	ssub.s32 $0x0, s20;
	[sflag:s22] =	ssyncset.done $0x0  }
0xa0: {  	[sflag:s22] =	ssyncadd.s32 s3;
	_ =	sdelay $0x1  }
0xa1: {  	s23 =	simm.s32 $0x1B8B  }
0xa2: {  	_ =	swait.ge [sflag:s23], $0x1  }
0xa3: {  	[sflag:s23] =	ssyncset.done $0x0  }
0xa4: {  	s25 =	simm.s32 $0x1B8E;
	s24 =	sld [smem:$0x3FFE];
	[sflag:s23] =	ssyncadd.s32 $0xFFFFFFFF  }
0xa5: {  	s26 =	simm.s32 $execute0_lowered;
	[smem:$0x3FD2] =	sst s25  }
0xa6: {  	s4 =	sshll.u32 s26, $0x1;
	_ =	strace $0x80000046;
	[dreg:$0x1] =	wrdreg $0xFFFFFFFF  }
0xa7: {  	s28 =	simm.s32 $_size_execute0_lowered;
	s2 =	sadd.s32 s2, s4;
	[dreg:$0x0] =	wrdreg $0x0  }
0xa8: {  	s4 =	sshll.u32 s28, $0x1;
	[dreg:$0x2] =	wrdreg s2  }
0xa9: {  	[dreg:$0x3] =	wrdreg s4  }
0xaa: {  	[dreg:$0x4] =	wrdreg $0xC0  }
0xab: {  	_ =	task [dreg:s6], $0x5FFFF  }
0xac: {  	[dreg:$0x1] =	wrdreg $0xFFFFFFFF  }
0xad: {  	[dreg:$0x0] =	wrdreg $0x60  }
0xae: {  	[dreg:$0x2] =	wrdreg s24  }
0xaf: {  	[dreg:$0x3] =	wrdreg $0x2800  }
0xb0: {  	[dreg:$0x4] =	wrdreg $0x9  }
0xb1: {  	_ =	task.clear_ibuf [dreg:s6], $0x5FFFF;
	_ =	strace $0x90000046  }
0xb2: {  	s29 =	simm.s32 $0x9;
	_ =	strace $0x80000048  }
0xb3: {  	_ =	swait.ge [sflag:s29], $0x1  }
0xb4: {  	[sflag:s29] =	ssyncadd.s32 $0xFFFFFFFF  }
0xb5: {  	_ =	strace $0x90000048  }
0xb6: {  	_ =	sfence  }
0xb7: {  	s30 =	sld [smem:$0x0];
	_ =	sdelay $0x2  }
0xb8: {  	s31 =	sshll.u32 s1, $0xD;
	s1 =	sshrl.u32 s1, $0x2  }
0xb9: {  	s3 =	sand.u32 $0x4000, s31;
	s1 =	sadd.s32 s1, s30  }
0xba: {  	s0 =	sor.u32 s3, s0;
	s1 =	sshll.u32 s1, $0x11  }
0xbb: {  	s0 =	sor.u32 s1, s0  }
0xbc: {  	s0 =	sadd.s32 $0x8F2B, s0  }
0xbd: {  	[sflag:s0] =	ssyncadd.remote.s32 $0x1  }
0xbe: {  	_ =	sfence.sel $0xFFFF  }
0xbf: {  	[dreg:$0x0] =	wrdreg $0xFFFFFFFF;
	(pc) =	sbr.abs _section_cstart, $3  }
0xc0: {  	[dreg:$0x1] =	wrdreg $0xFFFFFFFF  }
0xc1: {  	_ =	task.clear_ibuf [dreg:s6], $0x2FFFF;
	_ =	strace $0x9FFFFFFF  }
0xc2: {  	(tm) =	ssettm $0x7FFFFFFF  }
0xc3: {  	_ =	shalt  }
tec
execute0_lowered:
.L_overlay_start_1:
0x0: {  	(tag) =	ssettag $0x1  }
0x1: {  	s6 =	rddreg [dreg:$0x0]  }
0x2: {  	s1 =	rddreg [dreg:$0x1]  }
0x3: {  	s0 =	rddreg [dreg:$0x2]  }
0x4: {  	s2 =	simm.s32 $0x0;
	s4 =	srdreg.scid;
	s3 =	stileid.u32  }
0x5: {  	s18 =	simm.s32 $0x80;
	s19 =	simm.s32 $0x200;
	s20 =	simm.s32 $0x100  }
0x6: {  	s21 =	simm.s32 $0x1;
	s22 =	simm.s32 $0x2;
	s23 =	simm.s32 $0x3  }
0x7: {  	s25 =	simm.s32 $0x10;
	s26 =	simm.s32 $0x0;
	[smem:$0x7FF] =	sst s2  }
0x8: {  	s15 =	sadd.s32 $0x4400, s6;
	s9 =	sand.u32 $0x1, s4;
	s5 =	sshll.u32 s3, $0x1  }
0x9: {  	s4 =	sadd.s32 $0xE200, s6;
	p0 =	seq.s32 s3, $0x0;
	s11 =	smul.u32 $0x4E20, s3  }
0xa: {  	_ =	strace $0x80000047;
	s7 =	ssub.s32 $0x2, s9;
	s8 =	sor.u32 s9, s5  }
0xb: {  	s5 =	sadd.s32 $0xE800, s6;
	s6 =	sadd.s32 $0xEE00, s6;
	p1 =	seq.s32 s9, $0x1  }
0xc: {  	s12 =	smul.u32 $0x2710, s9;
	s24 =	sor.u32 s9, s3;
	s10 =	sshrl.u32 s7, $0x1  }
0xd: {  	s8 =	smul.u32 $0x2710, s8;
	p0 =	por !p0, !p1;
	p1 =	sne.s32 s3, $0x0  }
0xe: {  	p2 =	sne.s32 s24, $0x0;
	s24 =	simm.s32 $0x180;
	s10 =	ssub.s32 s7, s10  }
0xf: {  	p0 =	por !p0, !p0;
	s13 =	sadd.s32 s12, s11;
	s29 =	sshrl.u32 s8, $0x3  }
0x10: {  	s9 =	smax.u32 s10, $0x1;
	s14 =	sadd.s32 $0x300, s13;
	s16 =	sadd.s32 $0x280, s13  }
.Ltmp0:
0x11: {  	s17 =	sadd.s32 $0x200, s13;
	s7 =	sadd.s32 s15, s29;
	(pc) =	sbr.rel .LBB2_1-.Ltmp0, $4  }
0x12: {  	s14 =	sshrl.u32 s14, $0x3;
	s30 =	sshrl.u32 s16, $0x3;
	s31 =	sshrl.u32 s17, $0x3  }
0x13: {  	s16 =	sshrl.u32 @!p1 s1, $0x3;
	s17 =	simm.s32 $0x4;
	s8 =	sadd.s32 $0x4E0, s7  }
0x14: {  	s10 =	sadd.s32 $0x10, s7;
	s11 =	sadd.s32 $0x20, s7;
	s12 =	sadd.s32 $0x30, s7  }
0x15: {  	v0 =	vimm.f32 $1.000000000e+00;
	s13 =	sadd.s32 s14, s15;
	s14 =	sadd.s32 s30, s15;
	s15 =	sadd.s32 s31, s15  }
.LBB2_4:
0x16: {  	[spmem:s1] =	stream.indirect.scatter.add.f32 [tilespmem:s19], [sflag:$0x3], $0x1, s20, s18, $0xb8;
	[tilespmem:$0x4F8] =	vst v63  }
0x17: {  	_ =	swait.ge [sflag:s22], $0x80  }
0x18: {  	[sflag:s22] =	ssyncset.done $0x0  }
0x19: {  	[sflag:s22] =	ssyncadd.s32 $0xFFFFFF80  }
0x1a: {  	_ =	swait.ge [sflag:s23], $0x80  }
0x1b: {  	[sflag:s23] =	ssyncset.done $0x0  }
0x1c: {  	[sflag:s23] =	ssyncadd.s32 $0xFFFFFF80  }
0x1d: {  	[tilespmem:s24], [sflag:$0x4] =	stream.linear.gather [hbm4b:s8+s2], $0x10, $0x38;
	[tilespmem:$0x4F8] =	vst v63  }
0x1e: {  	_ =	swait.ge [sflag:s17], $0x10  }
0x1f: {  	[sflag:s17] =	ssyncset.done $0x0  }
0x20: {  	[sflag:s17] =	ssyncadd.s32 $0xFFFFFFF0  }
0x21: {  	[spmem:s1] =	stream.indirect.scatter.add.f32 [tilespmem:s19], [sflag:$0x4], $0x1, s24, s25, $0xb8;
	[tilespmem:$0x4F8] =	vst v63  }
0x22: {  	_ =	swait.ge [sflag:s17], $0x10  }
0x23: {  	[sflag:s17] =	ssyncset.done $0x0  }
0x24: {  	s28 =	sshll.u32 @!p2 s3, $0x6;
	[sflag:s17] =	ssyncadd.s32 $0xFFFFFFF0  }
0x25: {  	s29 =	sshrl.u32 @!p2 s1, $0x3;
	s28 =	sor.u32 @!p2 $0x1C04, s28;
	[bflag:$0x0] =	sbarrier.arrive $0xFFFF  }
0x26: {  	[hbm:s5], [sflag:s28] =	dma.local @!p2 [spmem:s29], $0x4F0  }
0x27: {  	s28 =	simm.s32 @!p2 $0x4  }
0x28: {  	s26 =	sadd.s32 $0x1, s26;
	_ =	swait.ge @!p2 [sflag:s28], $0x4F0  }
0x29: {  	p3 =	sne.s32 s26, s9;
	[sflag:s28] =	ssyncset.done @!p2 $0x0  }
0x2a: {  	s29 =	simm.s32 @p0 $0x1C04;
	[sflag:s28] =	ssyncadd.s32 @!p2 $0xFFFFFB10;
	s28 =	sshrl.u32 @p0 s1, $0x3  }
0x2b: {  	[hbm:s6], [sflag:s29] =	dma.local @p0 [spmem:s28], $0x4F0  }
.Ltmp1:
0x2c: {  	_ = 	snop;
	(pc) =	sbr.rel @!p3 .LBB2_5-.Ltmp1, $4  }
0x2d: {  	s28 =	simm.s32 @p0 $0x4  }
0x2e: {  	_ =	swait.ge @p0 [sflag:s28], $0x4F0  }
0x2f: {  	[sflag:s28] =	ssyncset.done @p0 $0x0  }
0x30: {  	[sflag:s28] =	ssyncadd.s32 @p0 $0xFFFFFB10  }
.LBB2_1:
0x31: {  	[tilespmem:$0x200] =	vst v0  }
0x32: {  	[tilespmem:$0x210] =	vst v0  }
0x33: {  	[tilespmem:$0x220] =	vst v0  }
0x34: {  	[tilespmem:$0x230] =	vst v0  }
0x35: {  	[tilespmem:$0x240] =	vst v0  }
0x36: {  	[tilespmem:$0x250] =	vst v0  }
0x37: {  	[tilespmem:$0x260] =	vst v0  }
0x38: {  	[tilespmem:$0x270] =	vst v0;
	s28 =	simm.s32 @!p1 $0x1C04  }
0x39: {  	[spmem:s16], [sflag:s28] =	dma.local @!p1 [hbm:s4], $0x4F0  }
0x3a: {  	s28 =	simm.s32 @!p1 $0x4  }
0x3b: {  	_ =	swait.ge @!p1 [sflag:s28], $0x4F0  }
0x3c: {  	[sflag:s28] =	ssyncset.done @!p1 $0x0  }
0x3d: {  	[sflag:s28] =	ssyncadd.s32 @!p1 $0xFFFFFB10  }
0x3e: {  	[bflag:$0x0] =	sbarrier.arrive $0xFFFF  }
0x3f: {  	[tilespmem:s2], [sflag:$0x4] =	stream.linear.gather [hbm4b:s7+s2], $0x80, $0x38;
	[tilespmem:$0x4F8] =	vst v63  }
0x40: {  	_ =	swait.ge [sflag:s17], $0x80  }
0x41: {  	[sflag:s17] =	ssyncset.done $0x0  }
0x42: {  	[sflag:s17] =	ssyncadd.s32 $0xFFFFFF80  }
0x43: {  	[tilespmem:s18], [sflag:$0x4] =	stream.linear.gather [hbm4b:s10+s2], $0x80, $0x38;
	[tilespmem:$0x4F8] =	vst v63  }
0x44: {  	_ =	swait.ge [sflag:s17], $0x80  }
0x45: {  	[sflag:s17] =	ssyncset.done $0x0  }
0x46: {  	[sflag:s17] =	ssyncadd.s32 $0xFFFFFF80  }
0x47: {  	[spmem:s1] =	stream.indirect.scatter.add.f32 [tilespmem:s19], [sflag:$0x1], $0x1, s2, s18, $0xb8;
	[tilespmem:$0x4F8] =	vst v63  }
0x48: {  	_ = 	snop  }
0x49: {  	[tilespmem:s20], [sflag:$0x4] =	stream.linear.gather [hbm4b:s11+s2], $0x80, $0x38;
	[tilespmem:$0x4F8] =	vst v63  }
0x4a: {  	_ =	swait.ge [sflag:s17], $0x80  }
0x4b: {  	[sflag:s17] =	ssyncset.done $0x0  }
0x4c: {  	[sflag:s17] =	ssyncadd.s32 $0xFFFFFF80  }
0x4d: {  	[spmem:s1] =	stream.indirect.scatter.add.f32 [tilespmem:s19], [sflag:$0x2], $0x1, s18, s18, $0xb8;
	[tilespmem:$0x4F8] =	vst v63  }
0x4e: {  	_ =	swait.ge [sflag:s21], $0x80  }
0x4f: {  	[sflag:s21] =	ssyncset.done $0x0  }
0x50: {  	[sflag:s21] =	ssyncadd.s32 $0xFFFFFF80  }
0x51: {  	[tilespmem:s2], [sflag:$0x4] =	stream.linear.gather [hbm4b:s12+s2], $0x80, $0x38;
	[tilespmem:$0x4F8] =	vst v63  }
0x52: {  	_ =	swait.ge [sflag:s17], $0x80  }
0x53: {  	[sflag:s17] =	ssyncset.done $0x0  }
0x54: {  	s28 =	simm.s32 $0x0;
	[sflag:s17] =	ssyncadd.s32 $0xFFFFFF80  }
0x55: {  	[spmem:s1] =	stream.indirect.scatter.add.f32 [tilespmem:s19], [sflag:$0x3], $0x1, s20, s18, $0xb8;
	[tilespmem:$0x4F8] =	vst v63  }
.LBB2_2:
0x56: {  	_ =	swait.ge [sflag:s22], $0x80  }
0x57: {  	[sflag:s22] =	ssyncset.done $0x0  }
0x58: {  	s29 =	sadd.s32 s28, s15;
	[sflag:s22] =	ssyncadd.s32 $0xFFFFFF80  }
0x59: {  	[tilespmem:s18], [sflag:$0x4] =	stream.linear.gather [hbm4b:s29+s2], $0x80, $0x38;
	[tilespmem:$0x4F8] =	vst v63  }
0x5a: {  	_ =	swait.ge [sflag:s17], $0x80  }
0x5b: {  	[sflag:s17] =	ssyncset.done $0x0  }
0x5c: {  	[sflag:s17] =	ssyncadd.s32 $0xFFFFFF80  }
0x5d: {  	[spmem:s1] =	stream.indirect.scatter.add.f32 [tilespmem:s19], [sflag:$0x1], $0x1, s2, s18, $0xb8;
	[tilespmem:$0x4F8] =	vst v63  }
0x5e: {  	_ =	swait.ge [sflag:s23], $0x80  }
0x5f: {  	[sflag:s23] =	ssyncset.done $0x0  }
0x60: {  	s31 =	sadd.s32 s28, s14;
	[sflag:s23] =	ssyncadd.s32 $0xFFFFFF80  }
0x61: {  	[tilespmem:s20], [sflag:$0x4] =	stream.linear.gather [hbm4b:s31+s2], $0x80, $0x38;
	[tilespmem:$0x4F8] =	vst v63  }
0x62: {  	_ =	swait.ge [sflag:s17], $0x80  }
0x63: {  	p3 =	seq.s32 s28, $0x480;
	[sflag:s17] =	ssyncset.done $0x0  }
.Ltmp2:
0x64: {  	[sflag:s17] =	ssyncadd.s32 $0xFFFFFF80;
	(pc) =	sbr.rel @p3 .LBB2_4-.Ltmp2, $4  }
0x65: {  	[spmem:s1] =	stream.indirect.scatter.add.f32 [tilespmem:s19], [sflag:$0x2], $0x1, s18, s18, $0xb8;
	[tilespmem:$0x4F8] =	vst v63  }
0x66: {  	_ =	swait.ge [sflag:s21], $0x80  }
0x67: {  	[sflag:s21] =	ssyncset.done $0x0  }
0x68: {  	[sflag:s21] =	ssyncadd.s32 $0xFFFFFF80  }
0x69: {  	s29 =	sadd.s32 s28, s13  }
0x6a: {  	[tilespmem:s2], [sflag:$0x4] =	stream.linear.gather [hbm4b:s29+s2], $0x80, $0x38;
	[tilespmem:$0x4F8] =	vst v63  }
.Ltmp3:
0x6b: {  	_ = 	snop;
	(pc) =	sbr.rel .LBB2_2-.Ltmp3, $4  }
0x6c: {  	_ =	swait.ge [sflag:s17], $0x80  }
0x6d: {  	[sflag:s17] =	ssyncset.done $0x0  }
0x6e: {  	s28 =	sadd.s32 $0x30, s28;
	[sflag:s17] =	ssyncadd.s32 $0xFFFFFF80  }
0x6f: {  	[spmem:s1] =	stream.indirect.scatter.add.f32 [tilespmem:s19], [sflag:$0x3], $0x1, s20, s18, $0xb8;
	[tilespmem:$0x4F8] =	vst v63  }
.LBB2_5:
0x70: {  	_ =	sfence.sel $0x180000  }
0x71: {  	[bflag:$0x0] =	sbarrier.arrive $0xFFFF  }
0x72: {  	_ =	strace $0x90000047  }
0x73: {  	s0 =	sadd.s32 @!p1 $0x100000, s0;
	[bflag:$0x2] =	sbarrier.arrive $0xFFFF  }
0x74: {  	[sflag:s0] =	ssyncadd.tile.s32 @!p1 $0x1;
	_ =	shalt  }
.Lfunc_end2:
_tile_overlayer_lowered:
.L_overlay_start_2:
0x75: {  	(tag) =	ssettag $0x2  }
0x76: {  	s0 =	rddreg [dreg:$0x0];
	s2 =	stileid.u32  }
0x77: {  	s1 =	rddreg [dreg:$0x1];
	p0 =	sne.s32 s2, $0x0  }
0x78: {  	s3 =	rddreg [dreg:$0x2];
	[bflag:$0x3] =	sbarrier.arrive $0xFFFF;
	s2 =	simm.s32 @!p0 $0x1C04  }
0x79: {  	[timem:s3], [sflag:s2] =	dma.local @!p0 [hbm:s0], s1  }
0x7a: {  	s0 =	simm.s32 @!p0 $0x4  }
0x7b: {  	_ =	swait.ge @!p0 [sflag:s0], s1  }
0x7c: {  	s1 =	ssub.s32 @!p0 $0x0, s1;
	[sflag:s0] =	ssyncset.done @!p0 $0x0  }
0x7d: {  	[sflag:s0] =	ssyncadd.s32 @!p0 s1  }
0x7e: {  	[bflag:$0x3] =	sbarrier.arrive $0xFFFF  }
0x7f: {  	_ =	shalt  }

// kernel: kernel.14.cloned.1.call-start
scs
__scs_entry_jumppad:
0x0: {  	(pc) =	sbr.rel $0x88, $3  }
0x1: {  	(tag) =	ssettag $0x0;
	lr =	simm.s32 $0x1  }
0x2: {  	[smem:$0x3F99] =	sst lr;
	_ =	strace $0xD0000000  }
0x3: {  	_ = 	snop  }
0x4: {  	_ = 	snop  }
0x5: {  	_ = 	snop  }
0x6: {  	_ = 	snop  }
0x7: {  	_ = 	snop  }
__scs_overlays_trampoline_lowered:
0x8: {  	[smem:$0x3FA8] =	sst s0  }
0x9: {  	[smem:$0x3FA9] =	sst s1  }
0xa: {  	[smem:$0x3FAA] =	sst s2  }
0xb: {  	[smem:$0x3FAB] =	sst s3  }
0xc: {  	[smem:$0x3FAC] =	sst s4  }
0xd: {  	[smem:$0x3FAD] =	sst s5  }
0xe: {  	[smem:$0x3FAE] =	sst s6  }
0xf: {  	[smem:$0x3FAF] =	sst s7  }
0x10: {  	[smem:$0x3FB0] =	sst s8  }
0x11: {  	[smem:$0x3FB1] =	sst s9;
	s0 =	simm.s32 @!p0 $0x0  }
0x12: {  	s1 =	sld [smem:$0x3F97];
	s0 =	simm.s32 @p0 $0x1  }
0x13: {  	[smem:$0x3FB2] =	sst s0;
	s0 =	simm.s32 @!p1 $0x0  }
0x14: {  	s2 =	sld [smem:$0x3F96];
	s0 =	simm.s32 @p1 $0x1  }
0x15: {  	[smem:$0x3FB3] =	sst s0;
	s0 =	simm.s32 @!p2 $0x0  }
0x16: {  	s3 =	sld [smem:$0x3FDB];
	s0 =	simm.s32 @p2 $0x1  }
0x17: {  	s4 =	simm.s32 $0x1BF5;
	[smem:$0x3FB5] =	sst s0  }
0x18: {  	s0 =	sld [smem:$0x3F98];
	_ =	swait.ge [sflag:s4], $0x0  }
0x19: {  	s7 =	sld [smem:$0x3F99]  }
0x1a: {  	s8 =	sadd.s32 $0xFFFFE003, lr  }
0x1b: {  	s9 =	sadd.s32 $0xFFFFFEF7, lr;
	s5 =	simm.s32 $0xFFFFFFFF;
	p2 =	slt.u32 s8, $0xFFFFF086  }
0x1c: {  	p1 =	slt.u32 s9, $0xF7A;
	s5 =	simm.s32 @!p2 $0x0  }
0x1d: {  	s5 =	simm.s32 @p1 $0x1;
	p0 =	seq.s32 s7, s2  }
0x1e: {  	s7 =	smul.u32 @!p0 $0xF7A, s2;
	p2 =	seq.s32 @!p0 s5, $0x0  }
0x1f: {  	s9 =	smul.u32 $0xF7A, s1;
	s8 =	simm.s32 @!p0 $0x1BF5;
	p2 =	por !p2, p0  }
0x20: {  	[sflag:s8] =	ssyncset.s32 @!p0 $0xFFFFF086;
	s6 =	sadd.s32 @!p0 s3, s7;
	s7 =	simm.s32 @!p0 $0x108  }
0x21: {  	s3 =	sadd.s32 s3, s9;
	s6 =	sadd.s32 @!p0 $0x88, s6;
	s7 =	simm.s32 @p2 $0x1082  }
0x22: {  	[simem:s7], [sflag:s8] =	dma.local @!p0 [hbm:s6], $0xF7A  }
0x23: {  	s9 =	sor.u32 $0xD0000000, s2;
	s6 =	simm.s32 $0x108;
	_ =	swait.ge @!p0 [sflag:s8], $0x0  }
0x24: {  	s3 =	sadd.s32 $0x88, s3;
	s6 =	simm.s32 @!p1 $0x1082;
	[sflag:s4] =	ssyncset.s32 $0xFFFFF086  }
0x25: {  	[simem:s6], [sflag:s4] =	dma.local [hbm:s3], $0xF7A  }
0x26: {  	[smem:$0x3F99] =	sst s1;
	(tag) =	ssettag s2;
	_ =	strace s9  }
0x27: {  	s1 =	sld [smem:$0x3FA9]  }
0x28: {  	s2 =	sld [smem:$0x3FAA]  }
0x29: {  	s4 =	sld [smem:$0x3FAC]  }
0x2a: {  	p0 =	seq.s32 s5, $0x0;
	s5 =	sld [smem:$0x3FAD]  }
0x2b: {  	s6 =	sld [smem:$0x3FAE]  }
0x2c: {  	s7 =	sld [smem:$0x3FAF]  }
0x2d: {  	s3 =	simm.s32 $0x108;
	s8 =	sld [smem:$0x3FB0]  }
0x2e: {  	s3 =	simm.s32 @!p0 $0x1082;
	s9 =	sld [smem:$0x3FB1]  }
0x2f: {  	lr =	sadd.s32 s0, s3;
	s0 =	sld [smem:$0x3FA8]  }
0x30: {  	s3 =	sld [smem:$0x3FAB]  }
0x31: {  	[smem:$0x3FB4] =	sst s10  }
0x32: {  	s10 =	sld [smem:$0x3FB2];
	_ =	sdelay $0x3  }
0x33: {  	p0 =	seq.s32 s10, $0x1;
	s10 =	sld [smem:$0x3FB4];
	_ =	sdelay $0x3  }
0x34: {  	[smem:$0x3FB4] =	sst s10  }
0x35: {  	s10 =	sld [smem:$0x3FB3];
	_ =	sdelay $0x3  }
0x36: {  	p1 =	seq.s32 s10, $0x1;
	s10 =	sld [smem:$0x3FB4];
	_ =	sdelay $0x3  }
0x37: {  	[smem:$0x3FB4] =	sst s10  }
0x38: {  	s10 =	sld [smem:$0x3FB5]  }
0x39: {  	_ = 	snop;
	(pc) =	sbr.ind lr, $3  }
0x3a: {  	_ = 	snop  }
0x3b: {  	_ = 	snop  }
0x3c: {  	p2 =	seq.s32 s10, $0x1;
	s10 =	sld [smem:$0x3FB4]  }
0x3d: {  	_ =	shalt  }
0x3e: {  	_ =	shalt  }
0x3f: {  	_ =	shalt  }
0x40: {  	_ =	shalt  }
0x41: {  	_ =	shalt  }
0x42: {  	_ =	shalt  }
0x43: {  	_ =	shalt  }
0x44: {  	_ =	shalt  }
0x45: {  	_ =	shalt  }
0x46: {  	_ =	shalt  }
0x47: {  	_ =	shalt  }
0x48: {  	_ =	shalt  }
0x49: {  	_ =	shalt  }
0x4a: {  	_ =	shalt  }
0x4b: {  	_ =	shalt  }
0x4c: {  	_ =	shalt  }
0x4d: {  	_ =	shalt  }
0x4e: {  	_ =	shalt  }
0x4f: {  	_ =	shalt  }
0x50: {  	_ =	shalt  }
0x51: {  	_ =	shalt  }
0x52: {  	_ =	shalt  }
0x53: {  	_ =	shalt  }
0x54: {  	_ =	shalt  }
0x55: {  	_ =	shalt  }
0x56: {  	_ =	shalt  }
0x57: {  	_ =	shalt  }
0x58: {  	_ =	shalt  }
0x59: {  	_ =	shalt  }
0x5a: {  	_ =	shalt  }
0x5b: {  	_ =	shalt  }
0x5c: {  	_ =	shalt  }
0x5d: {  	_ =	shalt  }
0x5e: {  	_ =	shalt  }
0x5f: {  	_ =	shalt  }
0x60: {  	_ =	shalt  }
0x61: {  	_ =	shalt  }
0x62: {  	_ =	shalt  }
0x63: {  	_ =	shalt  }
0x64: {  	_ =	shalt  }
0x65: {  	_ =	shalt  }
0x66: {  	_ =	shalt  }
0x67: {  	_ =	shalt  }
0x68: {  	_ =	shalt  }
0x69: {  	_ =	shalt  }
0x6a: {  	_ =	shalt  }
0x6b: {  	_ =	shalt  }
0x6c: {  	_ =	shalt  }
0x6d: {  	_ =	shalt  }
0x6e: {  	_ =	shalt  }
0x6f: {  	_ =	shalt  }
0x70: {  	_ =	shalt  }
0x71: {  	_ =	shalt  }
0x72: {  	_ =	shalt  }
0x73: {  	_ =	shalt  }
0x74: {  	_ =	shalt  }
0x75: {  	_ =	shalt  }
0x76: {  	_ =	shalt  }
0x77: {  	_ =	shalt  }
0x78: {  	_ =	shalt  }
0x79: {  	_ =	shalt  }
0x7a: {  	_ =	shalt  }
0x7b: {  	_ =	shalt  }
0x7c: {  	_ =	shalt  }
0x7d: {  	_ =	shalt  }
0x7e: {  	_ =	shalt  }
0x7f: {  	_ =	shalt  }
0x80: {  	_ =	shalt  }
0x81: {  	_ =	shalt  }
0x82: {  	_ =	shalt  }
0x83: {  	_ =	shalt  }
0x84: {  	_ =	shalt  }
0x85: {  	_ =	shalt  }
0x86: {  	_ =	shalt  }
0x87: {  	_ =	shalt  }
.Lfunc_end0:
.L_simem_size_0:
called_computation.1_lowered:
.L_overlay_start_0:
0x88: {  	s2 =	sld [smem:$0x3FD9]  }
0x89: {  	s3 =	sld [smem:$0x3FFE];
	_ =	sdelay $0x1  }
0x8a: {  	s1 =	srdreg.scid  }
0x8b: {  	s0 =	sand.u32 $0x1, s1  }
0x8c: {  	s17 =	sshll.u32 s0, $0xA;
	s2 =	sadd.s32 s3, s2  }
0x8d: {  	s2 =	sadd.s32 s2, s17  }
0x8e: {  	[smem:$0x3FC0] =	sst s2  }
0x8f: {  	_ = 	snop  }
0x90: {  	s2 =	sld [smem:$0x3FD0];
	(tm) =	ssettm $0x1  }
0x91: {  	s18 =	sld [smem:$0x3FFB];
	_ =	sdelay $0x3  }
0x92: {  	_ =	strace s18  }
0x93: {  	s3 =	sld [smem:$0x3FFC];
	_ =	sdelay $0x3  }
0x94: {  	_ =	strace s3  }
0x95: {  	s3 =	sld [smem:$0x3FFD];
	_ =	sdelay $0x3  }
0x96: {  	_ =	strace s3  }
0x97: {  	_ =	strace $0x8FFFFFFF  }
0x98: {  	s19 =	sld [smem:$0x3FDB];
	_ =	sdelay $0x1  }
0x99: {  	s4 =	simm.s32 $_scs_section_size  }
0x9a: {  	s5 =	simm.s32 $_size__tile_overlayer_lowered;
	s6 =	simm.s32 $_tile_overlayer_lowered  }
0x9b: {  	s22 =	simm.s32 $0x1BFF;
	s21 =	sshll.u32 s6, $0x1;
	s3 =	sadd.s32 s4, s19  }
0x9c: {  	s7 =	simm.s32 $0x0;
	s20 =	sshll.u32 s5, $0x1;
	s5 =	sadd.s32 s21, s3  }
0x9d: {  	[timem:s7], [sflag:s22] =	dma.local [hbm:s5], s20  }
0x9e: {  	_ =	swait.ge [sflag:s22], s20  }
0x9f: {  	s4 =	ssub.s32 $0x0, s20;
	[sflag:s22] =	ssyncset.done $0x0  }
0xa0: {  	[sflag:s22] =	ssyncadd.s32 s4;
	_ =	sdelay $0x1  }
0xa1: {  	s23 =	simm.s32 $0x1B8B  }
0xa2: {  	_ =	swait.ge [sflag:s23], $0x1  }
0xa3: {  	[sflag:s23] =	ssyncset.done $0x0  }
0xa4: {  	s25 =	simm.s32 $0x1B8E;
	s24 =	sld [smem:$0x3FFE];
	[sflag:s23] =	ssyncadd.s32 $0xFFFFFFFF  }
0xa5: {  	s26 =	simm.s32 $execute0_lowered;
	[smem:$0x3FD2] =	sst s25  }
0xa6: {  	s5 =	sshll.u32 s26, $0x1;
	_ =	strace $0x80000049;
	[dreg:$0x1] =	wrdreg $0xFFFFFFFF  }
0xa7: {  	s28 =	simm.s32 $_size_execute0_lowered;
	s3 =	sadd.s32 s3, s5;
	[dreg:$0x0] =	wrdreg $0x0  }
0xa8: {  	s5 =	sshll.u32 s28, $0x1;
	[dreg:$0x2] =	wrdreg s3  }
0xa9: {  	[dreg:$0x3] =	wrdreg s5  }
0xaa: {  	[dreg:$0x4] =	wrdreg $0xC0  }
0xab: {  	_ =	task [dreg:s7], $0x5FFFF  }
0xac: {  	[dreg:$0x1] =	wrdreg $0xFFFFFFFF  }
0xad: {  	[dreg:$0x0] =	wrdreg $0x60  }
0xae: {  	[dreg:$0x2] =	wrdreg s24  }
0xaf: {  	[dreg:$0x3] =	wrdreg s2  }
0xb0: {  	[dreg:$0x4] =	wrdreg $0xC3800  }
0xb1: {  	[dreg:$0x5] =	wrdreg $0x9  }
0xb2: {  	_ =	task.clear_ibuf [dreg:s7], $0x6FFFF;
	_ =	strace $0x90000049  }
0xb3: {  	s29 =	simm.s32 $0x9;
	_ =	strace $0x8000004B  }
0xb4: {  	_ =	swait.ge [sflag:s29], $0x1  }
0xb5: {  	[sflag:s29] =	ssyncadd.s32 $0xFFFFFFFF  }
0xb6: {  	_ =	strace $0x9000004B  }
0xb7: {  	_ =	sfence  }
0xb8: {  	s30 =	sld [smem:$0x0];
	_ =	sdelay $0x2  }
0xb9: {  	s31 =	sshll.u32 s1, $0xD;
	s1 =	sshrl.u32 s1, $0x2  }
0xba: {  	s3 =	sand.u32 $0x4000, s31;
	s1 =	sadd.s32 s1, s30  }
0xbb: {  	s0 =	sor.u32 s3, s0;
	s1 =	sshll.u32 s1, $0x11  }
0xbc: {  	s0 =	sor.u32 s1, s0  }
0xbd: {  	s0 =	sadd.s32 $0x8F2B, s0  }
0xbe: {  	[sflag:s0] =	ssyncadd.remote.s32 $0x1  }
0xbf: {  	_ =	sfence.sel $0xFFFF  }
0xc0: {  	[dreg:$0x0] =	wrdreg $0xFFFFFFFF;
	(pc) =	sbr.abs _section_cstart, $3  }
0xc1: {  	[dreg:$0x1] =	wrdreg $0xFFFFFFFF  }
0xc2: {  	_ =	task.clear_ibuf [dreg:s7], $0x2FFFF;
	_ =	strace $0x9FFFFFFF  }
0xc3: {  	(tm) =	ssettm $0x7FFFFFFF  }
tec
execute0_lowered:
.L_overlay_start_1:
0x0: {  	(tag) =	ssettag $0x1  }
0x1: {  	s0 =	rddreg [dreg:$0x0]  }
0x2: {  	s1 =	rddreg [dreg:$0x1]  }
0x3: {  	s2 =	rddreg [dreg:$0x2]  }
0x4: {  	s3 =	simm.s32 $0x0;
	s4 =	srdreg.scid;
	s11 =	stileid.u32  }
0x5: {  	s28 =	simm.s32 $0x1;
	s29 =	simm.s32 $0x4300;
	s30 =	simm.s32 $0x100  }
0x6: {  	s31 =	simm.s32 $0x280;
	s13 =	simm.s32 $0x0;
	[smem:$0x7FF] =	sst s3  }
0x7: {  	s5 =	sand.u32 $0x1, s4;
	s4 =	sadd.s32 $0xE200, s0;
	s6 =	sadd.s32 $0x4400, s0  }
0x8: {  	s12 =	sadd.s32 $0x5C600, s0;
	s8 =	smul.u32 $0x270, s11;
	s9 =	sshll.u32 s11, $0x1  }
0x9: {  	s19 =	smul.u32 $0x4E20, s11;
	p0 =	sne.s32 s11, $0x0;
	_ =	strace $0x8000004A  }
0xa: {  	s7 =	smul.u32 $0x27100, s5;
	s16 =	ssub.s32 $0x2, s5;
	s9 =	sor.u32 s5, s9  }
0xb: {  	[dreg:$0x4] =	wrdreg s12;
	s5 =	smul.u32 $0x2710, s5;
	s10 =	sshrl.u32 s16, $0x1  }
0xc: {  	s8 =	sadd.s32 $0x10, s8;
	s9 =	smul.u32 $0x2710, s9;
	s0 =	sadd.s32 s7, s0  }
0xd: {  	s7 =	ssub.s32 s16, s10;
	s17 =	sshll.u32 s8, $0x7;
	s18 =	sshll.u32 s8, $0x4  }
0xe: {  	s5 =	sadd.s32 s5, s19;
	s8 =	simm.s32 $0x3;
	s10 =	sadd.s32 s17, s2  }
0xf: {  	[dreg:$0x6] =	wrdreg s18;
	s9 =	sshrl.u32 s9, $0x3;
	s15 =	sadd.s32 $0x83800, s0  }
0x10: {  	s23 =	smax.u32 s7, $0x1;
	s24 =	sadd.s32 $0x100, s5;
	s25 =	sadd.s32 $0x180, s5  }
0x11: {  	s5 =	sadd.s32 $0x80, s5;
	s7 =	simm.s32 $0x4;
	[dreg:$0x5] =	wrdreg s10  }
0x12: {  	s10 =	sadd.s32 s12, s18;
	s20 =	sadd.s32 s1, s9;
	[dreg:$0xc] =	wrdreg s23  }
0x13: {  	s21 =	sadd.s32 s6, s9;
	s9 =	sadd.s32 $0x4E0, s9;
	[dreg:$0xd] =	wrdreg s25  }
0x14: {  	s0 =	sshrl.u32 s24, $0x3;
	s26 =	sshrl.u32 s5, $0x3;
	s23 =	simm.s32 $0x180  }
0x15: {  	s24 =	simm.s32 $0x80;
	s25 =	simm.s32 $0x300;
	[dreg:$0x7] =	wrdreg s10  }
.Ltmp0:
0x16: {  	s5 =	simm.s32 $0x8300;
	[dreg:$0x8] =	wrdreg s20;
	(pc) =	sbr.rel .LBB2_1-.Ltmp0, $4  }
0x17: {  	[dreg:$0x9] =	wrdreg s21;
	s22 =	sadd.s32 s1, s9;
	s9 =	sadd.s32 s6, s9  }
0x18: {  	s18 =	sadd.s32 s0, s6;
	s19 =	sadd.s32 s0, s1;
	s20 =	sadd.s32 s26, s6  }
0x19: {  	s21 =	sadd.s32 s26, s1;
	s26 =	simm.s32 $0x200;
	[dreg:$0xa] =	wrdreg s22  }
0x1a: {  	s0 =	simm.s32 $0x2;
	[dreg:$0xb] =	wrdreg s9;
	s22 =	simm.s32 $0x7  }
.LBB2_4:
0x1b: {  	_ =	swait.ge [sflag:s8], $0x4000  }
0x1c: {  	[sflag:s8] =	ssyncset.done $0x0  }
0x1d: {  	s9 =	simm.s32 $0x5;
	[sflag:s8] =	ssyncadd.s32 $0xFFFFC000  }
0x1e: {  	[spmem:s2] =	stream.indirect.scatter.add.f32 [tilespmem:s5], [sflag:$0x6], $0x80, s31, s24, $0xb8;
	[tilespmem:$0x1FC00] =	vst v63  }
0x1f: {  	_ =	swait.ge [sflag:s9], $0x4000  }
0x20: {  	[sflag:s9] =	ssyncset.done $0x0  }
0x21: {  	s12 =	simm.s32 $0x6;
	[sflag:s9] =	ssyncadd.s32 $0xFFFFC000  }
0x22: {  	_ =	swait.ge [sflag:s12], $0x4000  }
0x23: {  	[sflag:s12] =	ssyncset.done $0x0  }
0x24: {  	s10 =	rddreg [dreg:$0xa];
	[sflag:s12] =	ssyncadd.s32 $0xFFFFC000  }
0x25: {  	[tilespmem:s3], [sflag:$0x7] =	stream.linear.gather [hbm4b:s10+s3], $0x10, $0x38;
	[tilespmem:$0x1FC00] =	vst v63  }
0x26: {  	_ =	swait.ge [sflag:s22], $0x10  }
0x27: {  	[sflag:s22] =	ssyncset.done $0x0  }
0x28: {  	s10 =	simm.s32 $0xC300;
	s11 =	rddreg [dreg:$0xb];
	[sflag:s22] =	ssyncadd.s32 $0xFFFFFFF0  }
0x29: {  	[tilespmem:s10], [sflag:$0x7] =	stream.linear.gather [hbm4b:s11+s3], $0x10, $0x38;
	[tilespmem:$0x1FC00] =	vst v63  }
0x2a: {  	_ =	swait.ge [sflag:s22], $0x10  }
0x2b: {  	[sflag:s22] =	ssyncset.done $0x0  }
0x2c: {  	s12 =	simm.s32 $0x10;
	[sflag:s22] =	ssyncadd.s32 $0xFFFFFFF0  }
0x2d: {  	[tilespmem:s25], [sflag:$0x1] =	stream.indirect.gather [hbm4b:s4+s12], $0x80, s3, s12, $0xb8;
	[tilespmem:$0x1FC00] =	vst v63  }
0x2e: {  	_ =	swait.ge [sflag:s28], $0x800  }
0x2f: {  	[sflag:s28] =	ssyncset.done $0x0  }
0x30: {  	[sflag:s28] =	ssyncadd.s32 $0xFFFFF800  }
0x31: {  	[spmem:s2] =	stream.indirect.scatter.add.f32 [tilespmem:s25], [sflag:$0x7], $0x80, s10, s12, $0xb8;
	[tilespmem:$0x1FC00] =	vst v63  }
0x32: {  	_ =	swait.ge [sflag:s22], $0x800  }
0x33: {  	[sflag:s22] =	ssyncset.done $0x0  }
0x34: {  	[sflag:s22] =	ssyncadd.s32 $0xFFFFF800  }
0x35: {  	[bflag:$0x0] =	sbarrier.arrive $0xFFFF  }
0x36: {  	s9 =	rddreg [dreg:$0x6]  }
0x37: {  	s9 =	sadd.s32 @p0 s9, s15  }
0x38: {  	[hbm:s9], [sflag:s14] =	dma.local @p0 [spmem:s16], $0x2700  }
0x39: {  	s9 =	simm.s32 @p0 $0x7  }
0x3a: {  	_ =	swait.ge @p0 [sflag:s9], $0x2700  }
0x3b: {  	[sflag:s9] =	ssyncset.done @p0 $0x0  }
0x3c: {  	[sflag:s9] =	ssyncadd.s32 @p0 $0xFFFFD900;
	s9 =	simm.s32 @!p0 $0x1C07  }
0x3d: {  	[hbm:s15], [sflag:s9] =	dma.local @!p0 [spmem:s17], $0x2800  }
0x3e: {  	s9 =	simm.s32 @!p0 $0x7  }
0x3f: {  	_ =	swait.ge @!p0 [sflag:s9], $0x2800  }
0x40: {  	s13 =	sadd.s32 $0x1, s13;
	s17 =	rddreg [dreg:$0xc]  }
0x41: {  	p1 =	sne.s32 s13, s17  }
.Ltmp1:
0x42: {  	_ = 	snop;
	(pc) =	sbr.rel @!p1 .LBB2_5-.Ltmp1, $3  }
0x43: {  	_ =	sdelay $0x1  }
0x44: {  	[sflag:s9] =	ssyncset.done @!p0 $0x0  }
0x45: {  	[sflag:s9] =	ssyncadd.s32 @!p0 $0xFFFFD800  }
.LBB2_1:
0x46: {  	s9 =	stileid.u32  }
0x47: {  	s9 =	sshll.u32 @p0 s9, $0x6  }
0x48: {  	s14 =	sor.u32 @p0 $0x1C07, s9;
	s9 =	rddreg [dreg:$0x5]  }
0x49: {  	s16 =	sshrl.u32 @p0 s9, $0x3;
	s9 =	rddreg [dreg:$0x7]  }
0x4a: {  	[spmem:s16], [sflag:s14] =	dma.local @p0 [hbm:s9], $0x2700  }
0x4b: {  	s9 =	simm.s32 @p0 $0x7  }
0x4c: {  	_ =	swait.ge @p0 [sflag:s9], $0x2700  }
0x4d: {  	s17 =	sshrl.u32 @!p0 s2, $0x3;
	[sflag:s9] =	ssyncset.done @p0 $0x0  }
0x4e: {  	s10 =	rddreg [dreg:$0x4];
	[sflag:s9] =	ssyncadd.s32 @p0 $0xFFFFD900;
	s9 =	simm.s32 @!p0 $0x1C07  }
0x4f: {  	[spmem:s17], [sflag:s9] =	dma.local @!p0 [hbm:s10], $0x2800  }
0x50: {  	s9 =	simm.s32 @!p0 $0x7  }
0x51: {  	_ =	swait.ge @!p0 [sflag:s9], $0x2800  }
0x52: {  	[sflag:s9] =	ssyncset.done @!p0 $0x0  }
0x53: {  	[sflag:s9] =	ssyncadd.s32 @!p0 $0xFFFFD800  }
0x54: {  	[bflag:$0x0] =	sbarrier.arrive $0xFFFF  }
0x55: {  	s11 =	rddreg [dreg:$0x8]  }
0x56: {  	[tilespmem:s3], [sflag:$0x7] =	stream.linear.gather [hbm4b:s11+s3], $0x80, $0x38;
	[tilespmem:$0x1FC00] =	vst v63  }
0x57: {  	_ =	swait.ge [sflag:s22], $0x80  }
0x58: {  	[sflag:s22] =	ssyncset.done $0x0  }
0x59: {  	s12 =	rddreg [dreg:$0x9];
	[sflag:s22] =	ssyncadd.s32 $0xFFFFFF80  }
0x5a: {  	[tilespmem:s23], [sflag:$0x7] =	stream.linear.gather [hbm4b:s12+s3], $0x80, $0x38;
	[tilespmem:$0x1FC00] =	vst v63  }
0x5b: {  	_ =	swait.ge [sflag:s22], $0x80  }
0x5c: {  	[sflag:s22] =	ssyncset.done $0x0  }
0x5d: {  	s12 =	simm.s32 $0x0;
	s9 =	rddreg [dreg:$0xd];
	[sflag:s22] =	ssyncadd.s32 $0xFFFFFF80  }
0x5e: {  	[tilespmem:s25], [sflag:$0x1] =	stream.indirect.gather [hbm4b:s4+s24], $0x80, s3, s24, $0xb8;
	[tilespmem:$0x1FC00] =	vst v63  }
.LBB2_2:
0x5f: {  	p1 =	seq.s32 s12, $0x0  }
0x60: {  	s10 =	simm.s32 @!p1 $0x5  }
0x61: {  	_ =	swait.ge @!p1 [sflag:s10], $0x4000  }
0x62: {  	[sflag:s10] =	ssyncset.done @!p1 $0x0  }
0x63: {  	s11 =	sadd.s32 s12, s21;
	[sflag:s10] =	ssyncadd.s32 @!p1 $0xFFFFC000  }
0x64: {  	[tilespmem:s24], [sflag:$0x7] =	stream.linear.gather [hbm4b:s11+s3], $0x80, $0x38;
	[tilespmem:$0x1FC00] =	vst v63  }
0x65: {  	_ =	swait.ge [sflag:s22], $0x80  }
0x66: {  	[sflag:s22] =	ssyncset.done $0x0  }
0x67: {  	s11 =	sadd.s32 s12, s20;
	[sflag:s22] =	ssyncadd.s32 $0xFFFFFF80  }
0x68: {  	[tilespmem:s26], [sflag:$0x7] =	stream.linear.gather [hbm4b:s11+s3], $0x80, $0x38;
	[tilespmem:$0x1FC00] =	vst v63  }
0x69: {  	_ =	swait.ge [sflag:s22], $0x80  }
0x6a: {  	[sflag:s22] =	ssyncset.done $0x0  }
0x6b: {  	[sflag:s22] =	ssyncadd.s32 $0xFFFFFF80  }
0x6c: {  	_ =	swait.ge [sflag:s28], $0x4000  }
0x6d: {  	[sflag:s28] =	ssyncset.done $0x0  }
0x6e: {  	[sflag:s28] =	ssyncadd.s32 $0xFFFFC000  }
0x6f: {  	[tilespmem:s29], [sflag:$0x2] =	stream.indirect.gather [hbm4b:s4+s24], $0x80, s24, s24, $0xb8;
	[tilespmem:$0x1FC00] =	vst v63  }
0x70: {  	s10 =	simm.s32 @!p1 $0x6  }
0x71: {  	[spmem:s2] =	stream.indirect.scatter.add.f32 [tilespmem:s25], [sflag:$0x4], $0x80, s23, s24, $0xb8;
	[tilespmem:$0x1FC00] =	vst v63  }
0x72: {  	_ =	swait.ge @!p1 [sflag:s10], $0x4000  }
0x73: {  	[sflag:s10] =	ssyncset.done @!p1 $0x0  }
0x74: {  	s11 =	sadd.s32 s12, s19;
	[sflag:s10] =	ssyncadd.s32 @!p1 $0xFFFFC000  }
0x75: {  	[tilespmem:s30], [sflag:$0x7] =	stream.linear.gather [hbm4b:s11+s3], $0x80, $0x38;
	[tilespmem:$0x1FC00] =	vst v63  }
0x76: {  	_ =	swait.ge [sflag:s22], $0x80  }
0x77: {  	[sflag:s22] =	ssyncset.done $0x0  }
0x78: {  	s11 =	sadd.s32 s12, s18;
	[sflag:s22] =	ssyncadd.s32 $0xFFFFFF80  }
0x79: {  	[tilespmem:s31], [sflag:$0x7] =	stream.linear.gather [hbm4b:s11+s3], $0x80, $0x38;
	[tilespmem:$0x1FC00] =	vst v63  }
0x7a: {  	_ =	swait.ge [sflag:s22], $0x80  }
0x7b: {  	[sflag:s22] =	ssyncset.done $0x0  }
0x7c: {  	[sflag:s22] =	ssyncadd.s32 $0xFFFFFF80  }
0x7d: {  	_ =	swait.ge [sflag:s0], $0x4000  }
0x7e: {  	[sflag:s0] =	ssyncset.done $0x0  }
0x7f: {  	p1 =	seq.s32 s12, $0x4B0;
	[sflag:s0] =	ssyncadd.s32 $0xFFFFC000  }
0x80: {  	[tilespmem:s5], [sflag:$0x3] =	stream.indirect.gather [hbm4b:s4+s24], $0x80, s30, s24, $0xb8;
	[tilespmem:$0x1FC00] =	vst v63  }
.Ltmp2:
0x81: {  	_ = 	snop;
	(pc) =	sbr.rel @p1 .LBB2_4-.Ltmp2, $4  }
0x82: {  	[spmem:s2] =	stream.indirect.scatter.add.f32 [tilespmem:s29], [sflag:$0x5], $0x80, s26, s24, $0xb8;
	[tilespmem:$0x1FC00] =	vst v63  }
0x83: {  	_ =	swait.ge [sflag:s7], $0x4000  }
0x84: {  	[sflag:s7] =	ssyncset.done $0x0  }
0x85: {  	[sflag:s7] =	ssyncadd.s32 $0xFFFFC000  }
0x86: {  	s10 =	sshrl.u32 s9, $0x3  }
0x87: {  	s11 =	sadd.s32 s1, s10  }
0x88: {  	[tilespmem:s3], [sflag:$0x7] =	stream.linear.gather [hbm4b:s11+s3], $0x80, $0x38;
	[tilespmem:$0x1FC00] =	vst v63  }
0x89: {  	_ =	swait.ge [sflag:s22], $0x80  }
0x8a: {  	[sflag:s22] =	ssyncset.done $0x0  }
0x8b: {  	s10 =	sadd.s32 s6, s10;
	[sflag:s22] =	ssyncadd.s32 $0xFFFFFF80  }
0x8c: {  	[tilespmem:s23], [sflag:$0x7] =	stream.linear.gather [hbm4b:s10+s3], $0x80, $0x38;
	[tilespmem:$0x1FC00] =	vst v63  }
0x8d: {  	_ =	swait.ge [sflag:s22], $0x80  }
0x8e: {  	[sflag:s22] =	ssyncset.done $0x0  }
0x8f: {  	[sflag:s22] =	ssyncadd.s32 $0xFFFFFF80  }
0x90: {  	_ =	swait.ge [sflag:s8], $0x4000  }
.Ltmp3:
0x91: {  	[sflag:s8] =	ssyncset.done $0x0;
	(pc) =	sbr.rel .LBB2_2-.Ltmp3, $4  }
0x92: {  	[sflag:s8] =	ssyncadd.s32 $0xFFFFC000  }
0x93: {  	[tilespmem:s25], [sflag:$0x1] =	stream.indirect.gather [hbm4b:s4+s24], $0x80, s3, s24, $0xb8;
	[tilespmem:$0x1FC00] =	vst v63  }
0x94: {  	s12 =	sadd.s32 $0x30, s12;
	s9 =	sadd.s32 $0x180, s9  }
0x95: {  	[spmem:s2] =	stream.indirect.scatter.add.f32 [tilespmem:s5], [sflag:$0x6], $0x80, s31, s24, $0xb8;
	[tilespmem:$0x1FC00] =	vst v63  }
.LBB2_5:
0x96: {  	_ =	sfence.sel $0x180000  }
0x97: {  	[bflag:$0x0] =	sbarrier.arrive $0xFFFF  }
0x98: {  	_ =	strace $0x9000004A  }
0x99: {  	[bflag:$0x2] =	sbarrier.arrive $0xFFFF  }
0x9a: {  	s0 =	rddreg [dreg:$0x3]  }
0x9b: {  	s0 =	sadd.s32 @!p0 $0x100000, s0  }
0x9c: {  	[sflag:s0] =	ssyncadd.tile.s32 @!p0 $0x1;
	_ =	shalt  }
.Lfunc_end2:
_tile_overlayer_lowered:
.L_overlay_start_2:
0x9d: {  	(tag) =	ssettag $0x2  }
0x9e: {  	s0 =	rddreg [dreg:$0x0];
	s2 =	stileid.u32  }
0x9f: {  	s1 =	rddreg [dreg:$0x1];
	p0 =	sne.s32 s2, $0x0  }
0xa0: {  	s3 =	rddreg [dreg:$0x2];
	[bflag:$0x3] =	sbarrier.arrive $0xFFFF;
	s2 =	simm.s32 @!p0 $0x1C07  }
0xa1: {  	[timem:s3], [sflag:s2] =	dma.local @!p0 [hbm:s0], s1  }
0xa2: {  	s0 =	simm.s32 @!p0 $0x7  }
0xa3: {  	_ =	swait.ge @!p0 [sflag:s0], s1  }
0xa4: {  	s1 =	ssub.s32 @!p0 $0x0, s1;
	[sflag:s0] =	ssyncset.done @!p0 $0x0  }
0xa5: {  	[sflag:s0] =	ssyncadd.s32 @!p0 s1  }
0xa6: {  	[bflag:$0x3] =	sbarrier.arrive $0xFFFF  }
0xa7: {  	_ =	shalt  }

// kernel: kernel.17.cloned.1.call-start
scs
__scs_entry_jumppad:
0x0: {  	(pc) =	sbr.rel $0x88, $3  }
0x1: {  	(tag) =	ssettag $0x0;
	lr =	simm.s32 $0x1  }
0x2: {  	[smem:$0x3F99] =	sst lr;
	_ =	strace $0xD0000000  }
0x3: {  	_ = 	snop  }
0x4: {  	_ = 	snop  }
0x5: {  	_ = 	snop  }
0x6: {  	_ = 	snop  }
0x7: {  	_ = 	snop  }
__scs_overlays_trampoline_lowered:
0x8: {  	[smem:$0x3FA8] =	sst s0  }
0x9: {  	[smem:$0x3FA9] =	sst s1  }
0xa: {  	[smem:$0x3FAA] =	sst s2  }
0xb: {  	[smem:$0x3FAB] =	sst s3  }
0xc: {  	[smem:$0x3FAC] =	sst s4  }
0xd: {  	[smem:$0x3FAD] =	sst s5  }
0xe: {  	[smem:$0x3FAE] =	sst s6  }
0xf: {  	[smem:$0x3FAF] =	sst s7  }
0x10: {  	[smem:$0x3FB0] =	sst s8  }
0x11: {  	[smem:$0x3FB1] =	sst s9;
	s0 =	simm.s32 @!p0 $0x0  }
0x12: {  	s1 =	sld [smem:$0x3F97];
	s0 =	simm.s32 @p0 $0x1  }
0x13: {  	[smem:$0x3FB2] =	sst s0;
	s0 =	simm.s32 @!p1 $0x0  }
0x14: {  	s2 =	sld [smem:$0x3F96];
	s0 =	simm.s32 @p1 $0x1  }
0x15: {  	[smem:$0x3FB3] =	sst s0;
	s0 =	simm.s32 @!p2 $0x0  }
0x16: {  	s3 =	sld [smem:$0x3FDB];
	s0 =	simm.s32 @p2 $0x1  }
0x17: {  	s4 =	simm.s32 $0x1BF5;
	[smem:$0x3FB5] =	sst s0  }
0x18: {  	s0 =	sld [smem:$0x3F98];
	_ =	swait.ge [sflag:s4], $0x0  }
0x19: {  	s7 =	sld [smem:$0x3F99]  }
0x1a: {  	s8 =	sadd.s32 $0xFFFFE003, lr  }
0x1b: {  	s9 =	sadd.s32 $0xFFFFFEF7, lr;
	s5 =	simm.s32 $0xFFFFFFFF;
	p2 =	slt.u32 s8, $0xFFFFF086  }
0x1c: {  	p1 =	slt.u32 s9, $0xF7A;
	s5 =	simm.s32 @!p2 $0x0  }
0x1d: {  	s5 =	simm.s32 @p1 $0x1;
	p0 =	seq.s32 s7, s2  }
0x1e: {  	s7 =	smul.u32 @!p0 $0xF7A, s2;
	p2 =	seq.s32 @!p0 s5, $0x0  }
0x1f: {  	s9 =	smul.u32 $0xF7A, s1;
	s8 =	simm.s32 @!p0 $0x1BF5;
	p2 =	por !p2, p0  }
0x20: {  	[sflag:s8] =	ssyncset.s32 @!p0 $0xFFFFF086;
	s6 =	sadd.s32 @!p0 s3, s7;
	s7 =	simm.s32 @!p0 $0x108  }
0x21: {  	s3 =	sadd.s32 s3, s9;
	s6 =	sadd.s32 @!p0 $0x88, s6;
	s7 =	simm.s32 @p2 $0x1082  }
0x22: {  	[simem:s7], [sflag:s8] =	dma.local @!p0 [hbm:s6], $0xF7A  }
0x23: {  	s9 =	sor.u32 $0xD0000000, s2;
	s6 =	simm.s32 $0x108;
	_ =	swait.ge @!p0 [sflag:s8], $0x0  }
0x24: {  	s3 =	sadd.s32 $0x88, s3;
	s6 =	simm.s32 @!p1 $0x1082;
	[sflag:s4] =	ssyncset.s32 $0xFFFFF086  }
0x25: {  	[simem:s6], [sflag:s4] =	dma.local [hbm:s3], $0xF7A  }
0x26: {  	[smem:$0x3F99] =	sst s1;
	(tag) =	ssettag s2;
	_ =	strace s9  }
0x27: {  	s1 =	sld [smem:$0x3FA9]  }
0x28: {  	s2 =	sld [smem:$0x3FAA]  }
0x29: {  	s4 =	sld [smem:$0x3FAC]  }
0x2a: {  	p0 =	seq.s32 s5, $0x0;
	s5 =	sld [smem:$0x3FAD]  }
0x2b: {  	s6 =	sld [smem:$0x3FAE]  }
0x2c: {  	s7 =	sld [smem:$0x3FAF]  }
0x2d: {  	s3 =	simm.s32 $0x108;
	s8 =	sld [smem:$0x3FB0]  }
0x2e: {  	s3 =	simm.s32 @!p0 $0x1082;
	s9 =	sld [smem:$0x3FB1]  }
0x2f: {  	lr =	sadd.s32 s0, s3;
	s0 =	sld [smem:$0x3FA8]  }
0x30: {  	s3 =	sld [smem:$0x3FAB]  }
0x31: {  	[smem:$0x3FB4] =	sst s10  }
0x32: {  	s10 =	sld [smem:$0x3FB2];
	_ =	sdelay $0x3  }
0x33: {  	p0 =	seq.s32 s10, $0x1;
	s10 =	sld [smem:$0x3FB4];
	_ =	sdelay $0x3  }
0x34: {  	[smem:$0x3FB4] =	sst s10  }
0x35: {  	s10 =	sld [smem:$0x3FB3];
	_ =	sdelay $0x3  }
0x36: {  	p1 =	seq.s32 s10, $0x1;
	s10 =	sld [smem:$0x3FB4];
	_ =	sdelay $0x3  }
0x37: {  	[smem:$0x3FB4] =	sst s10  }
0x38: {  	s10 =	sld [smem:$0x3FB5]  }
0x39: {  	_ = 	snop;
	(pc) =	sbr.ind lr, $3  }
0x3a: {  	_ = 	snop  }
0x3b: {  	_ = 	snop  }
0x3c: {  	p2 =	seq.s32 s10, $0x1;
	s10 =	sld [smem:$0x3FB4]  }
0x3d: {  	_ =	shalt  }
0x3e: {  	_ =	shalt  }
0x3f: {  	_ =	shalt  }
0x40: {  	_ =	shalt  }
0x41: {  	_ =	shalt  }
0x42: {  	_ =	shalt  }
0x43: {  	_ =	shalt  }
0x44: {  	_ =	shalt  }
0x45: {  	_ =	shalt  }
0x46: {  	_ =	shalt  }
0x47: {  	_ =	shalt  }
0x48: {  	_ =	shalt  }
0x49: {  	_ =	shalt  }
0x4a: {  	_ =	shalt  }
0x4b: {  	_ =	shalt  }
0x4c: {  	_ =	shalt  }
0x4d: {  	_ =	shalt  }
0x4e: {  	_ =	shalt  }
0x4f: {  	_ =	shalt  }
0x50: {  	_ =	shalt  }
0x51: {  	_ =	shalt  }
0x52: {  	_ =	shalt  }
0x53: {  	_ =	shalt  }
0x54: {  	_ =	shalt  }
0x55: {  	_ =	shalt  }
0x56: {  	_ =	shalt  }
0x57: {  	_ =	shalt  }
0x58: {  	_ =	shalt  }
0x59: {  	_ =	shalt  }
0x5a: {  	_ =	shalt  }
0x5b: {  	_ =	shalt  }
0x5c: {  	_ =	shalt  }
0x5d: {  	_ =	shalt  }
0x5e: {  	_ =	shalt  }
0x5f: {  	_ =	shalt  }
0x60: {  	_ =	shalt  }
0x61: {  	_ =	shalt  }
0x62: {  	_ =	shalt  }
0x63: {  	_ =	shalt  }
0x64: {  	_ =	shalt  }
0x65: {  	_ =	shalt  }
0x66: {  	_ =	shalt  }
0x67: {  	_ =	shalt  }
0x68: {  	_ =	shalt  }
0x69: {  	_ =	shalt  }
0x6a: {  	_ =	shalt  }
0x6b: {  	_ =	shalt  }
0x6c: {  	_ =	shalt  }
0x6d: {  	_ =	shalt  }
0x6e: {  	_ =	shalt  }
0x6f: {  	_ =	shalt  }
0x70: {  	_ =	shalt  }
0x71: {  	_ =	shalt  }
0x72: {  	_ =	shalt  }
0x73: {  	_ =	shalt  }
0x74: {  	_ =	shalt  }
0x75: {  	_ =	shalt  }
0x76: {  	_ =	shalt  }
0x77: {  	_ =	shalt  }
0x78: {  	_ =	shalt  }
0x79: {  	_ =	shalt  }
0x7a: {  	_ =	shalt  }
0x7b: {  	_ =	shalt  }
0x7c: {  	_ =	shalt  }
0x7d: {  	_ =	shalt  }
0x7e: {  	_ =	shalt  }
0x7f: {  	_ =	shalt  }
0x80: {  	_ =	shalt  }
0x81: {  	_ =	shalt  }
0x82: {  	_ =	shalt  }
0x83: {  	_ =	shalt  }
0x84: {  	_ =	shalt  }
0x85: {  	_ =	shalt  }
0x86: {  	_ =	shalt  }
0x87: {  	_ =	shalt  }
.Lfunc_end0:
.L_simem_size_0:
called_computation.2_lowered:
.L_overlay_start_0:
0x88: {  	s2 =	sld [smem:$0x3FD9]  }
0x89: {  	s3 =	sld [smem:$0x3FFE];
	_ =	sdelay $0x1  }
0x8a: {  	s1 =	srdreg.scid  }
0x8b: {  	s0 =	sand.u32 $0x1, s1  }
0x8c: {  	s17 =	sshll.u32 s0, $0xA;
	s2 =	sadd.s32 s3, s2  }
0x8d: {  	s2 =	sadd.s32 s2, s17  }
0x8e: {  	[smem:$0x3FC0] =	sst s2  }
0x8f: {  	_ = 	snop  }
0x90: {  	s2 =	sld [smem:$0x3FD0];
	(tm) =	ssettm $0x1  }
0x91: {  	s18 =	sld [smem:$0x3FFB];
	_ =	sdelay $0x3  }
0x92: {  	_ =	strace s18  }
0x93: {  	s3 =	sld [smem:$0x3FFC];
	_ =	sdelay $0x3  }
0x94: {  	_ =	strace s3  }
0x95: {  	s3 =	sld [smem:$0x3FFD];
	_ =	sdelay $0x3  }
0x96: {  	_ =	strace s3  }
0x97: {  	_ =	strace $0x8FFFFFFF  }
0x98: {  	s19 =	sld [smem:$0x3FDB];
	_ =	sdelay $0x1  }
0x99: {  	s4 =	simm.s32 $_scs_section_size  }
0x9a: {  	s5 =	simm.s32 $_size__tile_overlayer_lowered;
	s6 =	simm.s32 $_tile_overlayer_lowered  }
0x9b: {  	s22 =	simm.s32 $0x1BFF;
	s21 =	sshll.u32 s6, $0x1;
	s3 =	sadd.s32 s4, s19  }
0x9c: {  	s7 =	simm.s32 $0x0;
	s20 =	sshll.u32 s5, $0x1;
	s5 =	sadd.s32 s21, s3  }
0x9d: {  	[timem:s7], [sflag:s22] =	dma.local [hbm:s5], s20  }
0x9e: {  	_ =	swait.ge [sflag:s22], s20  }
0x9f: {  	s4 =	ssub.s32 $0x0, s20;
	[sflag:s22] =	ssyncset.done $0x0  }
0xa0: {  	[sflag:s22] =	ssyncadd.s32 s4;
	_ =	sdelay $0x1  }
0xa1: {  	s23 =	simm.s32 $0x1B8B  }
0xa2: {  	_ =	swait.ge [sflag:s23], $0x1  }
0xa3: {  	[sflag:s23] =	ssyncset.done $0x0  }
0xa4: {  	s25 =	simm.s32 $0x1B8E;
	s24 =	sld [smem:$0x3FFE];
	[sflag:s23] =	ssyncadd.s32 $0xFFFFFFFF  }
0xa5: {  	s26 =	simm.s32 $execute0_lowered;
	[smem:$0x3FD2] =	sst s25  }
0xa6: {  	s5 =	sshll.u32 s26, $0x1;
	_ =	strace $0x8000004C;
	[dreg:$0x1] =	wrdreg $0xFFFFFFFF  }
0xa7: {  	s28 =	simm.s32 $_size_execute0_lowered;
	s3 =	sadd.s32 s3, s5;
	[dreg:$0x0] =	wrdreg $0x0  }
0xa8: {  	s5 =	sshll.u32 s28, $0x1;
	[dreg:$0x2] =	wrdreg s3  }
0xa9: {  	[dreg:$0x3] =	wrdreg s5  }
0xaa: {  	[dreg:$0x4] =	wrdreg $0xC0  }
0xab: {  	_ =	task [dreg:s7], $0x5FFFF  }
0xac: {  	[dreg:$0x1] =	wrdreg $0xFFFFFFFF  }
0xad: {  	[dreg:$0x0] =	wrdreg $0x60  }
0xae: {  	[dreg:$0x2] =	wrdreg s24  }
0xaf: {  	[dreg:$0x3] =	wrdreg s2  }
0xb0: {  	[dreg:$0x4] =	wrdreg $0xC3800  }
0xb1: {  	[dreg:$0x5] =	wrdreg $0x9  }
0xb2: {  	_ =	task.clear_ibuf [dreg:s7], $0x6FFFF;
	_ =	strace $0x9000004C  }
0xb3: {  	s29 =	simm.s32 $0x9;
	_ =	strace $0x8000004E  }
0xb4: {  	_ =	swait.ge [sflag:s29], $0x1  }
0xb5: {  	[sflag:s29] =	ssyncadd.s32 $0xFFFFFFFF  }
0xb6: {  	_ =	strace $0x9000004E  }
0xb7: {  	_ =	sfence  }
0xb8: {  	s30 =	sld [smem:$0x0];
	_ =	sdelay $0x2  }
0xb9: {  	s31 =	sshll.u32 s1, $0xD;
	s1 =	sshrl.u32 s1, $0x2  }
0xba: {  	s3 =	sand.u32 $0x4000, s31;
	s1 =	sadd.s32 s1, s30  }
0xbb: {  	s0 =	sor.u32 s3, s0;
	s1 =	sshll.u32 s1, $0x11  }
0xbc: {  	s0 =	sor.u32 s1, s0  }
0xbd: {  	s0 =	sadd.s32 $0x8F2B, s0  }
0xbe: {  	[sflag:s0] =	ssyncadd.remote.s32 $0x1  }
0xbf: {  	_ =	sfence.sel $0xFFFF  }
0xc0: {  	[dreg:$0x0] =	wrdreg $0xFFFFFFFF;
	(pc) =	sbr.abs _section_cstart, $3  }
0xc1: {  	[dreg:$0x1] =	wrdreg $0xFFFFFFFF  }
0xc2: {  	_ =	task.clear_ibuf [dreg:s7], $0x2FFFF;
	_ =	strace $0x9FFFFFFF  }
0xc3: {  	(tm) =	ssettm $0x7FFFFFFF  }
tec
execute0_lowered:
.L_overlay_start_1:
0x0: {  	(tag) =	ssettag $0x1  }
0x1: {  	s0 =	rddreg [dreg:$0x0]  }
0x2: {  	s1 =	rddreg [dreg:$0x1]  }
0x3: {  	s2 =	rddreg [dreg:$0x2]  }
0x4: {  	s3 =	simm.s32 $0x0;
	s4 =	srdreg.scid;
	s11 =	stileid.u32  }
0x5: {  	s28 =	simm.s32 $0x1;
	s29 =	simm.s32 $0x4300;
	s30 =	simm.s32 $0x100  }
0x6: {  	s31 =	simm.s32 $0x280;
	s13 =	simm.s32 $0x0;
	[smem:$0x7FF] =	sst s3  }
0x7: {  	s5 =	sand.u32 $0x1, s4;
	s4 =	sadd.s32 $0xE200, s0;
	s6 =	sadd.s32 $0x4400, s0  }
0x8: {  	s12 =	sadd.s32 $0x5C600, s0;
	s8 =	smul.u32 $0x270, s11;
	s9 =	sshll.u32 s11, $0x1  }
0x9: {  	s19 =	smul.u32 $0x4E20, s11;
	p0 =	sne.s32 s11, $0x0;
	_ =	strace $0x8000004D  }
0xa: {  	s7 =	smul.u32 $0x27100, s5;
	s16 =	ssub.s32 $0x2, s5;
	s9 =	sor.u32 s5, s9  }
0xb: {  	[dreg:$0x4] =	wrdreg s12;
	s5 =	smul.u32 $0x2710, s5;
	s10 =	sshrl.u32 s16, $0x1  }
0xc: {  	s8 =	sadd.s32 $0x10, s8;
	s9 =	smul.u32 $0x2710, s9;
	s0 =	sadd.s32 s7, s0  }
0xd: {  	s7 =	ssub.s32 s16, s10;
	s17 =	sshll.u32 s8, $0x7;
	s18 =	sshll.u32 s8, $0x4  }
0xe: {  	s5 =	sadd.s32 s5, s19;
	s8 =	simm.s32 $0x3;
	s10 =	sadd.s32 s17, s2  }
0xf: {  	[dreg:$0x6] =	wrdreg s18;
	s9 =	sshrl.u32 s9, $0x3;
	s15 =	sadd.s32 $0x83800, s0  }
0x10: {  	s23 =	smax.u32 s7, $0x1;
	s24 =	sadd.s32 $0x100, s5;
	s25 =	sadd.s32 $0x180, s5  }
0x11: {  	s5 =	sadd.s32 $0x80, s5;
	s7 =	simm.s32 $0x4;
	[dreg:$0x5] =	wrdreg s10  }
0x12: {  	s10 =	sadd.s32 s12, s18;
	s20 =	sadd.s32 s1, s9;
	[dreg:$0xc] =	wrdreg s23  }
0x13: {  	s21 =	sadd.s32 s6, s9;
	s9 =	sadd.s32 $0x4E0, s9;
	[dreg:$0xd] =	wrdreg s25  }
0x14: {  	s0 =	sshrl.u32 s24, $0x3;
	s26 =	sshrl.u32 s5, $0x3;
	s23 =	simm.s32 $0x180  }
0x15: {  	s24 =	simm.s32 $0x80;
	s25 =	simm.s32 $0x300;
	[dreg:$0x7] =	wrdreg s10  }
.Ltmp0:
0x16: {  	s5 =	simm.s32 $0x8300;
	[dreg:$0x8] =	wrdreg s20;
	(pc) =	sbr.rel .LBB2_1-.Ltmp0, $4  }
0x17: {  	[dreg:$0x9] =	wrdreg s21;
	s22 =	sadd.s32 s1, s9;
	s9 =	sadd.s32 s6, s9  }
0x18: {  	s18 =	sadd.s32 s0, s6;
	s19 =	sadd.s32 s0, s1;
	s20 =	sadd.s32 s26, s6  }
0x19: {  	s21 =	sadd.s32 s26, s1;
	s26 =	simm.s32 $0x200;
	[dreg:$0xa] =	wrdreg s22  }
0x1a: {  	s0 =	simm.s32 $0x2;
	[dreg:$0xb] =	wrdreg s9;
	s22 =	simm.s32 $0x7  }
.LBB2_4:
0x1b: {  	_ =	swait.ge [sflag:s8], $0x4000  }
0x1c: {  	[sflag:s8] =	ssyncset.done $0x0  }
0x1d: {  	s9 =	simm.s32 $0x5;
	[sflag:s8] =	ssyncadd.s32 $0xFFFFC000  }
0x1e: {  	[spmem:s2] =	stream.indirect.scatter.add.f32 [tilespmem:s5], [sflag:$0x6], $0x80, s31, s24, $0xb8;
	[tilespmem:$0x1FC00] =	vst v63  }
0x1f: {  	_ =	swait.ge [sflag:s9], $0x4000  }
0x20: {  	[sflag:s9] =	ssyncset.done $0x0  }
0x21: {  	s12 =	simm.s32 $0x6;
	[sflag:s9] =	ssyncadd.s32 $0xFFFFC000  }
0x22: {  	_ =	swait.ge [sflag:s12], $0x4000  }
0x23: {  	[sflag:s12] =	ssyncset.done $0x0  }
0x24: {  	s10 =	rddreg [dreg:$0xa];
	[sflag:s12] =	ssyncadd.s32 $0xFFFFC000  }
0x25: {  	[tilespmem:s3], [sflag:$0x7] =	stream.linear.gather [hbm4b:s10+s3], $0x10, $0x38;
	[tilespmem:$0x1FC00] =	vst v63  }
0x26: {  	_ =	swait.ge [sflag:s22], $0x10  }
0x27: {  	[sflag:s22] =	ssyncset.done $0x0  }
0x28: {  	s10 =	simm.s32 $0xC300;
	s11 =	rddreg [dreg:$0xb];
	[sflag:s22] =	ssyncadd.s32 $0xFFFFFFF0  }
0x29: {  	[tilespmem:s10], [sflag:$0x7] =	stream.linear.gather [hbm4b:s11+s3], $0x10, $0x38;
	[tilespmem:$0x1FC00] =	vst v63  }
0x2a: {  	_ =	swait.ge [sflag:s22], $0x10  }
0x2b: {  	[sflag:s22] =	ssyncset.done $0x0  }
0x2c: {  	s12 =	simm.s32 $0x10;
	[sflag:s22] =	ssyncadd.s32 $0xFFFFFFF0  }
0x2d: {  	[tilespmem:s25], [sflag:$0x1] =	stream.indirect.gather [hbm4b:s4+s12], $0x80, s3, s12, $0xb8;
	[tilespmem:$0x1FC00] =	vst v63  }
0x2e: {  	_ =	swait.ge [sflag:s28], $0x800  }
0x2f: {  	[sflag:s28] =	ssyncset.done $0x0  }
0x30: {  	[sflag:s28] =	ssyncadd.s32 $0xFFFFF800  }
0x31: {  	[spmem:s2] =	stream.indirect.scatter.add.f32 [tilespmem:s25], [sflag:$0x7], $0x80, s10, s12, $0xb8;
	[tilespmem:$0x1FC00] =	vst v63  }
0x32: {  	_ =	swait.ge [sflag:s22], $0x800  }
0x33: {  	[sflag:s22] =	ssyncset.done $0x0  }
0x34: {  	[sflag:s22] =	ssyncadd.s32 $0xFFFFF800  }
0x35: {  	[bflag:$0x0] =	sbarrier.arrive $0xFFFF  }
0x36: {  	s9 =	rddreg [dreg:$0x6]  }
0x37: {  	s9 =	sadd.s32 @p0 s9, s15  }
0x38: {  	[hbm:s9], [sflag:s14] =	dma.local @p0 [spmem:s16], $0x2700  }
0x39: {  	s9 =	simm.s32 @p0 $0x7  }
0x3a: {  	_ =	swait.ge @p0 [sflag:s9], $0x2700  }
0x3b: {  	[sflag:s9] =	ssyncset.done @p0 $0x0  }
0x3c: {  	[sflag:s9] =	ssyncadd.s32 @p0 $0xFFFFD900;
	s9 =	simm.s32 @!p0 $0x1C07  }
0x3d: {  	[hbm:s15], [sflag:s9] =	dma.local @!p0 [spmem:s17], $0x2800  }
0x3e: {  	s9 =	simm.s32 @!p0 $0x7  }
0x3f: {  	_ =	swait.ge @!p0 [sflag:s9], $0x2800  }
0x40: {  	s13 =	sadd.s32 $0x1, s13;
	s17 =	rddreg [dreg:$0xc]  }
0x41: {  	p1 =	sne.s32 s13, s17  }
.Ltmp1:
0x42: {  	_ = 	snop;
	(pc) =	sbr.rel @!p1 .LBB2_5-.Ltmp1, $3  }
0x43: {  	_ =	sdelay $0x1  }
0x44: {  	[sflag:s9] =	ssyncset.done @!p0 $0x0  }
0x45: {  	[sflag:s9] =	ssyncadd.s32 @!p0 $0xFFFFD800  }
.LBB2_1:
0x46: {  	s9 =	stileid.u32  }
0x47: {  	s9 =	sshll.u32 @p0 s9, $0x6  }
0x48: {  	s14 =	sor.u32 @p0 $0x1C07, s9;
	s9 =	rddreg [dreg:$0x5]  }
0x49: {  	s16 =	sshrl.u32 @p0 s9, $0x3;
	s9 =	rddreg [dreg:$0x7]  }
0x4a: {  	[spmem:s16], [sflag:s14] =	dma.local @p0 [hbm:s9], $0x2700  }
0x4b: {  	s9 =	simm.s32 @p0 $0x7  }
0x4c: {  	_ =	swait.ge @p0 [sflag:s9], $0x2700  }
0x4d: {  	s17 =	sshrl.u32 @!p0 s2, $0x3;
	[sflag:s9] =	ssyncset.done @p0 $0x0  }
0x4e: {  	s10 =	rddreg [dreg:$0x4];
	[sflag:s9] =	ssyncadd.s32 @p0 $0xFFFFD900;
	s9 =	simm.s32 @!p0 $0x1C07  }
0x4f: {  	[spmem:s17], [sflag:s9] =	dma.local @!p0 [hbm:s10], $0x2800  }
0x50: {  	s9 =	simm.s32 @!p0 $0x7  }
0x51: {  	_ =	swait.ge @!p0 [sflag:s9], $0x2800  }
0x52: {  	[sflag:s9] =	ssyncset.done @!p0 $0x0  }
0x53: {  	[sflag:s9] =	ssyncadd.s32 @!p0 $0xFFFFD800  }
0x54: {  	[bflag:$0x0] =	sbarrier.arrive $0xFFFF  }
0x55: {  	s11 =	rddreg [dreg:$0x8]  }
0x56: {  	[tilespmem:s3], [sflag:$0x7] =	stream.linear.gather [hbm4b:s11+s3], $0x80, $0x38;
	[tilespmem:$0x1FC00] =	vst v63  }
0x57: {  	_ =	swait.ge [sflag:s22], $0x80  }
0x58: {  	[sflag:s22] =	ssyncset.done $0x0  }
0x59: {  	s12 =	rddreg [dreg:$0x9];
	[sflag:s22] =	ssyncadd.s32 $0xFFFFFF80  }
0x5a: {  	[tilespmem:s23], [sflag:$0x7] =	stream.linear.gather [hbm4b:s12+s3], $0x80, $0x38;
	[tilespmem:$0x1FC00] =	vst v63  }
0x5b: {  	_ =	swait.ge [sflag:s22], $0x80  }
0x5c: {  	[sflag:s22] =	ssyncset.done $0x0  }
0x5d: {  	s12 =	simm.s32 $0x0;
	s9 =	rddreg [dreg:$0xd];
	[sflag:s22] =	ssyncadd.s32 $0xFFFFFF80  }
0x5e: {  	[tilespmem:s25], [sflag:$0x1] =	stream.indirect.gather [hbm4b:s4+s24], $0x80, s3, s24, $0xb8;
	[tilespmem:$0x1FC00] =	vst v63  }
.LBB2_2:
0x5f: {  	p1 =	seq.s32 s12, $0x0  }
0x60: {  	s10 =	simm.s32 @!p1 $0x5  }
0x61: {  	_ =	swait.ge @!p1 [sflag:s10], $0x4000  }
0x62: {  	[sflag:s10] =	ssyncset.done @!p1 $0x0  }
0x63: {  	s11 =	sadd.s32 s12, s21;
	[sflag:s10] =	ssyncadd.s32 @!p1 $0xFFFFC000  }
0x64: {  	[tilespmem:s24], [sflag:$0x7] =	stream.linear.gather [hbm4b:s11+s3], $0x80, $0x38;
	[tilespmem:$0x1FC00] =	vst v63  }
0x65: {  	_ =	swait.ge [sflag:s22], $0x80  }
0x66: {  	[sflag:s22] =	ssyncset.done $0x0  }
0x67: {  	s11 =	sadd.s32 s12, s20;
	[sflag:s22] =	ssyncadd.s32 $0xFFFFFF80  }
0x68: {  	[tilespmem:s26], [sflag:$0x7] =	stream.linear.gather [hbm4b:s11+s3], $0x80, $0x38;
	[tilespmem:$0x1FC00] =	vst v63  }
0x69: {  	_ =	swait.ge [sflag:s22], $0x80  }
0x6a: {  	[sflag:s22] =	ssyncset.done $0x0  }
0x6b: {  	[sflag:s22] =	ssyncadd.s32 $0xFFFFFF80  }
0x6c: {  	_ =	swait.ge [sflag:s28], $0x4000  }
0x6d: {  	[sflag:s28] =	ssyncset.done $0x0  }
0x6e: {  	[sflag:s28] =	ssyncadd.s32 $0xFFFFC000  }
0x6f: {  	[tilespmem:s29], [sflag:$0x2] =	stream.indirect.gather [hbm4b:s4+s24], $0x80, s24, s24, $0xb8;
	[tilespmem:$0x1FC00] =	vst v63  }
0x70: {  	s10 =	simm.s32 @!p1 $0x6  }
0x71: {  	[spmem:s2] =	stream.indirect.scatter.add.f32 [tilespmem:s25], [sflag:$0x4], $0x80, s23, s24, $0xb8;
	[tilespmem:$0x1FC00] =	vst v63  }
0x72: {  	_ =	swait.ge @!p1 [sflag:s10], $0x4000  }
0x73: {  	[sflag:s10] =	ssyncset.done @!p1 $0x0  }
0x74: {  	s11 =	sadd.s32 s12, s19;
	[sflag:s10] =	ssyncadd.s32 @!p1 $0xFFFFC000  }
0x75: {  	[tilespmem:s30], [sflag:$0x7] =	stream.linear.gather [hbm4b:s11+s3], $0x80, $0x38;
	[tilespmem:$0x1FC00] =	vst v63  }
0x76: {  	_ =	swait.ge [sflag:s22], $0x80  }
0x77: {  	[sflag:s22] =	ssyncset.done $0x0  }
0x78: {  	s11 =	sadd.s32 s12, s18;
	[sflag:s22] =	ssyncadd.s32 $0xFFFFFF80  }
0x79: {  	[tilespmem:s31], [sflag:$0x7] =	stream.linear.gather [hbm4b:s11+s3], $0x80, $0x38;
	[tilespmem:$0x1FC00] =	vst v63  }
0x7a: {  	_ =	swait.ge [sflag:s22], $0x80  }
0x7b: {  	[sflag:s22] =	ssyncset.done $0x0  }
0x7c: {  	[sflag:s22] =	ssyncadd.s32 $0xFFFFFF80  }
0x7d: {  	_ =	swait.ge [sflag:s0], $0x4000  }
0x7e: {  	[sflag:s0] =	ssyncset.done $0x0  }
0x7f: {  	p1 =	seq.s32 s12, $0x4B0;
	[sflag:s0] =	ssyncadd.s32 $0xFFFFC000  }
0x80: {  	[tilespmem:s5], [sflag:$0x3] =	stream.indirect.gather [hbm4b:s4+s24], $0x80, s30, s24, $0xb8;
	[tilespmem:$0x1FC00] =	vst v63  }
.Ltmp2:
0x81: {  	_ = 	snop;
	(pc) =	sbr.rel @p1 .LBB2_4-.Ltmp2, $4  }
0x82: {  	[spmem:s2] =	stream.indirect.scatter.add.f32 [tilespmem:s29], [sflag:$0x5], $0x80, s26, s24, $0xb8;
	[tilespmem:$0x1FC00] =	vst v63  }
0x83: {  	_ =	swait.ge [sflag:s7], $0x4000  }
0x84: {  	[sflag:s7] =	ssyncset.done $0x0  }
0x85: {  	[sflag:s7] =	ssyncadd.s32 $0xFFFFC000  }
0x86: {  	s10 =	sshrl.u32 s9, $0x3  }
0x87: {  	s11 =	sadd.s32 s1, s10  }
0x88: {  	[tilespmem:s3], [sflag:$0x7] =	stream.linear.gather [hbm4b:s11+s3], $0x80, $0x38;
	[tilespmem:$0x1FC00] =	vst v63  }
0x89: {  	_ =	swait.ge [sflag:s22], $0x80  }
0x8a: {  	[sflag:s22] =	ssyncset.done $0x0  }
0x8b: {  	s10 =	sadd.s32 s6, s10;
	[sflag:s22] =	ssyncadd.s32 $0xFFFFFF80  }
0x8c: {  	[tilespmem:s23], [sflag:$0x7] =	stream.linear.gather [hbm4b:s10+s3], $0x80, $0x38;
	[tilespmem:$0x1FC00] =	vst v63  }
0x8d: {  	_ =	swait.ge [sflag:s22], $0x80  }
0x8e: {  	[sflag:s22] =	ssyncset.done $0x0  }
0x8f: {  	[sflag:s22] =	ssyncadd.s32 $0xFFFFFF80  }
0x90: {  	_ =	swait.ge [sflag:s8], $0x4000  }
.Ltmp3:
0x91: {  	[sflag:s8] =	ssyncset.done $0x0;
	(pc) =	sbr.rel .LBB2_2-.Ltmp3, $4  }
0x92: {  	[sflag:s8] =	ssyncadd.s32 $0xFFFFC000  }
0x93: {  	[tilespmem:s25], [sflag:$0x1] =	stream.indirect.gather [hbm4b:s4+s24], $0x80, s3, s24, $0xb8;
	[tilespmem:$0x1FC00] =	vst v63  }
0x94: {  	s12 =	sadd.s32 $0x30, s12;
	s9 =	sadd.s32 $0x180, s9  }
0x95: {  	[spmem:s2] =	stream.indirect.scatter.add.f32 [tilespmem:s5], [sflag:$0x6], $0x80, s31, s24, $0xb8;
	[tilespmem:$0x1FC00] =	vst v63  }
.LBB2_5:
0x96: {  	_ =	sfence.sel $0x180000  }
0x97: {  	[bflag:$0x0] =	sbarrier.arrive $0xFFFF  }
0x98: {  	_ =	strace $0x9000004D  }
0x99: {  	[bflag:$0x2] =	sbarrier.arrive $0xFFFF  }
0x9a: {  	s0 =	rddreg [dreg:$0x3]  }
0x9b: {  	s0 =	sadd.s32 @!p0 $0x100000, s0  }
0x9c: {  	[sflag:s0] =	ssyncadd.tile.s32 @!p0 $0x1;
	_ =	shalt  }
.Lfunc_end2:
_tile_overlayer_lowered:
.L_overlay_start_2:
0x9d: {  	(tag) =	ssettag $0x2  }
0x9e: {  	s0 =	rddreg [dreg:$0x0];
	s2 =	stileid.u32  }
0x9f: {  	s1 =	rddreg [dreg:$0x1];
	p0 =	sne.s32 s2, $0x0  }
0xa0: {  	s3 =	rddreg [dreg:$0x2];
	[bflag:$0x3] =	sbarrier.arrive $0xFFFF;
	s2 =	simm.s32 @!p0 $0x1C07  }
0xa1: {  	[timem:s3], [sflag:s2] =	dma.local @!p0 [hbm:s0], s1  }
0xa2: {  	s0 =	simm.s32 @!p0 $0x7  }
0xa3: {  	_ =	swait.ge @!p0 [sflag:s0], s1  }
0xa4: {  	s1 =	ssub.s32 @!p0 $0x0, s1;
	[sflag:s0] =	ssyncset.done @!p0 $0x0  }
0xa5: {  	[sflag:s0] =	ssyncadd.s32 @!p0 s1  }
0xa6: {  	[bflag:$0x3] =	sbarrier.arrive $0xFFFF  }
0xa7: {  	_ =	shalt  }

// kernel: kernel.20.cloned.1.call-start
scs
__scs_entry_jumppad:
0x0: {  	(pc) =	sbr.rel $0x88, $3  }
0x1: {  	(tag) =	ssettag $0x0;
	lr =	simm.s32 $0x1  }
0x2: {  	[smem:$0x3F99] =	sst lr;
	_ =	strace $0xD0000000  }
0x3: {  	_ = 	snop  }
0x4: {  	_ = 	snop  }
0x5: {  	_ = 	snop  }
0x6: {  	_ = 	snop  }
0x7: {  	_ = 	snop  }
__scs_overlays_trampoline_lowered:
0x8: {  	[smem:$0x3FA8] =	sst s0  }
0x9: {  	[smem:$0x3FA9] =	sst s1  }
0xa: {  	[smem:$0x3FAA] =	sst s2  }
0xb: {  	[smem:$0x3FAB] =	sst s3  }
0xc: {  	[smem:$0x3FAC] =	sst s4  }
0xd: {  	[smem:$0x3FAD] =	sst s5  }
0xe: {  	[smem:$0x3FAE] =	sst s6  }
0xf: {  	[smem:$0x3FAF] =	sst s7  }
0x10: {  	[smem:$0x3FB0] =	sst s8  }
0x11: {  	[smem:$0x3FB1] =	sst s9;
	s0 =	simm.s32 @!p0 $0x0  }
0x12: {  	s1 =	sld [smem:$0x3F97];
	s0 =	simm.s32 @p0 $0x1  }
0x13: {  	[smem:$0x3FB2] =	sst s0;
	s0 =	simm.s32 @!p1 $0x0  }
0x14: {  	s2 =	sld [smem:$0x3F96];
	s0 =	simm.s32 @p1 $0x1  }
0x15: {  	[smem:$0x3FB3] =	sst s0;
	s0 =	simm.s32 @!p2 $0x0  }
0x16: {  	s3 =	sld [smem:$0x3FDB];
	s0 =	simm.s32 @p2 $0x1  }
0x17: {  	s4 =	simm.s32 $0x1BF5;
	[smem:$0x3FB5] =	sst s0  }
0x18: {  	s0 =	sld [smem:$0x3F98];
	_ =	swait.ge [sflag:s4], $0x0  }
0x19: {  	s7 =	sld [smem:$0x3F99]  }
0x1a: {  	s8 =	sadd.s32 $0xFFFFE003, lr  }
0x1b: {  	s9 =	sadd.s32 $0xFFFFFEF7, lr;
	s5 =	simm.s32 $0xFFFFFFFF;
	p2 =	slt.u32 s8, $0xFFFFF086  }
0x1c: {  	p1 =	slt.u32 s9, $0xF7A;
	s5 =	simm.s32 @!p2 $0x0  }
0x1d: {  	s5 =	simm.s32 @p1 $0x1;
	p0 =	seq.s32 s7, s2  }
0x1e: {  	s7 =	smul.u32 @!p0 $0xF7A, s2;
	p2 =	seq.s32 @!p0 s5, $0x0  }
0x1f: {  	s9 =	smul.u32 $0xF7A, s1;
	s8 =	simm.s32 @!p0 $0x1BF5;
	p2 =	por !p2, p0  }
0x20: {  	[sflag:s8] =	ssyncset.s32 @!p0 $0xFFFFF086;
	s6 =	sadd.s32 @!p0 s3, s7;
	s7 =	simm.s32 @!p0 $0x108  }
0x21: {  	s3 =	sadd.s32 s3, s9;
	s6 =	sadd.s32 @!p0 $0x88, s6;
	s7 =	simm.s32 @p2 $0x1082  }
0x22: {  	[simem:s7], [sflag:s8] =	dma.local @!p0 [hbm:s6], $0xF7A  }
0x23: {  	s9 =	sor.u32 $0xD0000000, s2;
	s6 =	simm.s32 $0x108;
	_ =	swait.ge @!p0 [sflag:s8], $0x0  }
0x24: {  	s3 =	sadd.s32 $0x88, s3;
	s6 =	simm.s32 @!p1 $0x1082;
	[sflag:s4] =	ssyncset.s32 $0xFFFFF086  }
0x25: {  	[simem:s6], [sflag:s4] =	dma.local [hbm:s3], $0xF7A  }
0x26: {  	[smem:$0x3F99] =	sst s1;
	(tag) =	ssettag s2;
	_ =	strace s9  }
0x27: {  	s1 =	sld [smem:$0x3FA9]  }
0x28: {  	s2 =	sld [smem:$0x3FAA]  }
0x29: {  	s4 =	sld [smem:$0x3FAC]  }
0x2a: {  	p0 =	seq.s32 s5, $0x0;
	s5 =	sld [smem:$0x3FAD]  }
0x2b: {  	s6 =	sld [smem:$0x3FAE]  }
0x2c: {  	s7 =	sld [smem:$0x3FAF]  }
0x2d: {  	s3 =	simm.s32 $0x108;
	s8 =	sld [smem:$0x3FB0]  }
0x2e: {  	s3 =	simm.s32 @!p0 $0x1082;
	s9 =	sld [smem:$0x3FB1]  }
0x2f: {  	lr =	sadd.s32 s0, s3;
	s0 =	sld [smem:$0x3FA8]  }
0x30: {  	s3 =	sld [smem:$0x3FAB]  }
0x31: {  	[smem:$0x3FB4] =	sst s10  }
0x32: {  	s10 =	sld [smem:$0x3FB2];
	_ =	sdelay $0x3  }
0x33: {  	p0 =	seq.s32 s10, $0x1;
	s10 =	sld [smem:$0x3FB4];
	_ =	sdelay $0x3  }
0x34: {  	[smem:$0x3FB4] =	sst s10  }
0x35: {  	s10 =	sld [smem:$0x3FB3];
	_ =	sdelay $0x3  }
0x36: {  	p1 =	seq.s32 s10, $0x1;
	s10 =	sld [smem:$0x3FB4];
	_ =	sdelay $0x3  }
0x37: {  	[smem:$0x3FB4] =	sst s10  }
0x38: {  	s10 =	sld [smem:$0x3FB5]  }
0x39: {  	_ = 	snop;
	(pc) =	sbr.ind lr, $3  }
0x3a: {  	_ = 	snop  }
0x3b: {  	_ = 	snop  }
0x3c: {  	p2 =	seq.s32 s10, $0x1;
	s10 =	sld [smem:$0x3FB4]  }
0x3d: {  	_ =	shalt  }
0x3e: {  	_ =	shalt  }
0x3f: {  	_ =	shalt  }
0x40: {  	_ =	shalt  }
0x41: {  	_ =	shalt  }
0x42: {  	_ =	shalt  }
0x43: {  	_ =	shalt  }
0x44: {  	_ =	shalt  }
0x45: {  	_ =	shalt  }
0x46: {  	_ =	shalt  }
0x47: {  	_ =	shalt  }
0x48: {  	_ =	shalt  }
0x49: {  	_ =	shalt  }
0x4a: {  	_ =	shalt  }
0x4b: {  	_ =	shalt  }
0x4c: {  	_ =	shalt  }
0x4d: {  	_ =	shalt  }
0x4e: {  	_ =	shalt  }
0x4f: {  	_ =	shalt  }
0x50: {  	_ =	shalt  }
0x51: {  	_ =	shalt  }
0x52: {  	_ =	shalt  }
0x53: {  	_ =	shalt  }
0x54: {  	_ =	shalt  }
0x55: {  	_ =	shalt  }
0x56: {  	_ =	shalt  }
0x57: {  	_ =	shalt  }
0x58: {  	_ =	shalt  }
0x59: {  	_ =	shalt  }
0x5a: {  	_ =	shalt  }
0x5b: {  	_ =	shalt  }
0x5c: {  	_ =	shalt  }
0x5d: {  	_ =	shalt  }
0x5e: {  	_ =	shalt  }
0x5f: {  	_ =	shalt  }
0x60: {  	_ =	shalt  }
0x61: {  	_ =	shalt  }
0x62: {  	_ =	shalt  }
0x63: {  	_ =	shalt  }
0x64: {  	_ =	shalt  }
0x65: {  	_ =	shalt  }
0x66: {  	_ =	shalt  }
0x67: {  	_ =	shalt  }
0x68: {  	_ =	shalt  }
0x69: {  	_ =	shalt  }
0x6a: {  	_ =	shalt  }
0x6b: {  	_ =	shalt  }
0x6c: {  	_ =	shalt  }
0x6d: {  	_ =	shalt  }
0x6e: {  	_ =	shalt  }
0x6f: {  	_ =	shalt  }
0x70: {  	_ =	shalt  }
0x71: {  	_ =	shalt  }
0x72: {  	_ =	shalt  }
0x73: {  	_ =	shalt  }
0x74: {  	_ =	shalt  }
0x75: {  	_ =	shalt  }
0x76: {  	_ =	shalt  }
0x77: {  	_ =	shalt  }
0x78: {  	_ =	shalt  }
0x79: {  	_ =	shalt  }
0x7a: {  	_ =	shalt  }
0x7b: {  	_ =	shalt  }
0x7c: {  	_ =	shalt  }
0x7d: {  	_ =	shalt  }
0x7e: {  	_ =	shalt  }
0x7f: {  	_ =	shalt  }
0x80: {  	_ =	shalt  }
0x81: {  	_ =	shalt  }
0x82: {  	_ =	shalt  }
0x83: {  	_ =	shalt  }
0x84: {  	_ =	shalt  }
0x85: {  	_ =	shalt  }
0x86: {  	_ =	shalt  }
0x87: {  	_ =	shalt  }
.Lfunc_end0:
.L_simem_size_0:
called_computation.3_lowered:
.L_overlay_start_0:
0x88: {  	s2 =	sld [smem:$0x3FD9]  }
0x89: {  	s3 =	sld [smem:$0x3FFE];
	_ =	sdelay $0x1  }
0x8a: {  	s1 =	srdreg.scid  }
0x8b: {  	s0 =	sand.u32 $0x1, s1  }
0x8c: {  	s17 =	sshll.u32 s0, $0xA;
	s2 =	sadd.s32 s3, s2  }
0x8d: {  	s2 =	sadd.s32 s2, s17  }
0x8e: {  	[smem:$0x3FC0] =	sst s2  }
0x8f: {  	_ = 	snop  }
0x90: {  	s2 =	sld [smem:$0x3FD0];
	(tm) =	ssettm $0x1  }
0x91: {  	s18 =	sld [smem:$0x3FFB];
	_ =	sdelay $0x3  }
0x92: {  	_ =	strace s18  }
0x93: {  	s3 =	sld [smem:$0x3FFC];
	_ =	sdelay $0x3  }
0x94: {  	_ =	strace s3  }
0x95: {  	s3 =	sld [smem:$0x3FFD];
	_ =	sdelay $0x3  }
0x96: {  	_ =	strace s3  }
0x97: {  	_ =	strace $0x8FFFFFFF  }
0x98: {  	s19 =	sld [smem:$0x3FDB];
	_ =	sdelay $0x1  }
0x99: {  	s4 =	simm.s32 $_scs_section_size  }
0x9a: {  	s5 =	simm.s32 $_size__tile_overlayer_lowered;
	s6 =	simm.s32 $_tile_overlayer_lowered  }
0x9b: {  	s22 =	simm.s32 $0x1BFF;
	s21 =	sshll.u32 s6, $0x1;
	s3 =	sadd.s32 s4, s19  }
0x9c: {  	s7 =	simm.s32 $0x0;
	s20 =	sshll.u32 s5, $0x1;
	s5 =	sadd.s32 s21, s3  }
0x9d: {  	[timem:s7], [sflag:s22] =	dma.local [hbm:s5], s20  }
0x9e: {  	_ =	swait.ge [sflag:s22], s20  }
0x9f: {  	s4 =	ssub.s32 $0x0, s20;
	[sflag:s22] =	ssyncset.done $0x0  }
0xa0: {  	[sflag:s22] =	ssyncadd.s32 s4;
	_ =	sdelay $0x1  }
0xa1: {  	s23 =	simm.s32 $0x1B8B  }
0xa2: {  	_ =	swait.ge [sflag:s23], $0x1  }
0xa3: {  	[sflag:s23] =	ssyncset.done $0x0  }
0xa4: {  	s25 =	simm.s32 $0x1B8E;
	s24 =	sld [smem:$0x3FFE];
	[sflag:s23] =	ssyncadd.s32 $0xFFFFFFFF  }
0xa5: {  	s26 =	simm.s32 $execute0_lowered;
	[smem:$0x3FD2] =	sst s25  }
0xa6: {  	s5 =	sshll.u32 s26, $0x1;
	_ =	strace $0x8000004F;
	[dreg:$0x1] =	wrdreg $0xFFFFFFFF  }
0xa7: {  	s28 =	simm.s32 $_size_execute0_lowered;
	s3 =	sadd.s32 s3, s5;
	[dreg:$0x0] =	wrdreg $0x0  }
0xa8: {  	s5 =	sshll.u32 s28, $0x1;
	[dreg:$0x2] =	wrdreg s3  }
0xa9: {  	[dreg:$0x3] =	wrdreg s5  }
0xaa: {  	[dreg:$0x4] =	wrdreg $0xC0  }
0xab: {  	_ =	task [dreg:s7], $0x5FFFF  }
0xac: {  	[dreg:$0x1] =	wrdreg $0xFFFFFFFF  }
0xad: {  	[dreg:$0x0] =	wrdreg $0x60  }
0xae: {  	[dreg:$0x2] =	wrdreg s24  }
0xaf: {  	[dreg:$0x3] =	wrdreg s2  }
0xb0: {  	[dreg:$0x4] =	wrdreg $0xC3800  }
0xb1: {  	[dreg:$0x5] =	wrdreg $0x9  }
0xb2: {  	_ =	task.clear_ibuf [dreg:s7], $0x6FFFF;
	_ =	strace $0x9000004F  }
0xb3: {  	s29 =	simm.s32 $0x9;
	_ =	strace $0x80000051  }
0xb4: {  	_ =	swait.ge [sflag:s29], $0x1  }
0xb5: {  	[sflag:s29] =	ssyncadd.s32 $0xFFFFFFFF  }
0xb6: {  	_ =	strace $0x90000051  }
0xb7: {  	_ =	sfence  }
0xb8: {  	s30 =	sld [smem:$0x0];
	_ =	sdelay $0x2  }
0xb9: {  	s31 =	sshll.u32 s1, $0xD;
	s1 =	sshrl.u32 s1, $0x2  }
0xba: {  	s3 =	sand.u32 $0x4000, s31;
	s1 =	sadd.s32 s1, s30  }
0xbb: {  	s0 =	sor.u32 s3, s0;
	s1 =	sshll.u32 s1, $0x11  }
0xbc: {  	s0 =	sor.u32 s1, s0  }
0xbd: {  	s0 =	sadd.s32 $0x8F2B, s0  }
0xbe: {  	[sflag:s0] =	ssyncadd.remote.s32 $0x1  }
0xbf: {  	_ =	sfence.sel $0xFFFF  }
0xc0: {  	[dreg:$0x0] =	wrdreg $0xFFFFFFFF;
	(pc) =	sbr.abs _section_cstart, $3  }
0xc1: {  	[dreg:$0x1] =	wrdreg $0xFFFFFFFF  }
0xc2: {  	_ =	task.clear_ibuf [dreg:s7], $0x2FFFF;
	_ =	strace $0x9FFFFFFF  }
0xc3: {  	(tm) =	ssettm $0x7FFFFFFF  }
tec
execute0_lowered:
.L_overlay_start_1:
0x0: {  	(tag) =	ssettag $0x1  }
0x1: {  	s0 =	rddreg [dreg:$0x0]  }
0x2: {  	s1 =	rddreg [dreg:$0x1]  }
0x3: {  	s2 =	rddreg [dreg:$0x2]  }
0x4: {  	s3 =	simm.s32 $0x0;
	s4 =	srdreg.scid;
	s11 =	stileid.u32  }
0x5: {  	s28 =	simm.s32 $0x1;
	s29 =	simm.s32 $0x4300;
	s30 =	simm.s32 $0x100  }
0x6: {  	s31 =	simm.s32 $0x280;
	s13 =	simm.s32 $0x0;
	[smem:$0x7FF] =	sst s3  }
0x7: {  	s5 =	sand.u32 $0x1, s4;
	s4 =	sadd.s32 $0xE200, s0;
	s6 =	sadd.s32 $0x4400, s0  }
0x8: {  	s12 =	sadd.s32 $0x5C600, s0;
	s8 =	smul.u32 $0x270, s11;
	s9 =	sshll.u32 s11, $0x1  }
0x9: {  	s19 =	smul.u32 $0x4E20, s11;
	p0 =	sne.s32 s11, $0x0;
	_ =	strace $0x80000050  }
0xa: {  	s7 =	smul.u32 $0x27100, s5;
	s16 =	ssub.s32 $0x2, s5;
	s9 =	sor.u32 s5, s9  }
0xb: {  	[dreg:$0x4] =	wrdreg s12;
	s5 =	smul.u32 $0x2710, s5;
	s10 =	sshrl.u32 s16, $0x1  }
0xc: {  	s8 =	sadd.s32 $0x10, s8;
	s9 =	smul.u32 $0x2710, s9;
	s0 =	sadd.s32 s7, s0  }
0xd: {  	s7 =	ssub.s32 s16, s10;
	s17 =	sshll.u32 s8, $0x7;
	s18 =	sshll.u32 s8, $0x4  }
0xe: {  	s5 =	sadd.s32 s5, s19;
	s8 =	simm.s32 $0x3;
	s10 =	sadd.s32 s17, s2  }
0xf: {  	[dreg:$0x6] =	wrdreg s18;
	s9 =	sshrl.u32 s9, $0x3;
	s15 =	sadd.s32 $0x83800, s0  }
0x10: {  	s23 =	smax.u32 s7, $0x1;
	s24 =	sadd.s32 $0x100, s5;
	s25 =	sadd.s32 $0x180, s5  }
0x11: {  	s5 =	sadd.s32 $0x80, s5;
	s7 =	simm.s32 $0x4;
	[dreg:$0x5] =	wrdreg s10  }
0x12: {  	s10 =	sadd.s32 s12, s18;
	s20 =	sadd.s32 s1, s9;
	[dreg:$0xc] =	wrdreg s23  }
0x13: {  	s21 =	sadd.s32 s6, s9;
	s9 =	sadd.s32 $0x4E0, s9;
	[dreg:$0xd] =	wrdreg s25  }
0x14: {  	s0 =	sshrl.u32 s24, $0x3;
	s26 =	sshrl.u32 s5, $0x3;
	s23 =	simm.s32 $0x180  }
0x15: {  	s24 =	simm.s32 $0x80;
	s25 =	simm.s32 $0x300;
	[dreg:$0x7] =	wrdreg s10  }
.Ltmp0:
0x16: {  	s5 =	simm.s32 $0x8300;
	[dreg:$0x8] =	wrdreg s20;
	(pc) =	sbr.rel .LBB2_1-.Ltmp0, $4  }
0x17: {  	[dreg:$0x9] =	wrdreg s21;
	s22 =	sadd.s32 s1, s9;
	s9 =	sadd.s32 s6, s9  }
0x18: {  	s18 =	sadd.s32 s0, s6;
	s19 =	sadd.s32 s0, s1;
	s20 =	sadd.s32 s26, s6  }
0x19: {  	s21 =	sadd.s32 s26, s1;
	s26 =	simm.s32 $0x200;
	[dreg:$0xa] =	wrdreg s22  }
0x1a: {  	s0 =	simm.s32 $0x2;
	[dreg:$0xb] =	wrdreg s9;
	s22 =	simm.s32 $0x7  }
.LBB2_4:
0x1b: {  	_ =	swait.ge [sflag:s8], $0x4000  }
0x1c: {  	[sflag:s8] =	ssyncset.done $0x0  }
0x1d: {  	s9 =	simm.s32 $0x5;
	[sflag:s8] =	ssyncadd.s32 $0xFFFFC000  }
0x1e: {  	[spmem:s2] =	stream.indirect.scatter.add.f32 [tilespmem:s5], [sflag:$0x6], $0x80, s31, s24, $0xb8;
	[tilespmem:$0x1FC00] =	vst v63  }
0x1f: {  	_ =	swait.ge [sflag:s9], $0x4000  }
0x20: {  	[sflag:s9] =	ssyncset.done $0x0  }
0x21: {  	s12 =	simm.s32 $0x6;
	[sflag:s9] =	ssyncadd.s32 $0xFFFFC000  }
0x22: {  	_ =	swait.ge [sflag:s12], $0x4000  }
0x23: {  	[sflag:s12] =	ssyncset.done $0x0  }
0x24: {  	s10 =	rddreg [dreg:$0xa];
	[sflag:s12] =	ssyncadd.s32 $0xFFFFC000  }
0x25: {  	[tilespmem:s3], [sflag:$0x7] =	stream.linear.gather [hbm4b:s10+s3], $0x10, $0x38;
	[tilespmem:$0x1FC00] =	vst v63  }
0x26: {  	_ =	swait.ge [sflag:s22], $0x10  }
0x27: {  	[sflag:s22] =	ssyncset.done $0x0  }
0x28: {  	s10 =	simm.s32 $0xC300;
	s11 =	rddreg [dreg:$0xb];
	[sflag:s22] =	ssyncadd.s32 $0xFFFFFFF0  }
0x29: {  	[tilespmem:s10], [sflag:$0x7] =	stream.linear.gather [hbm4b:s11+s3], $0x10, $0x38;
	[tilespmem:$0x1FC00] =	vst v63  }
0x2a: {  	_ =	swait.ge [sflag:s22], $0x10  }
0x2b: {  	[sflag:s22] =	ssyncset.done $0x0  }
0x2c: {  	s12 =	simm.s32 $0x10;
	[sflag:s22] =	ssyncadd.s32 $0xFFFFFFF0  }
0x2d: {  	[tilespmem:s25], [sflag:$0x1] =	stream.indirect.gather [hbm4b:s4+s12], $0x80, s3, s12, $0xb8;
	[tilespmem:$0x1FC00] =	vst v63  }
0x2e: {  	_ =	swait.ge [sflag:s28], $0x800  }
0x2f: {  	[sflag:s28] =	ssyncset.done $0x0  }
0x30: {  	[sflag:s28] =	ssyncadd.s32 $0xFFFFF800  }
0x31: {  	[spmem:s2] =	stream.indirect.scatter.add.f32 [tilespmem:s25], [sflag:$0x7], $0x80, s10, s12, $0xb8;
	[tilespmem:$0x1FC00] =	vst v63  }
0x32: {  	_ =	swait.ge [sflag:s22], $0x800  }
0x33: {  	[sflag:s22] =	ssyncset.done $0x0  }
0x34: {  	[sflag:s22] =	ssyncadd.s32 $0xFFFFF800  }
0x35: {  	[bflag:$0x0] =	sbarrier.arrive $0xFFFF  }
0x36: {  	s9 =	rddreg [dreg:$0x6]  }
0x37: {  	s9 =	sadd.s32 @p0 s9, s15  }
0x38: {  	[hbm:s9], [sflag:s14] =	dma.local @p0 [spmem:s16], $0x2700  }
0x39: {  	s9 =	simm.s32 @p0 $0x7  }
0x3a: {  	_ =	swait.ge @p0 [sflag:s9], $0x2700  }
0x3b: {  	[sflag:s9] =	ssyncset.done @p0 $0x0  }
0x3c: {  	[sflag:s9] =	ssyncadd.s32 @p0 $0xFFFFD900;
	s9 =	simm.s32 @!p0 $0x1C07  }
0x3d: {  	[hbm:s15], [sflag:s9] =	dma.local @!p0 [spmem:s17], $0x2800  }
0x3e: {  	s9 =	simm.s32 @!p0 $0x7  }
0x3f: {  	_ =	swait.ge @!p0 [sflag:s9], $0x2800  }
0x40: {  	s13 =	sadd.s32 $0x1, s13;
	s17 =	rddreg [dreg:$0xc]  }
0x41: {  	p1 =	sne.s32 s13, s17  }
.Ltmp1:
0x42: {  	_ = 	snop;
	(pc) =	sbr.rel @!p1 .LBB2_5-.Ltmp1, $3  }
0x43: {  	_ =	sdelay $0x1  }
0x44: {  	[sflag:s9] =	ssyncset.done @!p0 $0x0  }
0x45: {  	[sflag:s9] =	ssyncadd.s32 @!p0 $0xFFFFD800  }
.LBB2_1:
0x46: {  	s9 =	stileid.u32  }
0x47: {  	s9 =	sshll.u32 @p0 s9, $0x6  }
0x48: {  	s14 =	sor.u32 @p0 $0x1C07, s9;
	s9 =	rddreg [dreg:$0x5]  }
0x49: {  	s16 =	sshrl.u32 @p0 s9, $0x3;
	s9 =	rddreg [dreg:$0x7]  }
0x4a: {  	[spmem:s16], [sflag:s14] =	dma.local @p0 [hbm:s9], $0x2700  }
0x4b: {  	s9 =	simm.s32 @p0 $0x7  }
0x4c: {  	_ =	swait.ge @p0 [sflag:s9], $0x2700  }
0x4d: {  	s17 =	sshrl.u32 @!p0 s2, $0x3;
	[sflag:s9] =	ssyncset.done @p0 $0x0  }
0x4e: {  	s10 =	rddreg [dreg:$0x4];
	[sflag:s9] =	ssyncadd.s32 @p0 $0xFFFFD900;
	s9 =	simm.s32 @!p0 $0x1C07  }
0x4f: {  	[spmem:s17], [sflag:s9] =	dma.local @!p0 [hbm:s10], $0x2800  }
0x50: {  	s9 =	simm.s32 @!p0 $0x7  }
0x51: {  	_ =	swait.ge @!p0 [sflag:s9], $0x2800  }
0x52: {  	[sflag:s9] =	ssyncset.done @!p0 $0x0  }
0x53: {  	[sflag:s9] =	ssyncadd.s32 @!p0 $0xFFFFD800  }
0x54: {  	[bflag:$0x0] =	sbarrier.arrive $0xFFFF  }
0x55: {  	s11 =	rddreg [dreg:$0x8]  }
0x56: {  	[tilespmem:s3], [sflag:$0x7] =	stream.linear.gather [hbm4b:s11+s3], $0x80, $0x38;
	[tilespmem:$0x1FC00] =	vst v63  }
0x57: {  	_ =	swait.ge [sflag:s22], $0x80  }
0x58: {  	[sflag:s22] =	ssyncset.done $0x0  }
0x59: {  	s12 =	rddreg [dreg:$0x9];
	[sflag:s22] =	ssyncadd.s32 $0xFFFFFF80  }
0x5a: {  	[tilespmem:s23], [sflag:$0x7] =	stream.linear.gather [hbm4b:s12+s3], $0x80, $0x38;
	[tilespmem:$0x1FC00] =	vst v63  }
0x5b: {  	_ =	swait.ge [sflag:s22], $0x80  }
0x5c: {  	[sflag:s22] =	ssyncset.done $0x0  }
0x5d: {  	s12 =	simm.s32 $0x0;
	s9 =	rddreg [dreg:$0xd];
	[sflag:s22] =	ssyncadd.s32 $0xFFFFFF80  }
0x5e: {  	[tilespmem:s25], [sflag:$0x1] =	stream.indirect.gather [hbm4b:s4+s24], $0x80, s3, s24, $0xb8;
	[tilespmem:$0x1FC00] =	vst v63  }
.LBB2_2:
0x5f: {  	p1 =	seq.s32 s12, $0x0  }
0x60: {  	s10 =	simm.s32 @!p1 $0x5  }
0x61: {  	_ =	swait.ge @!p1 [sflag:s10], $0x4000  }
0x62: {  	[sflag:s10] =	ssyncset.done @!p1 $0x0  }
0x63: {  	s11 =	sadd.s32 s12, s21;
	[sflag:s10] =	ssyncadd.s32 @!p1 $0xFFFFC000  }
0x64: {  	[tilespmem:s24], [sflag:$0x7] =	stream.linear.gather [hbm4b:s11+s3], $0x80, $0x38;
	[tilespmem:$0x1FC00] =	vst v63  }
0x65: {  	_ =	swait.ge [sflag:s22], $0x80  }
0x66: {  	[sflag:s22] =	ssyncset.done $0x0  }
0x67: {  	s11 =	sadd.s32 s12, s20;
	[sflag:s22] =	ssyncadd.s32 $0xFFFFFF80  }
0x68: {  	[tilespmem:s26], [sflag:$0x7] =	stream.linear.gather [hbm4b:s11+s3], $0x80, $0x38;
	[tilespmem:$0x1FC00] =	vst v63  }
0x69: {  	_ =	swait.ge [sflag:s22], $0x80  }
0x6a: {  	[sflag:s22] =	ssyncset.done $0x0  }
0x6b: {  	[sflag:s22] =	ssyncadd.s32 $0xFFFFFF80  }
0x6c: {  	_ =	swait.ge [sflag:s28], $0x4000  }
0x6d: {  	[sflag:s28] =	ssyncset.done $0x0  }
0x6e: {  	[sflag:s28] =	ssyncadd.s32 $0xFFFFC000  }
0x6f: {  	[tilespmem:s29], [sflag:$0x2] =	stream.indirect.gather [hbm4b:s4+s24], $0x80, s24, s24, $0xb8;
	[tilespmem:$0x1FC00] =	vst v63  }
0x70: {  	s10 =	simm.s32 @!p1 $0x6  }
0x71: {  	[spmem:s2] =	stream.indirect.scatter.add.f32 [tilespmem:s25], [sflag:$0x4], $0x80, s23, s24, $0xb8;
	[tilespmem:$0x1FC00] =	vst v63  }
0x72: {  	_ =	swait.ge @!p1 [sflag:s10], $0x4000  }
0x73: {  	[sflag:s10] =	ssyncset.done @!p1 $0x0  }
0x74: {  	s11 =	sadd.s32 s12, s19;
	[sflag:s10] =	ssyncadd.s32 @!p1 $0xFFFFC000  }
0x75: {  	[tilespmem:s30], [sflag:$0x7] =	stream.linear.gather [hbm4b:s11+s3], $0x80, $0x38;
	[tilespmem:$0x1FC00] =	vst v63  }
0x76: {  	_ =	swait.ge [sflag:s22], $0x80  }
0x77: {  	[sflag:s22] =	ssyncset.done $0x0  }
0x78: {  	s11 =	sadd.s32 s12, s18;
	[sflag:s22] =	ssyncadd.s32 $0xFFFFFF80  }
0x79: {  	[tilespmem:s31], [sflag:$0x7] =	stream.linear.gather [hbm4b:s11+s3], $0x80, $0x38;
	[tilespmem:$0x1FC00] =	vst v63  }
0x7a: {  	_ =	swait.ge [sflag:s22], $0x80  }
0x7b: {  	[sflag:s22] =	ssyncset.done $0x0  }
0x7c: {  	[sflag:s22] =	ssyncadd.s32 $0xFFFFFF80  }
0x7d: {  	_ =	swait.ge [sflag:s0], $0x4000  }
0x7e: {  	[sflag:s0] =	ssyncset.done $0x0  }
0x7f: {  	p1 =	seq.s32 s12, $0x4B0;
	[sflag:s0] =	ssyncadd.s32 $0xFFFFC000  }
0x80: {  	[tilespmem:s5], [sflag:$0x3] =	stream.indirect.gather [hbm4b:s4+s24], $0x80, s30, s24, $0xb8;
	[tilespmem:$0x1FC00] =	vst v63  }
.Ltmp2:
0x81: {  	_ = 	snop;
	(pc) =	sbr.rel @p1 .LBB2_4-.Ltmp2, $4  }
0x82: {  	[spmem:s2] =	stream.indirect.scatter.add.f32 [tilespmem:s29], [sflag:$0x5], $0x80, s26, s24, $0xb8;
	[tilespmem:$0x1FC00] =	vst v63  }
0x83: {  	_ =	swait.ge [sflag:s7], $0x4000  }
0x84: {  	[sflag:s7] =	ssyncset.done $0x0  }
0x85: {  	[sflag:s7] =	ssyncadd.s32 $0xFFFFC000  }
0x86: {  	s10 =	sshrl.u32 s9, $0x3  }
0x87: {  	s11 =	sadd.s32 s1, s10  }
0x88: {  	[tilespmem:s3], [sflag:$0x7] =	stream.linear.gather [hbm4b:s11+s3], $0x80, $0x38;
	[tilespmem:$0x1FC00] =	vst v63  }
0x89: {  	_ =	swait.ge [sflag:s22], $0x80  }
0x8a: {  	[sflag:s22] =	ssyncset.done $0x0  }
0x8b: {  	s10 =	sadd.s32 s6, s10;
	[sflag:s22] =	ssyncadd.s32 $0xFFFFFF80  }
0x8c: {  	[tilespmem:s23], [sflag:$0x7] =	stream.linear.gather [hbm4b:s10+s3], $0x80, $0x38;
	[tilespmem:$0x1FC00] =	vst v63  }
0x8d: {  	_ =	swait.ge [sflag:s22], $0x80  }
0x8e: {  	[sflag:s22] =	ssyncset.done $0x0  }
0x8f: {  	[sflag:s22] =	ssyncadd.s32 $0xFFFFFF80  }
0x90: {  	_ =	swait.ge [sflag:s8], $0x4000  }
.Ltmp3:
0x91: {  	[sflag:s8] =	ssyncset.done $0x0;
	(pc) =	sbr.rel .LBB2_2-.Ltmp3, $4  }
0x92: {  	[sflag:s8] =	ssyncadd.s32 $0xFFFFC000  }
0x93: {  	[tilespmem:s25], [sflag:$0x1] =	stream.indirect.gather [hbm4b:s4+s24], $0x80, s3, s24, $0xb8;
	[tilespmem:$0x1FC00] =	vst v63  }
0x94: {  	s12 =	sadd.s32 $0x30, s12;
	s9 =	sadd.s32 $0x180, s9  }
0x95: {  	[spmem:s2] =	stream.indirect.scatter.add.f32 [tilespmem:s5], [sflag:$0x6], $0x80, s31, s24, $0xb8;
	[tilespmem:$0x1FC00] =	vst v63  }
.LBB2_5:
0x96: {  	_ =	sfence.sel $0x180000  }
0x97: {  	[bflag:$0x0] =	sbarrier.arrive $0xFFFF  }
0x98: {  	_ =	strace $0x90000050  }
0x99: {  	[bflag:$0x2] =	sbarrier.arrive $0xFFFF  }
0x9a: {  	s0 =	rddreg [dreg:$0x3]  }
0x9b: {  	s0 =	sadd.s32 @!p0 $0x100000, s0  }
0x9c: {  	[sflag:s0] =	ssyncadd.tile.s32 @!p0 $0x1;
	_ =	shalt  }
.Lfunc_end2:
_tile_overlayer_lowered:
.L_overlay_start_2:
0x9d: {  	(tag) =	ssettag $0x2  }
0x9e: {  	s0 =	rddreg [dreg:$0x0];
	s2 =	stileid.u32  }
0x9f: {  	s1 =	rddreg [dreg:$0x1];
	p0 =	sne.s32 s2, $0x0  }
0xa0: {  	s3 =	rddreg [dreg:$0x2];
	[bflag:$0x3] =	sbarrier.arrive $0xFFFF;
	s2 =	simm.s32 @!p0 $0x1C07  }
0xa1: {  	[timem:s3], [sflag:s2] =	dma.local @!p0 [hbm:s0], s1  }
0xa2: {  	s0 =	simm.s32 @!p0 $0x7  }
0xa3: {  	_ =	swait.ge @!p0 [sflag:s0], s1  }
0xa4: {  	s1 =	ssub.s32 @!p0 $0x0, s1;
	[sflag:s0] =	ssyncset.done @!p0 $0x0  }
0xa5: {  	[sflag:s0] =	ssyncadd.s32 @!p0 s1  }
0xa6: {  	[bflag:$0x3] =	sbarrier.arrive $0xFFFF  }
0xa7: {  	_ =	shalt  }

</sc_bundles>
